<compile_context>
chip_gen: v7x
topology: tpu7x:2x2x1
jax: 0.10.2.dev20260603
libtpu: 0.0.44.dev20260713+nightly
codegen_flags: <defaults>
</compile_context>

<pallas_src>
import functools

import jax
import jax.numpy as jnp
from jax import lax
from jax.experimental import pallas as pl
from jax.experimental.pallas import tpu as pltpu, tpu_sc as plsc

BATCH = 16384
EMBED = 32
_NC = 2
_NS = 16
_NW = _NC * _NS
_BPW = BATCH // _NW
_CHUNK = 64
_NCHUNK = _BPW // _CHUNK
_GPC = _CHUNK // 16


def _body(crow_hbm, arow_hbm, ctab_hbm, atab_hbm,
          out_hbm, cidx_v, aidx_v, crows_v, arows_v, cb_v, ab_v, out_v, sems):
    wid = lax.axis_index("s") * _NC + lax.axis_index("c")
    base = wid * _BPW

    pltpu.sync_copy(crow_hbm.at[pl.ds(base, _BPW)], cidx_v)
    pltpu.sync_copy(arow_hbm.at[pl.ds(base, _BPW)], aidx_v)

    iota = lax.broadcasted_iota(jnp.int32, (16,), 0)

    def fire_chunk(k, p):
        sem = sems.at[p]

        def fire16(f, carry):
            off = k * _CHUNK + f * 16
            vc = cidx_v[pl.ds(off, 16)]
            va = aidx_v[pl.ds(off, 16)]
            for j in range(16):
                r = vc[j]
                s = va[j]
                i = f * 16 + j
                pltpu.async_copy(ctab_hbm.at[pl.ds(r, 1), :],
                                 crows_v.at[p, pl.ds(i, 1), :], sem)
                pltpu.async_copy(atab_hbm.at[pl.ds(s, 1), :],
                                 arows_v.at[p, pl.ds(i, 1), :], sem)
                pass
            return carry

        lax.fori_loop(0, _GPC, fire16, None)

    def wait_chunk(p):
        sem = sems.at[p]
        rows_src = ctab_hbm.at[pl.ds(0, _CHUNK), :]
        pltpu.make_async_copy(rows_src, crows_v.at[0], sem).wait()
        pltpu.make_async_copy(rows_src, arows_v.at[0], sem).wait()

    def compute_chunk(k, p):
        pv = iota * 0 + p
        zerov = iota * 0

        def group(g, carry):
            rowv = iota + g * 16
            acc = jnp.zeros((16,), jnp.float32)
            for j in range(EMBED):
                colv = iota * 0 + j
                cv = plsc.load_gather(crows_v, [pv, rowv, colv])
                av = plsc.load_gather(arows_v, [pv, rowv, colv])
                acc = acc + cv * av
            out_v[pl.ds(k * _CHUNK + g * 16, 16)] = 1.0 / (1.0 + jnp.exp(-acc))
            return carry

        lax.fori_loop(0, _GPC, group, None)

    fire_chunk(0, 0)

    def chunk_body(k, carry):
        p = k % 2

        @pl.when(k + 1 < _NCHUNK)
        def _():
            fire_chunk(k + 1, (k + 1) % 2)

        wait_chunk(p)
        compute_chunk(k, p)
        return carry

    lax.fori_loop(0, _NCHUNK, chunk_body, None)

    pltpu.sync_copy(out_v, out_hbm.at[pl.ds(base, _BPW)])


@jax.jit
def _hm_model(crow, arow, ctab, atab, cbias, abias):
    mesh = plsc.VectorSubcoreMesh(core_axis_name="c", subcore_axis_name="s")
    kfn = functools.partial(
        pl.kernel,
        mesh=mesh,
        compiler_params=pltpu.CompilerParams(needs_layout_passes=False),
        out_type=jax.ShapeDtypeStruct((BATCH,), jnp.float32),
        scratch_types=[
            pltpu.VMEM((_BPW,), jnp.int32),
            pltpu.VMEM((_BPW,), jnp.int32),
            pltpu.VMEM((2, _CHUNK, EMBED), jnp.float32),
            pltpu.VMEM((2, _CHUNK, EMBED), jnp.float32),
            pltpu.VMEM((2, _CHUNK, 1, 1), jnp.float32),
            pltpu.VMEM((2, _CHUNK, 1, 1), jnp.float32),
            pltpu.VMEM((_BPW,), jnp.float32),
            pltpu.SemaphoreType.DMA((2,)),
        ],
    )(_body)
    return kfn(crow, arow, ctab, atab)


def kernel(customer_row, article_row, customer_table, article_table,
           customer_bias, article_bias):
    cb3 = customer_bias.reshape(-1, 8, 1)
    ab3 = article_bias.reshape(-1, 8, 1)
    out = _hm_model(customer_row.astype(jnp.int32), article_row.astype(jnp.int32),
                    customer_table, article_table, cb3, ab3)
    return out.reshape(BATCH, 1)

# --- scband reference (transcript-rebuilt; emitter-appended) ---
"""Pipeline reference for scband-hm-model-42623255446117 (READ-ONLY COPY).

The authoritative reference and input builder live on the scoring server;
editing this copy changes nothing except your own understanding.
"""

import jax, jax.numpy as jnp
import numpy as np

NUM_CUSTOMER = 1000000
NUM_ARTICLES = 100000
EMBED = 32
BATCH = 16384

def setup_inputs(seed: int = 0) -> dict:
    key = jax.random.key(seed)
    k1, k2, k3, k4, k5, k6 = jax.random.split(key, 6)
    customer_row = jax.random.randint(k1, (BATCH,), 0, NUM_CUSTOMER, dtype=jnp.int64 if jax.config.jax_enable_x64 else jnp.int32)
    article_row = jax.random.randint(k2, (BATCH,), 0, NUM_ARTICLES, dtype=jnp.int64 if jax.config.jax_enable_x64 else jnp.int32)
    customer_table = jax.random.normal(k3, (NUM_CUSTOMER, EMBED), dtype=jnp.float32)
    article_table = jax.random.normal(k4, (NUM_ARTICLES, EMBED), dtype=jnp.float32)
    customer_bias = jax.random.normal(k5, (NUM_CUSTOMER, 1), dtype=jnp.float32)
    article_bias = jax.random.normal(k6, (NUM_ARTICLES, 1), dtype=jnp.float32)
    return {
        "customer_row": customer_row,
        "article_row": article_row,
        "customer_table": customer_table,
        "article_table": article_table,
        "customer_bias": customer_bias,
        "article_bias": article_bias,
    }

def reference(customer_row, article_row, customer_table, article_table, customer_bias, article_bias):
    customer_embed = jnp.take(customer_table, customer_row, axis=0)
    art_embed = jnp.take(article_table, article_row, axis=0)
    dot_prod = jnp.sum(customer_embed * art_embed, axis=1, keepdims=True)
    dot_prod = dot_prod + jnp.take(customer_bias, customer_row, axis=0) + jnp.take(article_bias, article_row, axis=0)
    return jax.nn.sigmoid(dot_prod)

if __name__ == "__main__":
    import jax
    _d = setup_inputs()
    print(jax.jit(kernel)(*tuple(_d.values())))

</pallas_src>

<mosaic_0001>
#map = affine_map<(d0, d1) -> (0)>
#map1 = affine_map<(d0, d1) -> (0, 0)>
module attributes {stable_mosaic.version = 14 : i64} {
  func.func @_body(%arg0: i32, %arg1: i32, %arg2: memref<16384xi32, #tpu.memory_space<hbm>>, %arg3: memref<16384xi32, #tpu.memory_space<hbm>>, %arg4: memref<1000000x32xf32, #tpu.memory_space<hbm>>, %arg5: memref<100000x32xf32, #tpu.memory_space<hbm>>, %arg6: memref<16384xf32, #tpu.memory_space<hbm>>, %arg7: memref<512xi32, #tpu.memory_space<vmem>>, %arg8: memref<512xi32, #tpu.memory_space<vmem>>, %arg9: memref<2x64x32xf32, #tpu.memory_space<vmem>>, %arg10: memref<2x64x32xf32, #tpu.memory_space<vmem>>, %arg11: memref<2x64x1x1xf32, #tpu.memory_space<vmem>>, %arg12: memref<2x64x1x1xf32, #tpu.memory_space<vmem>>, %arg13: memref<512xf32, #tpu.memory_space<vmem>>, %arg14: memref<2x!tpu.dma_semaphore, #tpu.memory_space<semaphore_mem>>) attributes {dimension_semantics = [#tpu.dimension_semantics<core_parallel>, #tpu.dimension_semantics<subcore_parallel>], iteration_bounds = array<i64: 2, 16>, scalar_prefetch = 0 : i64, scratch_operands = 8 : i64, tpu.core_type = #tpu.core_type<sc_vector_subcore>, window_params = [{transform_indices = #map}, {transform_indices = #map}, {transform_indices = #map1}, {transform_indices = #map1}, {transform_indices = #map}]} {
    %mul3A = arith.constant 2 : i32
    %mul3A_0 = arith.muli %arg1, %mul3A : i32
    %add3A = arith.addi %mul3A_0, %arg0 : i32
    %mul3A_1 = arith.constant 512 : i32
    %mul3A_2 = arith.muli %add3A, %mul3A_1 : i32
    "tpu.region"() ({
      %run_scoped3A = tpu.sem_alloc : memref<!tpu.dma_semaphore, #tpu.memory_space<semaphore_mem>>
      %dma_start3A = tpu.memref_slice %arg2[%mul3A_2] : memref<16384xi32, #tpu.memory_space<hbm>> -> memref<512xi32, #tpu.memory_space<hbm>>
      %dma_start3A_13 = tpu.memref_slice %arg2[%mul3A_2] : memref<16384xi32, #tpu.memory_space<hbm>> -> memref<512xi32, #tpu.memory_space<hbm>>
      tpu.enqueue_dma source(%dma_start3A_13 : memref<512xi32, #tpu.memory_space<hbm>>) target(%arg7 : memref<512xi32, #tpu.memory_space<vmem>>) target_semaphore(%run_scoped3A : memref<!tpu.dma_semaphore, #tpu.memory_space<semaphore_mem>>)
      %dma_wait3A = tpu.memref_slice %arg2[%mul3A_2] : memref<16384xi32, #tpu.memory_space<hbm>> -> memref<512xi32, #tpu.memory_space<hbm>>
      %dma_wait3A_14 = tpu.memref_slice %arg2[%mul3A_2] : memref<16384xi32, #tpu.memory_space<hbm>> -> memref<512xi32, #tpu.memory_space<hbm>>
      tpu.wait_dma2 semaphore(%run_scoped3A : memref<!tpu.dma_semaphore, #tpu.memory_space<semaphore_mem>>) src(%dma_wait3A_14 : memref<512xi32, #tpu.memory_space<hbm>>) dst(%arg7 : memref<512xi32, #tpu.memory_space<vmem>>)
      tpu.yield
    }) : () -> ()
    "tpu.region"() ({
      %run_scoped3A = tpu.sem_alloc : memref<!tpu.dma_semaphore, #tpu.memory_space<semaphore_mem>>
      %dma_start3A = tpu.memref_slice %arg3[%mul3A_2] : memref<16384xi32, #tpu.memory_space<hbm>> -> memref<512xi32, #tpu.memory_space<hbm>>
      %dma_start3A_13 = tpu.memref_slice %arg3[%mul3A_2] : memref<16384xi32, #tpu.memory_space<hbm>> -> memref<512xi32, #tpu.memory_space<hbm>>
      tpu.enqueue_dma source(%dma_start3A_13 : memref<512xi32, #tpu.memory_space<hbm>>) target(%arg8 : memref<512xi32, #tpu.memory_space<vmem>>) target_semaphore(%run_scoped3A : memref<!tpu.dma_semaphore, #tpu.memory_space<semaphore_mem>>)
      %dma_wait3A = tpu.memref_slice %arg3[%mul3A_2] : memref<16384xi32, #tpu.memory_space<hbm>> -> memref<512xi32, #tpu.memory_space<hbm>>
      %dma_wait3A_14 = tpu.memref_slice %arg3[%mul3A_2] : memref<16384xi32, #tpu.memory_space<hbm>> -> memref<512xi32, #tpu.memory_space<hbm>>
      tpu.wait_dma2 semaphore(%run_scoped3A : memref<!tpu.dma_semaphore, #tpu.memory_space<semaphore_mem>>) src(%dma_wait3A_14 : memref<512xi32, #tpu.memory_space<hbm>>) dst(%arg8 : memref<512xi32, #tpu.memory_space<vmem>>)
      tpu.yield
    }) : () -> ()
    %iota3A = tpu.iota {dimensions = array<i32: 0>} : vector<16xi32>
    %scan3A = arith.constant 0 : i32
    %scan3A_3 = arith.constant 0 : i32
    %scan3A_4 = arith.constant 4 : i32
    %scan3A_5 = arith.addi %scan3A_3, %scan3A_4 : i32
    %scan3A_6 = arith.constant 1 : i32
    scf.for %scan3A_13 = %scan3A_3 to %scan3A_5 step %scan3A_6  : i32 {
      %mul3A_14 = arith.constant 16 : i32
      %mul3A_15 = arith.muli %scan3A_13, %mul3A_14 : i32
      %add3A_16 = arith.constant 0 : i32
      %add3A_17 = arith.addi %add3A_16, %mul3A_15 : i32
      %get3A = arith.index_cast %add3A_17 : i32 to index
      %get3A_18 = tpu.vector_load %arg7[%get3A] {strides = array<i32>} : memref<512xi32, #tpu.memory_space<vmem>>, vector<16xi32>,
      %get3A_19 = arith.index_cast %add3A_17 : i32 to index
      %get3A_20 = tpu.vector_load %arg8[%get3A_19] {strides = array<i32>} : memref<512xi32, #tpu.memory_space<vmem>>, vector<16xi32>,
      %slice3A = vector.extract_strided_slice %get3A_18 {offsets = [0], sizes = [1], strides = [1]} : vector<16xi32> to vector<1xi32>
      %squeeze3A = vector.extract %slice3A[0] : i32 from vector<1xi32>
      %slice3A_21 = vector.extract_strided_slice %get3A_20 {offsets = [0], sizes = [1], strides = [1]} : vector<16xi32> to vector<1xi32>
      %squeeze3A_22 = vector.extract %slice3A_21[0] : i32 from vector<1xi32>
      %mul3A_23 = arith.constant 16 : i32
      %mul3A_24 = arith.muli %scan3A_13, %mul3A_23 : i32
      %add3A_25 = arith.constant 0 : i32
      %add3A_26 = arith.addi %mul3A_24, %add3A_25 : i32
      %dma_start3A = arith.constant 0 : i32
      %dma_start3A_27 = arith.constant 0 : i32
      %dma_start3A_28 = tpu.memref_slice %arg9[%dma_start3A, %add3A_26, %dma_start3A_27] : memref<2x64x32xf32, #tpu.memory_space<vmem>> -> memref<1x1x32xf32, #tpu.memory_space<vmem>>
      %dma_start3A_29 = tpu.memref_squeeze %dma_start3A_28 : memref<1x1x32xf32, #tpu.memory_space<vmem>> -> memref<1x32xf32, #tpu.memory_space<vmem>>
      %dma_start3A_30 = arith.constant 0 : i32
      %dma_start3A_31 = tpu.memref_slice %arg4[%squeeze3A, %dma_start3A_30] : memref<1000000x32xf32, #tpu.memory_space<hbm>> -> memref<1x32xf32, #tpu.memory_space<hbm>>
      %dma_start3A_32 = tpu.memref_slice %arg14[%scan3A] : memref<2x!tpu.dma_semaphore, #tpu.memory_space<semaphore_mem>> -> memref<1x!tpu.dma_semaphore, #tpu.memory_space<semaphore_mem>>
      %dma_start3A_33 = tpu.memref_squeeze %dma_start3A_32 : memref<1x!tpu.dma_semaphore, #tpu.memory_space<semaphore_mem>> -> memref<!tpu.dma_semaphore, #tpu.memory_space<semaphore_mem>>
      %dma_start3A_34 = arith.constant 0 : i32
      %dma_start3A_35 = tpu.memref_slice %arg9[%dma_start3A, %add3A_26, %dma_start3A_34] : memref<2x64x32xf32, #tpu.memory_space<vmem>> -> memref<1x1x32xf32, #tpu.memory_space<vmem>>
      %dma_start3A_36 = tpu.memref_squeeze %dma_start3A_35 : memref<1x1x32xf32, #tpu.memory_space<vmem>> -> memref<1x32xf32, #tpu.memory_space<vmem>>
      %dma_start3A_37 = arith.constant 0 : i32
      %dma_start3A_38 = tpu.memref_slice %arg4[%squeeze3A, %dma_start3A_37] : memref<1000000x32xf32, #tpu.memory_space<hbm>> -> memref<1x32xf32, #tpu.memory_space<hbm>>
      tpu.enqueue_dma source(%dma_start3A_38 : memref<1x32xf32, #tpu.memory_space<hbm>>) target(%dma_start3A_36 : memref<1x32xf32, #tpu.memory_space<vmem>>) target_semaphore(%dma_start3A_33 : memref<!tpu.dma_semaphore, #tpu.memory_space<semaphore_mem>>)
      %dma_start3A_39 = arith.constant 0 : i32
      %dma_start3A_40 = arith.constant 0 : i32
      %dma_start3A_41 = tpu.memref_slice %arg10[%dma_start3A_39, %add3A_26, %dma_start3A_40] : memref<2x64x32xf32, #tpu.memory_space<vmem>> -> memref<1x1x32xf32, #tpu.memory_space<vmem>>
      %dma_start3A_42 = tpu.memref_squeeze %dma_start3A_41 : memref<1x1x32xf32, #tpu.memory_space<vmem>> -> memref<1x32xf32, #tpu.memory_space<vmem>>
      %dma_start3A_43 = arith.constant 0 : i32
      %dma_start3A_44 = tpu.memref_slice %arg5[%squeeze3A_22, %dma_start3A_43] : memref<100000x32xf32, #tpu.memory_space<hbm>> -> memref<1x32xf32, #tpu.memory_space<hbm>>
      %dma_start3A_45 = tpu.memref_slice %arg14[%scan3A] : memref<2x!tpu.dma_semaphore, #tpu.memory_space<semaphore_mem>> -> memref<1x!tpu.dma_semaphore, #tpu.memory_space<semaphore_mem>>
      %dma_start3A_46 = tpu.memref_squeeze %dma_start3A_45 : memref<1x!tpu.dma_semaphore, #tpu.memory_space<semaphore_mem>> -> memref<!tpu.dma_semaphore, #tpu.memory_space<semaphore_mem>>
      %dma_start3A_47 = arith.constant 0 : i32
      %dma_start3A_48 = tpu.memref_slice %arg10[%dma_start3A_39, %add3A_26, %dma_start3A_47] : memref<2x64x32xf32, #tpu.memory_space<vmem>> -> memref<1x1x32xf32, #tpu.memory_space<vmem>>
      %dma_start3A_49 = tpu.memref_squeeze %dma_start3A_48 : memref<1x1x32xf32, #tpu.memory_space<vmem>> -> memref<1x32xf32, #tpu.memory_space<vmem>>
      %dma_start3A_50 = arith.constant 0 : i32
      %dma_start3A_51 = tpu.memref_slice %arg5[%squeeze3A_22, %dma_start3A_50] : memref<100000x32xf32, #tpu.memory_space<hbm>> -> memref<1x32xf32, #tpu.memory_space<hbm>>
      tpu.enqueue_dma source(%dma_start3A_51 : memref<1x32xf32, #tpu.memory_space<hbm>>) target(%dma_start3A_49 : memref<1x32xf32, #tpu.memory_space<vmem>>) target_semaphore(%dma_start3A_46 : memref<!tpu.dma_semaphore, #tpu.memory_space<semaphore_mem>>)
      %slice3A_52 = vector.extract_strided_slice %get3A_18 {offsets = [1], sizes = [1], strides = [1]} : vector<16xi32> to vector<1xi32>
      %squeeze3A_53 = vector.extract %slice3A_52[0] : i32 from vector<1xi32>
      %slice3A_54 = vector.extract_strided_slice %get3A_20 {offsets = [1], sizes = [1], strides = [1]} : vector<16xi32> to vector<1xi32>
      %squeeze3A_55 = vector.extract %slice3A_54[0] : i32 from vector<1xi32>
      %mul3A_56 = arith.constant 16 : i32
      %mul3A_57 = arith.muli %scan3A_13, %mul3A_56 : i32
      %add3A_58 = arith.constant 1 : i32
      %add3A_59 = arith.addi %mul3A_57, %add3A_58 : i32
      %dma_start3A_60 = arith.constant 0 : i32
      %dma_start3A_61 = arith.constant 0 : i32
      %dma_start3A_62 = tpu.memref_slice %arg9[%dma_start3A_60, %add3A_59, %dma_start3A_61] : memref<2x64x32xf32, #tpu.memory_space<vmem>> -> memref<1x1x32xf32, #tpu.memory_space<vmem>>
      %dma_start3A_63 = tpu.memref_squeeze %dma_start3A_62 : memref<1x1x32xf32, #tpu.memory_space<vmem>> -> memref<1x32xf32, #tpu.memory_space<vmem>>
      %dma_start3A_64 = arith.constant 0 : i32
      %dma_start3A_65 = tpu.memref_slice %arg4[%squeeze3A_53, %dma_start3A_64] : memref<1000000x32xf32, #tpu.memory_space<hbm>> -> memref<1x32xf32, #tpu.memory_space<hbm>>
      %dma_start3A_66 = tpu.memref_slice %arg14[%scan3A] : memref<2x!tpu.dma_semaphore, #tpu.memory_space<semaphore_mem>> -> memref<1x!tpu.dma_semaphore, #tpu.memory_space<semaphore_mem>>
      %dma_start3A_67 = tpu.memref_squeeze %dma_start3A_66 : memref<1x!tpu.dma_semaphore, #tpu.memory_space<semaphore_mem>> -> memref<!tpu.dma_semaphore, #tpu.memory_space<semaphore_mem>>
      %dma_start3A_68 = arith.constant 0 : i32
      %dma_start3A_69 = tpu.memref_slice %arg9[%dma_start3A_60, %add3A_59, %dma_start3A_68] : memref<2x64x32xf32, #tpu.memory_space<vmem>> -> memref<1x1x32xf32, #tpu.memory_space<vmem>>
      %dma_start3A_70 = tpu.memref_squeeze %dma_start3A_69 : memref<1x1x32xf32, #tpu.memory_space<vmem>> -> memref<1x32xf32, #tpu.memory_space<vmem>>
      %dma_start3A_71 = arith.constant 0 : i32
      %dma_start3A_72 = tpu.memref_slice %arg4[%squeeze3A_53, %dma_start3A_71] : memref<1000000x32xf32, #tpu.memory_space<hbm>> -> memref<1x32xf32, #tpu.memory_space<hbm>>
      tpu.enqueue_dma source(%dma_start3A_72 : memref<1x32xf32, #tpu.memory_space<hbm>>) target(%dma_start3A_70 : memref<1x32xf32, #tpu.memory_space<vmem>>) target_semaphore(%dma_start3A_67 : memref<!tpu.dma_semaphore, #tpu.memory_space<semaphore_mem>>)
      %dma_start3A_73 = arith.constant 0 : i32
      %dma_start3A_74 = arith.constant 0 : i32
      %dma_start3A_75 = tpu.memref_slice %arg10[%dma_start3A_73, %add3A_59, %dma_start3A_74] : memref<2x64x32xf32, #tpu.memory_space<vmem>> -> memref<1x1x32xf32, #tpu.memory_space<vmem>>
      %dma_start3A_76 = tpu.memref_squeeze %dma_start3A_75 : memref<1x1x32xf32, #tpu.memory_space<vmem>> -> memref<1x32xf32, #tpu.memory_space<vmem>>
      %dma_start3A_77 = arith.constant 0 : i32
      %dma_start3A_78 = tpu.memref_slice %arg5[%squeeze3A_55, %dma_start3A_77] : memref<100000x32xf32, #tpu.memory_space<hbm>> -> memref<1x32xf32, #tpu.memory_space<hbm>>
      %dma_start3A_79 = tpu.memref_slice %arg14[%scan3A] : memref<2x!tpu.dma_semaphore, #tpu.memory_space<semaphore_mem>> -> memref<1x!tpu.dma_semaphore, #tpu.memory_space<semaphore_mem>>
      %dma_start3A_80 = tpu.memref_squeeze %dma_start3A_79 : memref<1x!tpu.dma_semaphore, #tpu.memory_space<semaphore_mem>> -> memref<!tpu.dma_semaphore, #tpu.memory_space<semaphore_mem>>
      %dma_start3A_81 = arith.constant 0 : i32
      %dma_start3A_82 = tpu.memref_slice %arg10[%dma_start3A_73, %add3A_59, %dma_start3A_81] : memref<2x64x32xf32, #tpu.memory_space<vmem>> -> memref<1x1x32xf32, #tpu.memory_space<vmem>>
      %dma_start3A_83 = tpu.memref_squeeze %dma_start3A_82 : memref<1x1x32xf32, #tpu.memory_space<vmem>> -> memref<1x32xf32, #tpu.memory_space<vmem>>
      %dma_start3A_84 = arith.constant 0 : i32
      %dma_start3A_85 = tpu.memref_slice %arg5[%squeeze3A_55, %dma_start3A_84] : memref<100000x32xf32, #tpu.memory_space<hbm>> -> memref<1x32xf32, #tpu.memory_space<hbm>>
      tpu.enqueue_dma source(%dma_start3A_85 : memref<1x32xf32, #tpu.memory_space<hbm>>) target(%dma_start3A_83 : memref<1x32xf32, #tpu.memory_space<vmem>>) target_semaphore(%dma_start3A_80 : memref<!tpu.dma_semaphore, #tpu.memory_space<semaphore_mem>>)
      %slice3A_86 = vector.extract_strided_slice %get3A_18 {offsets = [2], sizes = [1], strides = [1]} : vector<16xi32> to vector<1xi32>
      %squeeze3A_87 = vector.extract %slice3A_86[0] : i32 from vector<1xi32>
      %slice3A_88 = vector.extract_strided_slice %get3A_20 {offsets = [2], sizes = [1], strides = [1]} : vector<16xi32> to vector<1xi32>
      %squeeze3A_89 = vector.extract %slice3A_88[0] : i32 from vector<1xi32>
      %mul3A_90 = arith.constant 16 : i32
      %mul3A_91 = arith.muli %scan3A_13, %mul3A_90 : i32
      %add3A_92 = arith.constant 2 : i32
      %add3A_93 = arith.addi %mul3A_91, %add3A_92 : i32
      %dma_start3A_94 = arith.constant 0 : i32
      %dma_start3A_95 = arith.constant 0 : i32
      %dma_start3A_96 = tpu.memref_slice %arg9[%dma_start3A_94, %add3A_93, %dma_start3A_95] : memref<2x64x32xf32, #tpu.memory_space<vmem>> -> memref<1x1x32xf32, #tpu.memory_space<vmem>>
      %dma_start3A_97 = tpu.memref_squeeze %dma_start3A_96 : memref<1x1x32xf32, #tpu.memory_space<vmem>> -> memref<1x32xf32, #tpu.memory_space<vmem>>
      %dma_start3A_98 = arith.constant 0 : i32
      %dma_start3A_99 = tpu.memref_slice %arg4[%squeeze3A_87, %dma_start3A_98] : memref<1000000x32xf32, #tpu.memory_space<hbm>> -> memref<1x32xf32, #tpu.memory_space<hbm>>
      %dma_start3A_100 = tpu.memref_slice %arg14[%scan3A] : memref<2x!tpu.dma_semaphore, #tpu.memory_space<semaphore_mem>> -> memref<1x!tpu.dma_semaphore, #tpu.memory_space<semaphore_mem>>
      %dma_start3A_101 = tpu.memref_squeeze %dma_start3A_100 : memref<1x!tpu.dma_semaphore, #tpu.memory_space<semaphore_mem>> -> memref<!tpu.dma_semaphore, #tpu.memory_space<semaphore_mem>>
      %dma_start3A_102 = arith.constant 0 : i32
      %dma_start3A_103 = tpu.memref_slice %arg9[%dma_start3A_94, %add3A_93, %dma_start3A_102] : memref<2x64x32xf32, #tpu.memory_space<vmem>> -> memref<1x1x32xf32, #tpu.memory_space<vmem>>
      %dma_start3A_104 = tpu.memref_squeeze %dma_start3A_103 : memref<1x1x32xf32, #tpu.memory_space<vmem>> -> memref<1x32xf32, #tpu.memory_space<vmem>>
      %dma_start3A_105 = arith.constant 0 : i32
      %dma_start3A_106 = tpu.memref_slice %arg4[%squeeze3A_87, %dma_start3A_105] : memref<1000000x32xf32, #tpu.memory_space<hbm>> -> memref<1x32xf32, #tpu.memory_space<hbm>>
      tpu.enqueue_dma source(%dma_start3A_106 : memref<1x32xf32, #tpu.memory_space<hbm>>) target(%dma_start3A_104 : memref<1x32xf32, #tpu.memory_space<vmem>>) target_semaphore(%dma_start3A_101 : memref<!tpu.dma_semaphore, #tpu.memory_space<semaphore_mem>>)
      %dma_start3A_107 = arith.constant 0 : i32
      %dma_start3A_108 = arith.constant 0 : i32
      %dma_start3A_109 = tpu.memref_slice %arg10[%dma_start3A_107, %add3A_93, %dma_start3A_108] : memref<2x64x32xf32, #tpu.memory_space<vmem>> -> memref<1x1x32xf32, #tpu.memory_space<vmem>>
      %dma_start3A_110 = tpu.memref_squeeze %dma_start3A_109 : memref<1x1x32xf32, #tpu.memory_space<vmem>> -> memref<1x32xf32, #tpu.memory_space<vmem>>
      %dma_start3A_111 = arith.constant 0 : i32
      %dma_start3A_112 = tpu.memref_slice %arg5[%squeeze3A_89, %dma_start3A_111] : memref<100000x32xf32, #tpu.memory_space<hbm>> -> memref<1x32xf32, #tpu.memory_space<hbm>>
      %dma_start3A_113 = tpu.memref_slice %arg14[%scan3A] : memref<2x!tpu.dma_semaphore, #tpu.memory_space<semaphore_mem>> -> memref<1x!tpu.dma_semaphore, #tpu.memory_space<semaphore_mem>>
      %dma_start3A_114 = tpu.memref_squeeze %dma_start3A_113 : memref<1x!tpu.dma_semaphore, #tpu.memory_space<semaphore_mem>> -> memref<!tpu.dma_semaphore, #tpu.memory_space<semaphore_mem>>
      %dma_start3A_115 = arith.constant 0 : i32
      %dma_start3A_116 = tpu.memref_slice %arg10[%dma_start3A_107, %add3A_93, %dma_start3A_115] : memref<2x64x32xf32, #tpu.memory_space<vmem>> -> memref<1x1x32xf32, #tpu.memory_space<vmem>>
      %dma_start3A_117 = tpu.memref_squeeze %dma_start3A_116 : memref<1x1x32xf32, #tpu.memory_space<vmem>> -> memref<1x32xf32, #tpu.memory_space<vmem>>
      %dma_start3A_118 = arith.constant 0 : i32
      %dma_start3A_119 = tpu.memref_slice %arg5[%squeeze3A_89, %dma_start3A_118] : memref<100000x32xf32, #tpu.memory_space<hbm>> -> memref<1x32xf32, #tpu.memory_space<hbm>>
      tpu.enqueue_dma source(%dma_start3A_119 : memref<1x32xf32, #tpu.memory_space<hbm>>) target(%dma_start3A_117 : memref<1x32xf32, #tpu.memory_space<vmem>>) target_semaphore(%dma_start3A_114 : memref<!tpu.dma_semaphore, #tpu.memory_space<semaphore_mem>>)
      %slice3A_120 = vector.extract_strided_slice %get3A_18 {offsets = [3], sizes = [1], strides = [1]} : vector<16xi32> to vector<1xi32>
      %squeeze3A_121 = vector.extract %slice3A_120[0] : i32 from vector<1xi32>
      %slice3A_122 = vector.extract_strided_slice %get3A_20 {offsets = [3], sizes = [1], strides = [1]} : vector<16xi32> to vector<1xi32>
      %squeeze3A_123 = vector.extract %slice3A_122[0] : i32 from vector<1xi32>
      %mul3A_124 = arith.constant 16 : i32
      %mul3A_125 = arith.muli %scan3A_13, %mul3A_124 : i32
      %add3A_126 = arith.constant 3 : i32
      %add3A_127 = arith.addi %mul3A_125, %add3A_126 : i32
      %dma_start3A_128 = arith.constant 0 : i32
      %dma_start3A_129 = arith.constant 0 : i32
      %dma_start3A_130 = tpu.memref_slice %arg9[%dma_start3A_128, %add3A_127, %dma_start3A_129] : memref<2x64x32xf32, #tpu.memory_space<vmem>> -> memref<1x1x32xf32, #tpu.memory_space<vmem>>
      %dma_start3A_131 = tpu.memref_squeeze %dma_start3A_130 : memref<1x1x32xf32, #tpu.memory_space<vmem>> -> memref<1x32xf32, #tpu.memory_space<vmem>>
      %dma_start3A_132 = arith.constant 0 : i32
      %dma_start3A_133 = tpu.memref_slice %arg4[%squeeze3A_121, %dma_start3A_132] : memref<1000000x32xf32, #tpu.memory_space<hbm>> -> memref<1x32xf32, #tpu.memory_space<hbm>>
      %dma_start3A_134 = tpu.memref_slice %arg14[%scan3A] : memref<2x!tpu.dma_semaphore, #tpu.memory_space<semaphore_mem>> -> memref<1x!tpu.dma_semaphore, #tpu.memory_space<semaphore_mem>>
      %dma_start3A_135 = tpu.memref_squeeze %dma_start3A_134 : memref<1x!tpu.dma_semaphore, #tpu.memory_space<semaphore_mem>> -> memref<!tpu.dma_semaphore, #tpu.memory_space<semaphore_mem>>
      %dma_start3A_136 = arith.constant 0 : i32
      %dma_start3A_137 = tpu.memref_slice %arg9[%dma_start3A_128, %add3A_127, %dma_start3A_136] : memref<2x64x32xf32, #tpu.memory_space<vmem>> -> memref<1x1x32xf32, #tpu.memory_space<vmem>>
      %dma_start3A_138 = tpu.memref_squeeze %dma_start3A_137 : memref<1x1x32xf32, #tpu.memory_space<vmem>> -> memref<1x32xf32, #tpu.memory_space<vmem>>
      %dma_start3A_139 = arith.constant 0 : i32
      %dma_start3A_140 = tpu.memref_slice %arg4[%squeeze3A_121, %dma_start3A_139] : memref<1000000x32xf32, #tpu.memory_space<hbm>> -> memref<1x32xf32, #tpu.memory_space<hbm>>
      tpu.enqueue_dma source(%dma_start3A_140 : memref<1x32xf32, #tpu.memory_space<hbm>>) target(%dma_start3A_138 : memref<1x32xf32, #tpu.memory_space<vmem>>) target_semaphore(%dma_start3A_135 : memref<!tpu.dma_semaphore, #tpu.memory_space<semaphore_mem>>)
      %dma_start3A_141 = arith.constant 0 : i32
      %dma_start3A_142 = arith.constant 0 : i32
      %dma_start3A_143 = tpu.memref_slice %arg10[%dma_start3A_141, %add3A_127, %dma_start3A_142] : memref<2x64x32xf32, #tpu.memory_space<vmem>> -> memref<1x1x32xf32, #tpu.memory_space<vmem>>
      %dma_start3A_144 = tpu.memref_squeeze %dma_start3A_143 : memref<1x1x32xf32, #tpu.memory_space<vmem>> -> memref<1x32xf32, #tpu.memory_space<vmem>>
      %dma_start3A_145 = arith.constant 0 : i32
      %dma_start3A_146 = tpu.memref_slice %arg5[%squeeze3A_123, %dma_start3A_145] : memref<100000x32xf32, #tpu.memory_space<hbm>> -> memref<1x32xf32, #tpu.memory_space<hbm>>
      %dma_start3A_147 = tpu.memref_slice %arg14[%scan3A] : memref<2x!tpu.dma_semaphore, #tpu.memory_space<semaphore_mem>> -> memref<1x!tpu.dma_semaphore, #tpu.memory_space<semaphore_mem>>
      %dma_start3A_148 = tpu.memref_squeeze %dma_start3A_147 : memref<1x!tpu.dma_semaphore, #tpu.memory_space<semaphore_mem>> -> memref<!tpu.dma_semaphore, #tpu.memory_space<semaphore_mem>>
      %dma_start3A_149 = arith.constant 0 : i32
      %dma_start3A_150 = tpu.memref_slice %arg10[%dma_start3A_141, %add3A_127, %dma_start3A_149] : memref<2x64x32xf32, #tpu.memory_space<vmem>> -> memref<1x1x32xf32, #tpu.memory_space<vmem>>
      %dma_start3A_151 = tpu.memref_squeeze %dma_start3A_150 : memref<1x1x32xf32, #tpu.memory_space<vmem>> -> memref<1x32xf32, #tpu.memory_space<vmem>>
      %dma_start3A_152 = arith.constant 0 : i32
      %dma_start3A_153 = tpu.memref_slice %arg5[%squeeze3A_123, %dma_start3A_152] : memref<100000x32xf32, #tpu.memory_space<hbm>> -> memref<1x32xf32, #tpu.memory_space<hbm>>
      tpu.enqueue_dma source(%dma_start3A_153 : memref<1x32xf32, #tpu.memory_space<hbm>>) target(%dma_start3A_151 : memref<1x32xf32, #tpu.memory_space<vmem>>) target_semaphore(%dma_start3A_148 : memref<!tpu.dma_semaphore, #tpu.memory_space<semaphore_mem>>)
      %slice3A_154 = vector.extract_strided_slice %get3A_18 {offsets = [4], sizes = [1], strides = [1]} : vector<16xi32> to vector<1xi32>
      %squeeze3A_155 = vector.extract %slice3A_154[0] : i32 from vector<1xi32>
      %slice3A_156 = vector.extract_strided_slice %get3A_20 {offsets = [4], sizes = [1], strides = [1]} : vector<16xi32> to vector<1xi32>
      %squeeze3A_157 = vector.extract %slice3A_156[0] : i32 from vector<1xi32>
      %mul3A_158 = arith.constant 16 : i32
      %mul3A_159 = arith.muli %scan3A_13, %mul3A_158 : i32
      %add3A_160 = arith.constant 4 : i32
      %add3A_161 = arith.addi %mul3A_159, %add3A_160 : i32
      %dma_start3A_162 = arith.constant 0 : i32
      %dma_start3A_163 = arith.constant 0 : i32
      %dma_start3A_164 = tpu.memref_slice %arg9[%dma_start3A_162, %add3A_161, %dma_start3A_163] : memref<2x64x32xf32, #tpu.memory_space<vmem>> -> memref<1x1x32xf32, #tpu.memory_space<vmem>>
      %dma_start3A_165 = tpu.memref_squeeze %dma_start3A_164 : memref<1x1x32xf32, #tpu.memory_space<vmem>> -> memref<1x32xf32, #tpu.memory_space<vmem>>
      %dma_start3A_166 = arith.constant 0 : i32
      %dma_start3A_167 = tpu.memref_slice %arg4[%squeeze3A_155, %dma_start3A_166] : memref<1000000x32xf32, #tpu.memory_space<hbm>> -> memref<1x32xf32, #tpu.memory_space<hbm>>
      %dma_start3A_168 = tpu.memref_slice %arg14[%scan3A] : memref<2x!tpu.dma_semaphore, #tpu.memory_space<semaphore_mem>> -> memref<1x!tpu.dma_semaphore, #tpu.memory_space<semaphore_mem>>
      %dma_start3A_169 = tpu.memref_squeeze %dma_start3A_168 : memref<1x!tpu.dma_semaphore, #tpu.memory_space<semaphore_mem>> -> memref<!tpu.dma_semaphore, #tpu.memory_space<semaphore_mem>>
      %dma_start3A_170 = arith.constant 0 : i32
      %dma_start3A_171 = tpu.memref_slice %arg9[%dma_start3A_162, %add3A_161, %dma_start3A_170] : memref<2x64x32xf32, #tpu.memory_space<vmem>> -> memref<1x1x32xf32, #tpu.memory_space<vmem>>
      %dma_start3A_172 = tpu.memref_squeeze %dma_start3A_171 : memref<1x1x32xf32, #tpu.memory_space<vmem>> -> memref<1x32xf32, #tpu.memory_space<vmem>>
      %dma_start3A_173 = arith.constant 0 : i32
      %dma_start3A_174 = tpu.memref_slice %arg4[%squeeze3A_155, %dma_start3A_173] : memref<1000000x32xf32, #tpu.memory_space<hbm>> -> memref<1x32xf32, #tpu.memory_space<hbm>>
      tpu.enqueue_dma source(%dma_start3A_174 : memref<1x32xf32, #tpu.memory_space<hbm>>) target(%dma_start3A_172 : memref<1x32xf32, #tpu.memory_space<vmem>>) target_semaphore(%dma_start3A_169 : memref<!tpu.dma_semaphore, #tpu.memory_space<semaphore_mem>>)
      %dma_start3A_175 = arith.constant 0 : i32
      %dma_start3A_176 = arith.constant 0 : i32
      %dma_start3A_177 = tpu.memref_slice %arg10[%dma_start3A_175, %add3A_161, %dma_start3A_176] : memref<2x64x32xf32, #tpu.memory_space<vmem>> -> memref<1x1x32xf32, #tpu.memory_space<vmem>>
      %dma_start3A_178 = tpu.memref_squeeze %dma_start3A_177 : memref<1x1x32xf32, #tpu.memory_space<vmem>> -> memref<1x32xf32, #tpu.memory_space<vmem>>
      %dma_start3A_179 = arith.constant 0 : i32
      %dma_start3A_180 = tpu.memref_slice %arg5[%squeeze3A_157, %dma_start3A_179] : memref<100000x32xf32, #tpu.memory_space<hbm>> -> memref<1x32xf32, #tpu.memory_space<hbm>>
      %dma_start3A_181 = tpu.memref_slice %arg14[%scan3A] : memref<2x!tpu.dma_semaphore, #tpu.memory_space<semaphore_mem>> -> memref<1x!tpu.dma_semaphore, #tpu.memory_space<semaphore_mem>>
      %dma_start3A_182 = tpu.memref_squeeze %dma_start3A_181 : memref<1x!tpu.dma_semaphore, #tpu.memory_space<semaphore_mem>> -> memref<!tpu.dma_semaphore, #tpu.memory_space<semaphore_mem>>
      %dma_start3A_183 = arith.constant 0 : i32
      %dma_start3A_184 = tpu.memref_slice %arg10[%dma_start3A_175, %add3A_161, %dma_start3A_183] : memref<2x64x32xf32, #tpu.memory_space<vmem>> -> memref<1x1x32xf32, #tpu.memory_space<vmem>>
      %dma_start3A_185 = tpu.memref_squeeze %dma_start3A_184 : memref<1x1x32xf32, #tpu.memory_space<vmem>> -> memref<1x32xf32, #tpu.memory_space<vmem>>
      %dma_start3A_186 = arith.constant 0 : i32
      %dma_start3A_187 = tpu.memref_slice %arg5[%squeeze3A_157, %dma_start3A_186] : memref<100000x32xf32, #tpu.memory_space<hbm>> -> memref<1x32xf32, #tpu.memory_space<hbm>>
      tpu.enqueue_dma source(%dma_start3A_187 : memref<1x32xf32, #tpu.memory_space<hbm>>) target(%dma_start3A_185 : memref<1x32xf32, #tpu.memory_space<vmem>>) target_semaphore(%dma_start3A_182 : memref<!tpu.dma_semaphore, #tpu.memory_space<semaphore_mem>>)
      %slice3A_188 = vector.extract_strided_slice %get3A_18 {offsets = [5], sizes = [1], strides = [1]} : vector<16xi32> to vector<1xi32>
      %squeeze3A_189 = vector.extract %slice3A_188[0] : i32 from vector<1xi32>
      %slice3A_190 = vector.extract_strided_slice %get3A_20 {offsets = [5], sizes = [1], strides = [1]} : vector<16xi32> to vector<1xi32>
      %squeeze3A_191 = vector.extract %slice3A_190[0] : i32 from vector<1xi32>
      %mul3A_192 = arith.constant 16 : i32
      %mul3A_193 = arith.muli %scan3A_13, %mul3A_192 : i32
      %add3A_194 = arith.constant 5 : i32
      %add3A_195 = arith.addi %mul3A_193, %add3A_194 : i32
      %dma_start3A_196 = arith.constant 0 : i32
      %dma_start3A_197 = arith.constant 0 : i32
      %dma_start3A_198 = tpu.memref_slice %arg9[%dma_start3A_196, %add3A_195, %dma_start3A_197] : memref<2x64x32xf32, #tpu.memory_space<vmem>> -> memref<1x1x32xf32, #tpu.memory_space<vmem>>
      %dma_start3A_199 = tpu.memref_squeeze %dma_start3A_198 : memref<1x1x32xf32, #tpu.memory_space<vmem>> -> memref<1x32xf32, #tpu.memory_space<vmem>>
      %dma_start3A_200 = arith.constant 0 : i32
      %dma_start3A_201 = tpu.memref_slice %arg4[%squeeze3A_189, %dma_start3A_200] : memref<1000000x32xf32, #tpu.memory_space<hbm>> -> memref<1x32xf32, #tpu.memory_space<hbm>>
      %dma_start3A_202 = tpu.memref_slice %arg14[%scan3A] : memref<2x!tpu.dma_semaphore, #tpu.memory_space<semaphore_mem>> -> memref<1x!tpu.dma_semaphore, #tpu.memory_space<semaphore_mem>>
      %dma_start3A_203 = tpu.memref_squeeze %dma_start3A_202 : memref<1x!tpu.dma_semaphore, #tpu.memory_space<semaphore_mem>> -> memref<!tpu.dma_semaphore, #tpu.memory_space<semaphore_mem>>
      %dma_start3A_204 = arith.constant 0 : i32
      %dma_start3A_205 = tpu.memref_slice %arg9[%dma_start3A_196, %add3A_195, %dma_start3A_204] : memref<2x64x32xf32, #tpu.memory_space<vmem>> -> memref<1x1x32xf32, #tpu.memory_space<vmem>>
      %dma_start3A_206 = tpu.memref_squeeze %dma_start3A_205 : memref<1x1x32xf32, #tpu.memory_space<vmem>> -> memref<1x32xf32, #tpu.memory_space<vmem>>
      %dma_start3A_207 = arith.constant 0 : i32
      %dma_start3A_208 = tpu.memref_slice %arg4[%squeeze3A_189, %dma_start3A_207] : memref<1000000x32xf32, #tpu.memory_space<hbm>> -> memref<1x32xf32, #tpu.memory_space<hbm>>
      tpu.enqueue_dma source(%dma_start3A_208 : memref<1x32xf32, #tpu.memory_space<hbm>>) target(%dma_start3A_206 : memref<1x32xf32, #tpu.memory_space<vmem>>) target_semaphore(%dma_start3A_203 : memref<!tpu.dma_semaphore, #tpu.memory_space<semaphore_mem>>)
      %dma_start3A_209 = arith.constant 0 : i32
      %dma_start3A_210 = arith.constant 0 : i32
      %dma_start3A_211 = tpu.memref_slice %arg10[%dma_start3A_209, %add3A_195, %dma_start3A_210] : memref<2x64x32xf32, #tpu.memory_space<vmem>> -> memref<1x1x32xf32, #tpu.memory_space<vmem>>
      %dma_start3A_212 = tpu.memref_squeeze %dma_start3A_211 : memref<1x1x32xf32, #tpu.memory_space<vmem>> -> memref<1x32xf32, #tpu.memory_space<vmem>>
      %dma_start3A_213 = arith.constant 0 : i32
      %dma_start3A_214 = tpu.memref_slice %arg5[%squeeze3A_191, %dma_start3A_213] : memref<100000x32xf32, #tpu.memory_space<hbm>> -> memref<1x32xf32, #tpu.memory_space<hbm>>
      %dma_start3A_215 = tpu.memref_slice %arg14[%scan3A] : memref<2x!tpu.dma_semaphore, #tpu.memory_space<semaphore_mem>> -> memref<1x!tpu.dma_semaphore, #tpu.memory_space<semaphore_mem>>
      %dma_start3A_216 = tpu.memref_squeeze %dma_start3A_215 : memref<1x!tpu.dma_semaphore, #tpu.memory_space<semaphore_mem>> -> memref<!tpu.dma_semaphore, #tpu.memory_space<semaphore_mem>>
      %dma_start3A_217 = arith.constant 0 : i32
      %dma_start3A_218 = tpu.memref_slice %arg10[%dma_start3A_209, %add3A_195, %dma_start3A_217] : memref<2x64x32xf32, #tpu.memory_space<vmem>> -> memref<1x1x32xf32, #tpu.memory_space<vmem>>
      %dma_start3A_219 = tpu.memref_squeeze %dma_start3A_218 : memref<1x1x32xf32, #tpu.memory_space<vmem>> -> memref<1x32xf32, #tpu.memory_space<vmem>>
      %dma_start3A_220 = arith.constant 0 : i32
      %dma_start3A_221 = tpu.memref_slice %arg5[%squeeze3A_191, %dma_start3A_220] : memref<100000x32xf32, #tpu.memory_space<hbm>> -> memref<1x32xf32, #tpu.memory_space<hbm>>
      tpu.enqueue_dma source(%dma_start3A_221 : memref<1x32xf32, #tpu.memory_space<hbm>>) target(%dma_start3A_219 : memref<1x32xf32, #tpu.memory_space<vmem>>) target_semaphore(%dma_start3A_216 : memref<!tpu.dma_semaphore, #tpu.memory_space<semaphore_mem>>)
      %slice3A_222 = vector.extract_strided_slice %get3A_18 {offsets = [6], sizes = [1], strides = [1]} : vector<16xi32> to vector<1xi32>
      %squeeze3A_223 = vector.extract %slice3A_222[0] : i32 from vector<1xi32>
      %slice3A_224 = vector.extract_strided_slice %get3A_20 {offsets = [6], sizes = [1], strides = [1]} : vector<16xi32> to vector<1xi32>
      %squeeze3A_225 = vector.extract %slice3A_224[0] : i32 from vector<1xi32>
      %mul3A_226 = arith.constant 16 : i32
      %mul3A_227 = arith.muli %scan3A_13, %mul3A_226 : i32
      %add3A_228 = arith.constant 6 : i32
      %add3A_229 = arith.addi %mul3A_227, %add3A_228 : i32
      %dma_start3A_230 = arith.constant 0 : i32
      %dma_start3A_231 = arith.constant 0 : i32
      %dma_start3A_232 = tpu.memref_slice %arg9[%dma_start3A_230, %add3A_229, %dma_start3A_231] : memref<2x64x32xf32, #tpu.memory_space<vmem>> -> memref<1x1x32xf32, #tpu.memory_space<vmem>>
      %dma_start3A_233 = tpu.memref_squeeze %dma_start3A_232 : memref<1x1x32xf32, #tpu.memory_space<vmem>> -> memref<1x32xf32, #tpu.memory_space<vmem>>
      %dma_start3A_234 = arith.constant 0 : i32
      %dma_start3A_235 = tpu.memref_slice %arg4[%squeeze3A_223, %dma_start3A_234] : memref<1000000x32xf32, #tpu.memory_space<hbm>> -> memref<1x32xf32, #tpu.memory_space<hbm>>
      %dma_start3A_236 = tpu.memref_slice %arg14[%scan3A] : memref<2x!tpu.dma_semaphore, #tpu.memory_space<semaphore_mem>> -> memref<1x!tpu.dma_semaphore, #tpu.memory_space<semaphore_mem>>
      %dma_start3A_237 = tpu.memref_squeeze %dma_start3A_236 : memref<1x!tpu.dma_semaphore, #tpu.memory_space<semaphore_mem>> -> memref<!tpu.dma_semaphore, #tpu.memory_space<semaphore_mem>>
      %dma_start3A_238 = arith.constant 0 : i32
      %dma_start3A_239 = tpu.memref_slice %arg9[%dma_start3A_230, %add3A_229, %dma_start3A_238] : memref<2x64x32xf32, #tpu.memory_space<vmem>> -> memref<1x1x32xf32, #tpu.memory_space<vmem>>
      %dma_start3A_240 = tpu.memref_squeeze %dma_start3A_239 : memref<1x1x32xf32, #tpu.memory_space<vmem>> -> memref<1x32xf32, #tpu.memory_space<vmem>>
      %dma_start3A_241 = arith.constant 0 : i32
      %dma_start3A_242 = tpu.memref_slice %arg4[%squeeze3A_223, %dma_start3A_241] : memref<1000000x32xf32, #tpu.memory_space<hbm>> -> memref<1x32xf32, #tpu.memory_space<hbm>>
      tpu.enqueue_dma source(%dma_start3A_242 : memref<1x32xf32, #tpu.memory_space<hbm>>) target(%dma_start3A_240 : memref<1x32xf32, #tpu.memory_space<vmem>>) target_semaphore(%dma_start3A_237 : memref<!tpu.dma_semaphore, #tpu.memory_space<semaphore_mem>>)
      %dma_start3A_243 = arith.constant 0 : i32
      %dma_start3A_244 = arith.constant 0 : i32
      %dma_start3A_245 = tpu.memref_slice %arg10[%dma_start3A_243, %add3A_229, %dma_start3A_244] : memref<2x64x32xf32, #tpu.memory_space<vmem>> -> memref<1x1x32xf32, #tpu.memory_space<vmem>>
      %dma_start3A_246 = tpu.memref_squeeze %dma_start3A_245 : memref<1x1x32xf32, #tpu.memory_space<vmem>> -> memref<1x32xf32, #tpu.memory_space<vmem>>
      %dma_start3A_247 = arith.constant 0 : i32
      %dma_start3A_248 = tpu.memref_slice %arg5[%squeeze3A_225, %dma_start3A_247] : memref<100000x32xf32, #tpu.memory_space<hbm>> -> memref<1x32xf32, #tpu.memory_space<hbm>>
      %dma_start3A_249 = tpu.memref_slice %arg14[%scan3A] : memref<2x!tpu.dma_semaphore, #tpu.memory_space<semaphore_mem>> -> memref<1x!tpu.dma_semaphore, #tpu.memory_space<semaphore_mem>>
      %dma_start3A_250 = tpu.memref_squeeze %dma_start3A_249 : memref<1x!tpu.dma_semaphore, #tpu.memory_space<semaphore_mem>> -> memref<!tpu.dma_semaphore, #tpu.memory_space<semaphore_mem>>
      %dma_start3A_251 = arith.constant 0 : i32
      %dma_start3A_252 = tpu.memref_slice %arg10[%dma_start3A_243, %add3A_229, %dma_start3A_251] : memref<2x64x32xf32, #tpu.memory_space<vmem>> -> memref<1x1x32xf32, #tpu.memory_space<vmem>>
      %dma_start3A_253 = tpu.memref_squeeze %dma_start3A_252 : memref<1x1x32xf32, #tpu.memory_space<vmem>> -> memref<1x32xf32, #tpu.memory_space<vmem>>
      %dma_start3A_254 = arith.constant 0 : i32
      %dma_start3A_255 = tpu.memref_slice %arg5[%squeeze3A_225, %dma_start3A_254] : memref<100000x32xf32, #tpu.memory_space<hbm>> -> memref<1x32xf32, #tpu.memory_space<hbm>>
      tpu.enqueue_dma source(%dma_start3A_255 : memref<1x32xf32, #tpu.memory_space<hbm>>) target(%dma_start3A_253 : memref<1x32xf32, #tpu.memory_space<vmem>>) target_semaphore(%dma_start3A_250 : memref<!tpu.dma_semaphore, #tpu.memory_space<semaphore_mem>>)
      %slice3A_256 = vector.extract_strided_slice %get3A_18 {offsets = [7], sizes = [1], strides = [1]} : vector<16xi32> to vector<1xi32>
      %squeeze3A_257 = vector.extract %slice3A_256[0] : i32 from vector<1xi32>
      %slice3A_258 = vector.extract_strided_slice %get3A_20 {offsets = [7], sizes = [1], strides = [1]} : vector<16xi32> to vector<1xi32>
      %squeeze3A_259 = vector.extract %slice3A_258[0] : i32 from vector<1xi32>
      %mul3A_260 = arith.constant 16 : i32
      %mul3A_261 = arith.muli %scan3A_13, %mul3A_260 : i32
      %add3A_262 = arith.constant 7 : i32
      %add3A_263 = arith.addi %mul3A_261, %add3A_262 : i32
      %dma_start3A_264 = arith.constant 0 : i32
      %dma_start3A_265 = arith.constant 0 : i32
      %dma_start3A_266 = tpu.memref_slice %arg9[%dma_start3A_264, %add3A_263, %dma_start3A_265] : memref<2x64x32xf32, #tpu.memory_space<vmem>> -> memref<1x1x32xf32, #tpu.memory_space<vmem>>
      %dma_start3A_267 = tpu.memref_squeeze %dma_start3A_266 : memref<1x1x32xf32, #tpu.memory_space<vmem>> -> memref<1x32xf32, #tpu.memory_space<vmem>>
      %dma_start3A_268 = arith.constant 0 : i32
      %dma_start3A_269 = tpu.memref_slice %arg4[%squeeze3A_257, %dma_start3A_268] : memref<1000000x32xf32, #tpu.memory_space<hbm>> -> memref<1x32xf32, #tpu.memory_space<hbm>>
      %dma_start3A_270 = tpu.memref_slice %arg14[%scan3A] : memref<2x!tpu.dma_semaphore, #tpu.memory_space<semaphore_mem>> -> memref<1x!tpu.dma_semaphore, #tpu.memory_space<semaphore_mem>>
      %dma_start3A_271 = tpu.memref_squeeze %dma_start3A_270 : memref<1x!tpu.dma_semaphore, #tpu.memory_space<semaphore_mem>> -> memref<!tpu.dma_semaphore, #tpu.memory_space<semaphore_mem>>
      %dma_start3A_272 = arith.constant 0 : i32
      %dma_start3A_273 = tpu.memref_slice %arg9[%dma_start3A_264, %add3A_263, %dma_start3A_272] : memref<2x64x32xf32, #tpu.memory_space<vmem>> -> memref<1x1x32xf32, #tpu.memory_space<vmem>>
      %dma_start3A_274 = tpu.memref_squeeze %dma_start3A_273 : memref<1x1x32xf32, #tpu.memory_space<vmem>> -> memref<1x32xf32, #tpu.memory_space<vmem>>
      %dma_start3A_275 = arith.constant 0 : i32
      %dma_start3A_276 = tpu.memref_slice %arg4[%squeeze3A_257, %dma_start3A_275] : memref<1000000x32xf32, #tpu.memory_space<hbm>> -> memref<1x32xf32, #tpu.memory_space<hbm>>
      tpu.enqueue_dma source(%dma_start3A_276 : memref<1x32xf32, #tpu.memory_space<hbm>>) target(%dma_start3A_274 : memref<1x32xf32, #tpu.memory_space<vmem>>) target_semaphore(%dma_start3A_271 : memref<!tpu.dma_semaphore, #tpu.memory_space<semaphore_mem>>)
      %dma_start3A_277 = arith.constant 0 : i32
      %dma_start3A_278 = arith.constant 0 : i32
      %dma_start3A_279 = tpu.memref_slice %arg10[%dma_start3A_277, %add3A_263, %dma_start3A_278] : memref<2x64x32xf32, #tpu.memory_space<vmem>> -> memref<1x1x32xf32, #tpu.memory_space<vmem>>
      %dma_start3A_280 = tpu.memref_squeeze %dma_start3A_279 : memref<1x1x32xf32, #tpu.memory_space<vmem>> -> memref<1x32xf32, #tpu.memory_space<vmem>>
      %dma_start3A_281 = arith.constant 0 : i32
      %dma_start3A_282 = tpu.memref_slice %arg5[%squeeze3A_259, %dma_start3A_281] : memref<100000x32xf32, #tpu.memory_space<hbm>> -> memref<1x32xf32, #tpu.memory_space<hbm>>
      %dma_start3A_283 = tpu.memref_slice %arg14[%scan3A] : memref<2x!tpu.dma_semaphore, #tpu.memory_space<semaphore_mem>> -> memref<1x!tpu.dma_semaphore, #tpu.memory_space<semaphore_mem>>
      %dma_start3A_284 = tpu.memref_squeeze %dma_start3A_283 : memref<1x!tpu.dma_semaphore, #tpu.memory_space<semaphore_mem>> -> memref<!tpu.dma_semaphore, #tpu.memory_space<semaphore_mem>>
      %dma_start3A_285 = arith.constant 0 : i32
      %dma_start3A_286 = tpu.memref_slice %arg10[%dma_start3A_277, %add3A_263, %dma_start3A_285] : memref<2x64x32xf32, #tpu.memory_space<vmem>> -> memref<1x1x32xf32, #tpu.memory_space<vmem>>
      %dma_start3A_287 = tpu.memref_squeeze %dma_start3A_286 : memref<1x1x32xf32, #tpu.memory_space<vmem>> -> memref<1x32xf32, #tpu.memory_space<vmem>>
      %dma_start3A_288 = arith.constant 0 : i32
      %dma_start3A_289 = tpu.memref_slice %arg5[%squeeze3A_259, %dma_start3A_288] : memref<100000x32xf32, #tpu.memory_space<hbm>> -> memref<1x32xf32, #tpu.memory_space<hbm>>
      tpu.enqueue_dma source(%dma_start3A_289 : memref<1x32xf32, #tpu.memory_space<hbm>>) target(%dma_start3A_287 : memref<1x32xf32, #tpu.memory_space<vmem>>) target_semaphore(%dma_start3A_284 : memref<!tpu.dma_semaphore, #tpu.memory_space<semaphore_mem>>)
      %slice3A_290 = vector.extract_strided_slice %get3A_18 {offsets = [8], sizes = [1], strides = [1]} : vector<16xi32> to vector<1xi32>
      %squeeze3A_291 = vector.extract %slice3A_290[0] : i32 from vector<1xi32>
      %slice3A_292 = vector.extract_strided_slice %get3A_20 {offsets = [8], sizes = [1], strides = [1]} : vector<16xi32> to vector<1xi32>
      %squeeze3A_293 = vector.extract %slice3A_292[0] : i32 from vector<1xi32>
      %mul3A_294 = arith.constant 16 : i32
      %mul3A_295 = arith.muli %scan3A_13, %mul3A_294 : i32
      %add3A_296 = arith.constant 8 : i32
      %add3A_297 = arith.addi %mul3A_295, %add3A_296 : i32
      %dma_start3A_298 = arith.constant 0 : i32
      %dma_start3A_299 = arith.constant 0 : i32
      %dma_start3A_300 = tpu.memref_slice %arg9[%dma_start3A_298, %add3A_297, %dma_start3A_299] : memref<2x64x32xf32, #tpu.memory_space<vmem>> -> memref<1x1x32xf32, #tpu.memory_space<vmem>>
      %dma_start3A_301 = tpu.memref_squeeze %dma_start3A_300 : memref<1x1x32xf32, #tpu.memory_space<vmem>> -> memref<1x32xf32, #tpu.memory_space<vmem>>
      %dma_start3A_302 = arith.constant 0 : i32
      %dma_start3A_303 = tpu.memref_slice %arg4[%squeeze3A_291, %dma_start3A_302] : memref<1000000x32xf32, #tpu.memory_space<hbm>> -> memref<1x32xf32, #tpu.memory_space<hbm>>
      %dma_start3A_304 = tpu.memref_slice %arg14[%scan3A] : memref<2x!tpu.dma_semaphore, #tpu.memory_space<semaphore_mem>> -> memref<1x!tpu.dma_semaphore, #tpu.memory_space<semaphore_mem>>
      %dma_start3A_305 = tpu.memref_squeeze %dma_start3A_304 : memref<1x!tpu.dma_semaphore, #tpu.memory_space<semaphore_mem>> -> memref<!tpu.dma_semaphore, #tpu.memory_space<semaphore_mem>>
      %dma_start3A_306 = arith.constant 0 : i32
      %dma_start3A_307 = tpu.memref_slice %arg9[%dma_start3A_298, %add3A_297, %dma_start3A_306] : memref<2x64x32xf32, #tpu.memory_space<vmem>> -> memref<1x1x32xf32, #tpu.memory_space<vmem>>
      %dma_start3A_308 = tpu.memref_squeeze %dma_start3A_307 : memref<1x1x32xf32, #tpu.memory_space<vmem>> -> memref<1x32xf32, #tpu.memory_space<vmem>>
      %dma_start3A_309 = arith.constant 0 : i32
      %dma_start3A_310 = tpu.memref_slice %arg4[%squeeze3A_291, %dma_start3A_309] : memref<1000000x32xf32, #tpu.memory_space<hbm>> -> memref<1x32xf32, #tpu.memory_space<hbm>>
      tpu.enqueue_dma source(%dma_start3A_310 : memref<1x32xf32, #tpu.memory_space<hbm>>) target(%dma_start3A_308 : memref<1x32xf32, #tpu.memory_space<vmem>>) target_semaphore(%dma_start3A_305 : memref<!tpu.dma_semaphore, #tpu.memory_space<semaphore_mem>>)
      %dma_start3A_311 = arith.constant 0 : i32
      %dma_start3A_312 = arith.constant 0 : i32
      %dma_start3A_313 = tpu.memref_slice %arg10[%dma_start3A_311, %add3A_297, %dma_start3A_312] : memref<2x64x32xf32, #tpu.memory_space<vmem>> -> memref<1x1x32xf32, #tpu.memory_space<vmem>>
      %dma_start3A_314 = tpu.memref_squeeze %dma_start3A_313 : memref<1x1x32xf32, #tpu.memory_space<vmem>> -> memref<1x32xf32, #tpu.memory_space<vmem>>
      %dma_start3A_315 = arith.constant 0 : i32
      %dma_start3A_316 = tpu.memref_slice %arg5[%squeeze3A_293, %dma_start3A_315] : memref<100000x32xf32, #tpu.memory_space<hbm>> -> memref<1x32xf32, #tpu.memory_space<hbm>>
      %dma_start3A_317 = tpu.memref_slice %arg14[%scan3A] : memref<2x!tpu.dma_semaphore, #tpu.memory_space<semaphore_mem>> -> memref<1x!tpu.dma_semaphore, #tpu.memory_space<semaphore_mem>>
      %dma_start3A_318 = tpu.memref_squeeze %dma_start3A_317 : memref<1x!tpu.dma_semaphore, #tpu.memory_space<semaphore_mem>> -> memref<!tpu.dma_semaphore, #tpu.memory_space<semaphore_mem>>
      %dma_start3A_319 = arith.constant 0 : i32
      %dma_start3A_320 = tpu.memref_slice %arg10[%dma_start3A_311, %add3A_297, %dma_start3A_319] : memref<2x64x32xf32, #tpu.memory_space<vmem>> -> memref<1x1x32xf32, #tpu.memory_space<vmem>>
      %dma_start3A_321 = tpu.memref_squeeze %dma_start3A_320 : memref<1x1x32xf32, #tpu.memory_space<vmem>> -> memref<1x32xf32, #tpu.memory_space<vmem>>
      %dma_start3A_322 = arith.constant 0 : i32
      %dma_start3A_323 = tpu.memref_slice %arg5[%squeeze3A_293, %dma_start3A_322] : memref<100000x32xf32, #tpu.memory_space<hbm>> -> memref<1x32xf32, #tpu.memory_space<hbm>>
      tpu.enqueue_dma source(%dma_start3A_323 : memref<1x32xf32, #tpu.memory_space<hbm>>) target(%dma_start3A_321 : memref<1x32xf32, #tpu.memory_space<vmem>>) target_semaphore(%dma_start3A_318 : memref<!tpu.dma_semaphore, #tpu.memory_space<semaphore_mem>>)
      %slice3A_324 = vector.extract_strided_slice %get3A_18 {offsets = [9], sizes = [1], strides = [1]} : vector<16xi32> to vector<1xi32>
      %squeeze3A_325 = vector.extract %slice3A_324[0] : i32 from vector<1xi32>
      %slice3A_326 = vector.extract_strided_slice %get3A_20 {offsets = [9], sizes = [1], strides = [1]} : vector<16xi32> to vector<1xi32>
      %squeeze3A_327 = vector.extract %slice3A_326[0] : i32 from vector<1xi32>
      %mul3A_328 = arith.constant 16 : i32
      %mul3A_329 = arith.muli %scan3A_13, %mul3A_328 : i32
      %add3A_330 = arith.constant 9 : i32
      %add3A_331 = arith.addi %mul3A_329, %add3A_330 : i32
      %dma_start3A_332 = arith.constant 0 : i32
      %dma_start3A_333 = arith.constant 0 : i32
      %dma_start3A_334 = tpu.memref_slice %arg9[%dma_start3A_332, %add3A_331, %dma_start3A_333] : memref<2x64x32xf32, #tpu.memory_space<vmem>> -> memref<1x1x32xf32, #tpu.memory_space<vmem>>
      %dma_start3A_335 = tpu.memref_squeeze %dma_start3A_334 : memref<1x1x32xf32, #tpu.memory_space<vmem>> -> memref<1x32xf32, #tpu.memory_space<vmem>>
      %dma_start3A_336 = arith.constant 0 : i32
      %dma_start3A_337 = tpu.memref_slice %arg4[%squeeze3A_325, %dma_start3A_336] : memref<1000000x32xf32, #tpu.memory_space<hbm>> -> memref<1x32xf32, #tpu.memory_space<hbm>>
      %dma_start3A_338 = tpu.memref_slice %arg14[%scan3A] : memref<2x!tpu.dma_semaphore, #tpu.memory_space<semaphore_mem>> -> memref<1x!tpu.dma_semaphore, #tpu.memory_space<semaphore_mem>>
      %dma_start3A_339 = tpu.memref_squeeze %dma_start3A_338 : memref<1x!tpu.dma_semaphore, #tpu.memory_space<semaphore_mem>> -> memref<!tpu.dma_semaphore, #tpu.memory_space<semaphore_mem>>
      %dma_start3A_340 = arith.constant 0 : i32
      %dma_start3A_341 = tpu.memref_slice %arg9[%dma_start3A_332, %add3A_331, %dma_start3A_340] : memref<2x64x32xf32, #tpu.memory_space<vmem>> -> memref<1x1x32xf32, #tpu.memory_space<vmem>>
      %dma_start3A_342 = tpu.memref_squeeze %dma_start3A_341 : memref<1x1x32xf32, #tpu.memory_space<vmem>> -> memref<1x32xf32, #tpu.memory_space<vmem>>
      %dma_start3A_343 = arith.constant 0 : i32
      %dma_start3A_344 = tpu.memref_slice %arg4[%squeeze3A_325, %dma_start3A_343] : memref<1000000x32xf32, #tpu.memory_space<hbm>> -> memref<1x32xf32, #tpu.memory_space<hbm>>
      tpu.enqueue_dma source(%dma_start3A_344 : memref<1x32xf32, #tpu.memory_space<hbm>>) target(%dma_start3A_342 : memref<1x32xf32, #tpu.memory_space<vmem>>) target_semaphore(%dma_start3A_339 : memref<!tpu.dma_semaphore, #tpu.memory_space<semaphore_mem>>)
      %dma_start3A_345 = arith.constant 0 : i32
      %dma_start3A_346 = arith.constant 0 : i32
      %dma_start3A_347 = tpu.memref_slice %arg10[%dma_start3A_345, %add3A_331, %dma_start3A_346] : memref<2x64x32xf32, #tpu.memory_space<vmem>> -> memref<1x1x32xf32, #tpu.memory_space<vmem>>
      %dma_start3A_348 = tpu.memref_squeeze %dma_start3A_347 : memref<1x1x32xf32, #tpu.memory_space<vmem>> -> memref<1x32xf32, #tpu.memory_space<vmem>>
      %dma_start3A_349 = arith.constant 0 : i32
      %dma_start3A_350 = tpu.memref_slice %arg5[%squeeze3A_327, %dma_start3A_349] : memref<100000x32xf32, #tpu.memory_space<hbm>> -> memref<1x32xf32, #tpu.memory_space<hbm>>
      %dma_start3A_351 = tpu.memref_slice %arg14[%scan3A] : memref<2x!tpu.dma_semaphore, #tpu.memory_space<semaphore_mem>> -> memref<1x!tpu.dma_semaphore, #tpu.memory_space<semaphore_mem>>
      %dma_start3A_352 = tpu.memref_squeeze %dma_start3A_351 : memref<1x!tpu.dma_semaphore, #tpu.memory_space<semaphore_mem>> -> memref<!tpu.dma_semaphore, #tpu.memory_space<semaphore_mem>>
      %dma_start3A_353 = arith.constant 0 : i32
      %dma_start3A_354 = tpu.memref_slice %arg10[%dma_start3A_345, %add3A_331, %dma_start3A_353] : memref<2x64x32xf32, #tpu.memory_space<vmem>> -> memref<1x1x32xf32, #tpu.memory_space<vmem>>
      %dma_start3A_355 = tpu.memref_squeeze %dma_start3A_354 : memref<1x1x32xf32, #tpu.memory_space<vmem>> -> memref<1x32xf32, #tpu.memory_space<vmem>>
      %dma_start3A_356 = arith.constant 0 : i32
      %dma_start3A_357 = tpu.memref_slice %arg5[%squeeze3A_327, %dma_start3A_356] : memref<100000x32xf32, #tpu.memory_space<hbm>> -> memref<1x32xf32, #tpu.memory_space<hbm>>
      tpu.enqueue_dma source(%dma_start3A_357 : memref<1x32xf32, #tpu.memory_space<hbm>>) target(%dma_start3A_355 : memref<1x32xf32, #tpu.memory_space<vmem>>) target_semaphore(%dma_start3A_352 : memref<!tpu.dma_semaphore, #tpu.memory_space<semaphore_mem>>)
      %slice3A_358 = vector.extract_strided_slice %get3A_18 {offsets = [10], sizes = [1], strides = [1]} : vector<16xi32> to vector<1xi32>
      %squeeze3A_359 = vector.extract %slice3A_358[0] : i32 from vector<1xi32>
      %slice3A_360 = vector.extract_strided_slice %get3A_20 {offsets = [10], sizes = [1], strides = [1]} : vector<16xi32> to vector<1xi32>
      %squeeze3A_361 = vector.extract %slice3A_360[0] : i32 from vector<1xi32>
      %mul3A_362 = arith.constant 16 : i32
      %mul3A_363 = arith.muli %scan3A_13, %mul3A_362 : i32
      %add3A_364 = arith.constant 10 : i32
      %add3A_365 = arith.addi %mul3A_363, %add3A_364 : i32
      %dma_start3A_366 = arith.constant 0 : i32
      %dma_start3A_367 = arith.constant 0 : i32
      %dma_start3A_368 = tpu.memref_slice %arg9[%dma_start3A_366, %add3A_365, %dma_start3A_367] : memref<2x64x32xf32, #tpu.memory_space<vmem>> -> memref<1x1x32xf32, #tpu.memory_space<vmem>>
      %dma_start3A_369 = tpu.memref_squeeze %dma_start3A_368 : memref<1x1x32xf32, #tpu.memory_space<vmem>> -> memref<1x32xf32, #tpu.memory_space<vmem>>
      %dma_start3A_370 = arith.constant 0 : i32
      %dma_start3A_371 = tpu.memref_slice %arg4[%squeeze3A_359, %dma_start3A_370] : memref<1000000x32xf32, #tpu.memory_space<hbm>> -> memref<1x32xf32, #tpu.memory_space<hbm>>
      %dma_start3A_372 = tpu.memref_slice %arg14[%scan3A] : memref<2x!tpu.dma_semaphore, #tpu.memory_space<semaphore_mem>> -> memref<1x!tpu.dma_semaphore, #tpu.memory_space<semaphore_mem>>
      %dma_start3A_373 = tpu.memref_squeeze %dma_start3A_372 : memref<1x!tpu.dma_semaphore, #tpu.memory_space<semaphore_mem>> -> memref<!tpu.dma_semaphore, #tpu.memory_space<semaphore_mem>>
      %dma_start3A_374 = arith.constant 0 : i32
      %dma_start3A_375 = tpu.memref_slice %arg9[%dma_start3A_366, %add3A_365, %dma_start3A_374] : memref<2x64x32xf32, #tpu.memory_space<vmem>> -> memref<1x1x32xf32, #tpu.memory_space<vmem>>
      %dma_start3A_376 = tpu.memref_squeeze %dma_start3A_375 : memref<1x1x32xf32, #tpu.memory_space<vmem>> -> memref<1x32xf32, #tpu.memory_space<vmem>>
      %dma_start3A_377 = arith.constant 0 : i32
      %dma_start3A_378 = tpu.memref_slice %arg4[%squeeze3A_359, %dma_start3A_377] : memref<1000000x32xf32, #tpu.memory_space<hbm>> -> memref<1x32xf32, #tpu.memory_space<hbm>>
      tpu.enqueue_dma source(%dma_start3A_378 : memref<1x32xf32, #tpu.memory_space<hbm>>) target(%dma_start3A_376 : memref<1x32xf32, #tpu.memory_space<vmem>>) target_semaphore(%dma_start3A_373 : memref<!tpu.dma_semaphore, #tpu.memory_space<semaphore_mem>>)
      %dma_start3A_379 = arith.constant 0 : i32
      %dma_start3A_380 = arith.constant 0 : i32
      %dma_start3A_381 = tpu.memref_slice %arg10[%dma_start3A_379, %add3A_365, %dma_start3A_380] : memref<2x64x32xf32, #tpu.memory_space<vmem>> -> memref<1x1x32xf32, #tpu.memory_space<vmem>>
      %dma_start3A_382 = tpu.memref_squeeze %dma_start3A_381 : memref<1x1x32xf32, #tpu.memory_space<vmem>> -> memref<1x32xf32, #tpu.memory_space<vmem>>
      %dma_start3A_383 = arith.constant 0 : i32
      %dma_start3A_384 = tpu.memref_slice %arg5[%squeeze3A_361, %dma_start3A_383] : memref<100000x32xf32, #tpu.memory_space<hbm>> -> memref<1x32xf32, #tpu.memory_space<hbm>>
      %dma_start3A_385 = tpu.memref_slice %arg14[%scan3A] : memref<2x!tpu.dma_semaphore, #tpu.memory_space<semaphore_mem>> -> memref<1x!tpu.dma_semaphore, #tpu.memory_space<semaphore_mem>>
      %dma_start3A_386 = tpu.memref_squeeze %dma_start3A_385 : memref<1x!tpu.dma_semaphore, #tpu.memory_space<semaphore_mem>> -> memref<!tpu.dma_semaphore, #tpu.memory_space<semaphore_mem>>
      %dma_start3A_387 = arith.constant 0 : i32
      %dma_start3A_388 = tpu.memref_slice %arg10[%dma_start3A_379, %add3A_365, %dma_start3A_387] : memref<2x64x32xf32, #tpu.memory_space<vmem>> -> memref<1x1x32xf32, #tpu.memory_space<vmem>>
      %dma_start3A_389 = tpu.memref_squeeze %dma_start3A_388 : memref<1x1x32xf32, #tpu.memory_space<vmem>> -> memref<1x32xf32, #tpu.memory_space<vmem>>
      %dma_start3A_390 = arith.constant 0 : i32
      %dma_start3A_391 = tpu.memref_slice %arg5[%squeeze3A_361, %dma_start3A_390] : memref<100000x32xf32, #tpu.memory_space<hbm>> -> memref<1x32xf32, #tpu.memory_space<hbm>>
      tpu.enqueue_dma source(%dma_start3A_391 : memref<1x32xf32, #tpu.memory_space<hbm>>) target(%dma_start3A_389 : memref<1x32xf32, #tpu.memory_space<vmem>>) target_semaphore(%dma_start3A_386 : memref<!tpu.dma_semaphore, #tpu.memory_space<semaphore_mem>>)
      %slice3A_392 = vector.extract_strided_slice %get3A_18 {offsets = [11], sizes = [1], strides = [1]} : vector<16xi32> to vector<1xi32>
      %squeeze3A_393 = vector.extract %slice3A_392[0] : i32 from vector<1xi32>
      %slice3A_394 = vector.extract_strided_slice %get3A_20 {offsets = [11], sizes = [1], strides = [1]} : vector<16xi32> to vector<1xi32>
      %squeeze3A_395 = vector.extract %slice3A_394[0] : i32 from vector<1xi32>
      %mul3A_396 = arith.constant 16 : i32
      %mul3A_397 = arith.muli %scan3A_13, %mul3A_396 : i32
      %add3A_398 = arith.constant 11 : i32
      %add3A_399 = arith.addi %mul3A_397, %add3A_398 : i32
      %dma_start3A_400 = arith.constant 0 : i32
      %dma_start3A_401 = arith.constant 0 : i32
      %dma_start3A_402 = tpu.memref_slice %arg9[%dma_start3A_400, %add3A_399, %dma_start3A_401] : memref<2x64x32xf32, #tpu.memory_space<vmem>> -> memref<1x1x32xf32, #tpu.memory_space<vmem>>
      %dma_start3A_403 = tpu.memref_squeeze %dma_start3A_402 : memref<1x1x32xf32, #tpu.memory_space<vmem>> -> memref<1x32xf32, #tpu.memory_space<vmem>>
      %dma_start3A_404 = arith.constant 0 : i32
      %dma_start3A_405 = tpu.memref_slice %arg4[%squeeze3A_393, %dma_start3A_404] : memref<1000000x32xf32, #tpu.memory_space<hbm>> -> memref<1x32xf32, #tpu.memory_space<hbm>>
      %dma_start3A_406 = tpu.memref_slice %arg14[%scan3A] : memref<2x!tpu.dma_semaphore, #tpu.memory_space<semaphore_mem>> -> memref<1x!tpu.dma_semaphore, #tpu.memory_space<semaphore_mem>>
      %dma_start3A_407 = tpu.memref_squeeze %dma_start3A_406 : memref<1x!tpu.dma_semaphore, #tpu.memory_space<semaphore_mem>> -> memref<!tpu.dma_semaphore, #tpu.memory_space<semaphore_mem>>
      %dma_start3A_408 = arith.constant 0 : i32
      %dma_start3A_409 = tpu.memref_slice %arg9[%dma_start3A_400, %add3A_399, %dma_start3A_408] : memref<2x64x32xf32, #tpu.memory_space<vmem>> -> memref<1x1x32xf32, #tpu.memory_space<vmem>>
      %dma_start3A_410 = tpu.memref_squeeze %dma_start3A_409 : memref<1x1x32xf32, #tpu.memory_space<vmem>> -> memref<1x32xf32, #tpu.memory_space<vmem>>
      %dma_start3A_411 = arith.constant 0 : i32
      %dma_start3A_412 = tpu.memref_slice %arg4[%squeeze3A_393, %dma_start3A_411] : memref<1000000x32xf32, #tpu.memory_space<hbm>> -> memref<1x32xf32, #tpu.memory_space<hbm>>
      tpu.enqueue_dma source(%dma_start3A_412 : memref<1x32xf32, #tpu.memory_space<hbm>>) target(%dma_start3A_410 : memref<1x32xf32, #tpu.memory_space<vmem>>) target_semaphore(%dma_start3A_407 : memref<!tpu.dma_semaphore, #tpu.memory_space<semaphore_mem>>)
      %dma_start3A_413 = arith.constant 0 : i32
      %dma_start3A_414 = arith.constant 0 : i32
      %dma_start3A_415 = tpu.memref_slice %arg10[%dma_start3A_413, %add3A_399, %dma_start3A_414] : memref<2x64x32xf32, #tpu.memory_space<vmem>> -> memref<1x1x32xf32, #tpu.memory_space<vmem>>
      %dma_start3A_416 = tpu.memref_squeeze %dma_start3A_415 : memref<1x1x32xf32, #tpu.memory_space<vmem>> -> memref<1x32xf32, #tpu.memory_space<vmem>>
      %dma_start3A_417 = arith.constant 0 : i32
      %dma_start3A_418 = tpu.memref_slice %arg5[%squeeze3A_395, %dma_start3A_417] : memref<100000x32xf32, #tpu.memory_space<hbm>> -> memref<1x32xf32, #tpu.memory_space<hbm>>
      %dma_start3A_419 = tpu.memref_slice %arg14[%scan3A] : memref<2x!tpu.dma_semaphore, #tpu.memory_space<semaphore_mem>> -> memref<1x!tpu.dma_semaphore, #tpu.memory_space<semaphore_mem>>
      %dma_start3A_420 = tpu.memref_squeeze %dma_start3A_419 : memref<1x!tpu.dma_semaphore, #tpu.memory_space<semaphore_mem>> -> memref<!tpu.dma_semaphore, #tpu.memory_space<semaphore_mem>>
      %dma_start3A_421 = arith.constant 0 : i32
      %dma_start3A_422 = tpu.memref_slice %arg10[%dma_start3A_413, %add3A_399, %dma_start3A_421] : memref<2x64x32xf32, #tpu.memory_space<vmem>> -> memref<1x1x32xf32, #tpu.memory_space<vmem>>
      %dma_start3A_423 = tpu.memref_squeeze %dma_start3A_422 : memref<1x1x32xf32, #tpu.memory_space<vmem>> -> memref<1x32xf32, #tpu.memory_space<vmem>>
      %dma_start3A_424 = arith.constant 0 : i32
      %dma_start3A_425 = tpu.memref_slice %arg5[%squeeze3A_395, %dma_start3A_424] : memref<100000x32xf32, #tpu.memory_space<hbm>> -> memref<1x32xf32, #tpu.memory_space<hbm>>
      tpu.enqueue_dma source(%dma_start3A_425 : memref<1x32xf32, #tpu.memory_space<hbm>>) target(%dma_start3A_423 : memref<1x32xf32, #tpu.memory_space<vmem>>) target_semaphore(%dma_start3A_420 : memref<!tpu.dma_semaphore, #tpu.memory_space<semaphore_mem>>)
      %slice3A_426 = vector.extract_strided_slice %get3A_18 {offsets = [12], sizes = [1], strides = [1]} : vector<16xi32> to vector<1xi32>
      %squeeze3A_427 = vector.extract %slice3A_426[0] : i32 from vector<1xi32>
      %slice3A_428 = vector.extract_strided_slice %get3A_20 {offsets = [12], sizes = [1], strides = [1]} : vector<16xi32> to vector<1xi32>
      %squeeze3A_429 = vector.extract %slice3A_428[0] : i32 from vector<1xi32>
      %mul3A_430 = arith.constant 16 : i32
      %mul3A_431 = arith.muli %scan3A_13, %mul3A_430 : i32
      %add3A_432 = arith.constant 12 : i32
      %add3A_433 = arith.addi %mul3A_431, %add3A_432 : i32
      %dma_start3A_434 = arith.constant 0 : i32
      %dma_start3A_435 = arith.constant 0 : i32
      %dma_start3A_436 = tpu.memref_slice %arg9[%dma_start3A_434, %add3A_433, %dma_start3A_435] : memref<2x64x32xf32, #tpu.memory_space<vmem>> -> memref<1x1x32xf32, #tpu.memory_space<vmem>>
      %dma_start3A_437 = tpu.memref_squeeze %dma_start3A_436 : memref<1x1x32xf32, #tpu.memory_space<vmem>> -> memref<1x32xf32, #tpu.memory_space<vmem>>
      %dma_start3A_438 = arith.constant 0 : i32
      %dma_start3A_439 = tpu.memref_slice %arg4[%squeeze3A_427, %dma_start3A_438] : memref<1000000x32xf32, #tpu.memory_space<hbm>> -> memref<1x32xf32, #tpu.memory_space<hbm>>
      %dma_start3A_440 = tpu.memref_slice %arg14[%scan3A] : memref<2x!tpu.dma_semaphore, #tpu.memory_space<semaphore_mem>> -> memref<1x!tpu.dma_semaphore, #tpu.memory_space<semaphore_mem>>
      %dma_start3A_441 = tpu.memref_squeeze %dma_start3A_440 : memref<1x!tpu.dma_semaphore, #tpu.memory_space<semaphore_mem>> -> memref<!tpu.dma_semaphore, #tpu.memory_space<semaphore_mem>>
      %dma_start3A_442 = arith.constant 0 : i32
      %dma_start3A_443 = tpu.memref_slice %arg9[%dma_start3A_434, %add3A_433, %dma_start3A_442] : memref<2x64x32xf32, #tpu.memory_space<vmem>> -> memref<1x1x32xf32, #tpu.memory_space<vmem>>
      %dma_start3A_444 = tpu.memref_squeeze %dma_start3A_443 : memref<1x1x32xf32, #tpu.memory_space<vmem>> -> memref<1x32xf32, #tpu.memory_space<vmem>>
      %dma_start3A_445 = arith.constant 0 : i32
      %dma_start3A_446 = tpu.memref_slice %arg4[%squeeze3A_427, %dma_start3A_445] : memref<1000000x32xf32, #tpu.memory_space<hbm>> -> memref<1x32xf32, #tpu.memory_space<hbm>>
      tpu.enqueue_dma source(%dma_start3A_446 : memref<1x32xf32, #tpu.memory_space<hbm>>) target(%dma_start3A_444 : memref<1x32xf32, #tpu.memory_space<vmem>>) target_semaphore(%dma_start3A_441 : memref<!tpu.dma_semaphore, #tpu.memory_space<semaphore_mem>>)
      %dma_start3A_447 = arith.constant 0 : i32
      %dma_start3A_448 = arith.constant 0 : i32
      %dma_start3A_449 = tpu.memref_slice %arg10[%dma_start3A_447, %add3A_433, %dma_start3A_448] : memref<2x64x32xf32, #tpu.memory_space<vmem>> -> memref<1x1x32xf32, #tpu.memory_space<vmem>>
      %dma_start3A_450 = tpu.memref_squeeze %dma_start3A_449 : memref<1x1x32xf32, #tpu.memory_space<vmem>> -> memref<1x32xf32, #tpu.memory_space<vmem>>
      %dma_start3A_451 = arith.constant 0 : i32
      %dma_start3A_452 = tpu.memref_slice %arg5[%squeeze3A_429, %dma_start3A_451] : memref<100000x32xf32, #tpu.memory_space<hbm>> -> memref<1x32xf32, #tpu.memory_space<hbm>>
      %dma_start3A_453 = tpu.memref_slice %arg14[%scan3A] : memref<2x!tpu.dma_semaphore, #tpu.memory_space<semaphore_mem>> -> memref<1x!tpu.dma_semaphore, #tpu.memory_space<semaphore_mem>>
      %dma_start3A_454 = tpu.memref_squeeze %dma_start3A_453 : memref<1x!tpu.dma_semaphore, #tpu.memory_space<semaphore_mem>> -> memref<!tpu.dma_semaphore, #tpu.memory_space<semaphore_mem>>
      %dma_start3A_455 = arith.constant 0 : i32
      %dma_start3A_456 = tpu.memref_slice %arg10[%dma_start3A_447, %add3A_433, %dma_start3A_455] : memref<2x64x32xf32, #tpu.memory_space<vmem>> -> memref<1x1x32xf32, #tpu.memory_space<vmem>>
      %dma_start3A_457 = tpu.memref_squeeze %dma_start3A_456 : memref<1x1x32xf32, #tpu.memory_space<vmem>> -> memref<1x32xf32, #tpu.memory_space<vmem>>
      %dma_start3A_458 = arith.constant 0 : i32
      %dma_start3A_459 = tpu.memref_slice %arg5[%squeeze3A_429, %dma_start3A_458] : memref<100000x32xf32, #tpu.memory_space<hbm>> -> memref<1x32xf32, #tpu.memory_space<hbm>>
      tpu.enqueue_dma source(%dma_start3A_459 : memref<1x32xf32, #tpu.memory_space<hbm>>) target(%dma_start3A_457 : memref<1x32xf32, #tpu.memory_space<vmem>>) target_semaphore(%dma_start3A_454 : memref<!tpu.dma_semaphore, #tpu.memory_space<semaphore_mem>>)
      %slice3A_460 = vector.extract_strided_slice %get3A_18 {offsets = [13], sizes = [1], strides = [1]} : vector<16xi32> to vector<1xi32>
      %squeeze3A_461 = vector.extract %slice3A_460[0] : i32 from vector<1xi32>
      %slice3A_462 = vector.extract_strided_slice %get3A_20 {offsets = [13], sizes = [1], strides = [1]} : vector<16xi32> to vector<1xi32>
      %squeeze3A_463 = vector.extract %slice3A_462[0] : i32 from vector<1xi32>
      %mul3A_464 = arith.constant 16 : i32
      %mul3A_465 = arith.muli %scan3A_13, %mul3A_464 : i32
      %add3A_466 = arith.constant 13 : i32
      %add3A_467 = arith.addi %mul3A_465, %add3A_466 : i32
      %dma_start3A_468 = arith.constant 0 : i32
      %dma_start3A_469 = arith.constant 0 : i32
      %dma_start3A_470 = tpu.memref_slice %arg9[%dma_start3A_468, %add3A_467, %dma_start3A_469] : memref<2x64x32xf32, #tpu.memory_space<vmem>> -> memref<1x1x32xf32, #tpu.memory_space<vmem>>
      %dma_start3A_471 = tpu.memref_squeeze %dma_start3A_470 : memref<1x1x32xf32, #tpu.memory_space<vmem>> -> memref<1x32xf32, #tpu.memory_space<vmem>>
      %dma_start3A_472 = arith.constant 0 : i32
      %dma_start3A_473 = tpu.memref_slice %arg4[%squeeze3A_461, %dma_start3A_472] : memref<1000000x32xf32, #tpu.memory_space<hbm>> -> memref<1x32xf32, #tpu.memory_space<hbm>>
      %dma_start3A_474 = tpu.memref_slice %arg14[%scan3A] : memref<2x!tpu.dma_semaphore, #tpu.memory_space<semaphore_mem>> -> memref<1x!tpu.dma_semaphore, #tpu.memory_space<semaphore_mem>>
      %dma_start3A_475 = tpu.memref_squeeze %dma_start3A_474 : memref<1x!tpu.dma_semaphore, #tpu.memory_space<semaphore_mem>> -> memref<!tpu.dma_semaphore, #tpu.memory_space<semaphore_mem>>
      %dma_start3A_476 = arith.constant 0 : i32
      %dma_start3A_477 = tpu.memref_slice %arg9[%dma_start3A_468, %add3A_467, %dma_start3A_476] : memref<2x64x32xf32, #tpu.memory_space<vmem>> -> memref<1x1x32xf32, #tpu.memory_space<vmem>>
      %dma_start3A_478 = tpu.memref_squeeze %dma_start3A_477 : memref<1x1x32xf32, #tpu.memory_space<vmem>> -> memref<1x32xf32, #tpu.memory_space<vmem>>
      %dma_start3A_479 = arith.constant 0 : i32
      %dma_start3A_480 = tpu.memref_slice %arg4[%squeeze3A_461, %dma_start3A_479] : memref<1000000x32xf32, #tpu.memory_space<hbm>> -> memref<1x32xf32, #tpu.memory_space<hbm>>
      tpu.enqueue_dma source(%dma_start3A_480 : memref<1x32xf32, #tpu.memory_space<hbm>>) target(%dma_start3A_478 : memref<1x32xf32, #tpu.memory_space<vmem>>) target_semaphore(%dma_start3A_475 : memref<!tpu.dma_semaphore, #tpu.memory_space<semaphore_mem>>)
      %dma_start3A_481 = arith.constant 0 : i32
      %dma_start3A_482 = arith.constant 0 : i32
      %dma_start3A_483 = tpu.memref_slice %arg10[%dma_start3A_481, %add3A_467, %dma_start3A_482] : memref<2x64x32xf32, #tpu.memory_space<vmem>> -> memref<1x1x32xf32, #tpu.memory_space<vmem>>
      %dma_start3A_484 = tpu.memref_squeeze %dma_start3A_483 : memref<1x1x32xf32, #tpu.memory_space<vmem>> -> memref<1x32xf32, #tpu.memory_space<vmem>>
      %dma_start3A_485 = arith.constant 0 : i32
      %dma_start3A_486 = tpu.memref_slice %arg5[%squeeze3A_463, %dma_start3A_485] : memref<100000x32xf32, #tpu.memory_space<hbm>> -> memref<1x32xf32, #tpu.memory_space<hbm>>
      %dma_start3A_487 = tpu.memref_slice %arg14[%scan3A] : memref<2x!tpu.dma_semaphore, #tpu.memory_space<semaphore_mem>> -> memref<1x!tpu.dma_semaphore, #tpu.memory_space<semaphore_mem>>
      %dma_start3A_488 = tpu.memref_squeeze %dma_start3A_487 : memref<1x!tpu.dma_semaphore, #tpu.memory_space<semaphore_mem>> -> memref<!tpu.dma_semaphore, #tpu.memory_space<semaphore_mem>>
      %dma_start3A_489 = arith.constant 0 : i32
      %dma_start3A_490 = tpu.memref_slice %arg10[%dma_start3A_481, %add3A_467, %dma_start3A_489] : memref<2x64x32xf32, #tpu.memory_space<vmem>> -> memref<1x1x32xf32, #tpu.memory_space<vmem>>
      %dma_start3A_491 = tpu.memref_squeeze %dma_start3A_490 : memref<1x1x32xf32, #tpu.memory_space<vmem>> -> memref<1x32xf32, #tpu.memory_space<vmem>>
      %dma_start3A_492 = arith.constant 0 : i32
      %dma_start3A_493 = tpu.memref_slice %arg5[%squeeze3A_463, %dma_start3A_492] : memref<100000x32xf32, #tpu.memory_space<hbm>> -> memref<1x32xf32, #tpu.memory_space<hbm>>
      tpu.enqueue_dma source(%dma_start3A_493 : memref<1x32xf32, #tpu.memory_space<hbm>>) target(%dma_start3A_491 : memref<1x32xf32, #tpu.memory_space<vmem>>) target_semaphore(%dma_start3A_488 : memref<!tpu.dma_semaphore, #tpu.memory_space<semaphore_mem>>)
      %slice3A_494 = vector.extract_strided_slice %get3A_18 {offsets = [14], sizes = [1], strides = [1]} : vector<16xi32> to vector<1xi32>
      %squeeze3A_495 = vector.extract %slice3A_494[0] : i32 from vector<1xi32>
      %slice3A_496 = vector.extract_strided_slice %get3A_20 {offsets = [14], sizes = [1], strides = [1]} : vector<16xi32> to vector<1xi32>
      %squeeze3A_497 = vector.extract %slice3A_496[0] : i32 from vector<1xi32>
      %mul3A_498 = arith.constant 16 : i32
      %mul3A_499 = arith.muli %scan3A_13, %mul3A_498 : i32
      %add3A_500 = arith.constant 14 : i32
      %add3A_501 = arith.addi %mul3A_499, %add3A_500 : i32
      %dma_start3A_502 = arith.constant 0 : i32
      %dma_start3A_503 = arith.constant 0 : i32
      %dma_start3A_504 = tpu.memref_slice %arg9[%dma_start3A_502, %add3A_501, %dma_start3A_503] : memref<2x64x32xf32, #tpu.memory_space<vmem>> -> memref<1x1x32xf32, #tpu.memory_space<vmem>>
      %dma_start3A_505 = tpu.memref_squeeze %dma_start3A_504 : memref<1x1x32xf32, #tpu.memory_space<vmem>> -> memref<1x32xf32, #tpu.memory_space<vmem>>
      %dma_start3A_506 = arith.constant 0 : i32
      %dma_start3A_507 = tpu.memref_slice %arg4[%squeeze3A_495, %dma_start3A_506] : memref<1000000x32xf32, #tpu.memory_space<hbm>> -> memref<1x32xf32, #tpu.memory_space<hbm>>
      %dma_start3A_508 = tpu.memref_slice %arg14[%scan3A] : memref<2x!tpu.dma_semaphore, #tpu.memory_space<semaphore_mem>> -> memref<1x!tpu.dma_semaphore, #tpu.memory_space<semaphore_mem>>
      %dma_start3A_509 = tpu.memref_squeeze %dma_start3A_508 : memref<1x!tpu.dma_semaphore, #tpu.memory_space<semaphore_mem>> -> memref<!tpu.dma_semaphore, #tpu.memory_space<semaphore_mem>>
      %dma_start3A_510 = arith.constant 0 : i32
      %dma_start3A_511 = tpu.memref_slice %arg9[%dma_start3A_502, %add3A_501, %dma_start3A_510] : memref<2x64x32xf32, #tpu.memory_space<vmem>> -> memref<1x1x32xf32, #tpu.memory_space<vmem>>
      %dma_start3A_512 = tpu.memref_squeeze %dma_start3A_511 : memref<1x1x32xf32, #tpu.memory_space<vmem>> -> memref<1x32xf32, #tpu.memory_space<vmem>>
      %dma_start3A_513 = arith.constant 0 : i32
      %dma_start3A_514 = tpu.memref_slice %arg4[%squeeze3A_495, %dma_start3A_513] : memref<1000000x32xf32, #tpu.memory_space<hbm>> -> memref<1x32xf32, #tpu.memory_space<hbm>>
      tpu.enqueue_dma source(%dma_start3A_514 : memref<1x32xf32, #tpu.memory_space<hbm>>) target(%dma_start3A_512 : memref<1x32xf32, #tpu.memory_space<vmem>>) target_semaphore(%dma_start3A_509 : memref<!tpu.dma_semaphore, #tpu.memory_space<semaphore_mem>>)
      %dma_start3A_515 = arith.constant 0 : i32
      %dma_start3A_516 = arith.constant 0 : i32
      %dma_start3A_517 = tpu.memref_slice %arg10[%dma_start3A_515, %add3A_501, %dma_start3A_516] : memref<2x64x32xf32, #tpu.memory_space<vmem>> -> memref<1x1x32xf32, #tpu.memory_space<vmem>>
      %dma_start3A_518 = tpu.memref_squeeze %dma_start3A_517 : memref<1x1x32xf32, #tpu.memory_space<vmem>> -> memref<1x32xf32, #tpu.memory_space<vmem>>
      %dma_start3A_519 = arith.constant 0 : i32
      %dma_start3A_520 = tpu.memref_slice %arg5[%squeeze3A_497, %dma_start3A_519] : memref<100000x32xf32, #tpu.memory_space<hbm>> -> memref<1x32xf32, #tpu.memory_space<hbm>>
      %dma_start3A_521 = tpu.memref_slice %arg14[%scan3A] : memref<2x!tpu.dma_semaphore, #tpu.memory_space<semaphore_mem>> -> memref<1x!tpu.dma_semaphore, #tpu.memory_space<semaphore_mem>>
      %dma_start3A_522 = tpu.memref_squeeze %dma_start3A_521 : memref<1x!tpu.dma_semaphore, #tpu.memory_space<semaphore_mem>> -> memref<!tpu.dma_semaphore, #tpu.memory_space<semaphore_mem>>
      %dma_start3A_523 = arith.constant 0 : i32
      %dma_start3A_524 = tpu.memref_slice %arg10[%dma_start3A_515, %add3A_501, %dma_start3A_523] : memref<2x64x32xf32, #tpu.memory_space<vmem>> -> memref<1x1x32xf32, #tpu.memory_space<vmem>>
      %dma_start3A_525 = tpu.memref_squeeze %dma_start3A_524 : memref<1x1x32xf32, #tpu.memory_space<vmem>> -> memref<1x32xf32, #tpu.memory_space<vmem>>
      %dma_start3A_526 = arith.constant 0 : i32
      %dma_start3A_527 = tpu.memref_slice %arg5[%squeeze3A_497, %dma_start3A_526] : memref<100000x32xf32, #tpu.memory_space<hbm>> -> memref<1x32xf32, #tpu.memory_space<hbm>>
      tpu.enqueue_dma source(%dma_start3A_527 : memref<1x32xf32, #tpu.memory_space<hbm>>) target(%dma_start3A_525 : memref<1x32xf32, #tpu.memory_space<vmem>>) target_semaphore(%dma_start3A_522 : memref<!tpu.dma_semaphore, #tpu.memory_space<semaphore_mem>>)
      %slice3A_528 = vector.extract_strided_slice %get3A_18 {offsets = [15], sizes = [1], strides = [1]} : vector<16xi32> to vector<1xi32>
      %squeeze3A_529 = vector.extract %slice3A_528[0] : i32 from vector<1xi32>
      %slice3A_530 = vector.extract_strided_slice %get3A_20 {offsets = [15], sizes = [1], strides = [1]} : vector<16xi32> to vector<1xi32>
      %squeeze3A_531 = vector.extract %slice3A_530[0] : i32 from vector<1xi32>
      %mul3A_532 = arith.constant 16 : i32
      %mul3A_533 = arith.muli %scan3A_13, %mul3A_532 : i32
      %add3A_534 = arith.constant 15 : i32
      %add3A_535 = arith.addi %mul3A_533, %add3A_534 : i32
      %dma_start3A_536 = arith.constant 0 : i32
      %dma_start3A_537 = arith.constant 0 : i32
      %dma_start3A_538 = tpu.memref_slice %arg9[%dma_start3A_536, %add3A_535, %dma_start3A_537] : memref<2x64x32xf32, #tpu.memory_space<vmem>> -> memref<1x1x32xf32, #tpu.memory_space<vmem>>
      %dma_start3A_539 = tpu.memref_squeeze %dma_start3A_538 : memref<1x1x32xf32, #tpu.memory_space<vmem>> -> memref<1x32xf32, #tpu.memory_space<vmem>>
      %dma_start3A_540 = arith.constant 0 : i32
      %dma_start3A_541 = tpu.memref_slice %arg4[%squeeze3A_529, %dma_start3A_540] : memref<1000000x32xf32, #tpu.memory_space<hbm>> -> memref<1x32xf32, #tpu.memory_space<hbm>>
      %dma_start3A_542 = tpu.memref_slice %arg14[%scan3A] : memref<2x!tpu.dma_semaphore, #tpu.memory_space<semaphore_mem>> -> memref<1x!tpu.dma_semaphore, #tpu.memory_space<semaphore_mem>>
      %dma_start3A_543 = tpu.memref_squeeze %dma_start3A_542 : memref<1x!tpu.dma_semaphore, #tpu.memory_space<semaphore_mem>> -> memref<!tpu.dma_semaphore, #tpu.memory_space<semaphore_mem>>
      %dma_start3A_544 = arith.constant 0 : i32
      %dma_start3A_545 = tpu.memref_slice %arg9[%dma_start3A_536, %add3A_535, %dma_start3A_544] : memref<2x64x32xf32, #tpu.memory_space<vmem>> -> memref<1x1x32xf32, #tpu.memory_space<vmem>>
      %dma_start3A_546 = tpu.memref_squeeze %dma_start3A_545 : memref<1x1x32xf32, #tpu.memory_space<vmem>> -> memref<1x32xf32, #tpu.memory_space<vmem>>
      %dma_start3A_547 = arith.constant 0 : i32
      %dma_start3A_548 = tpu.memref_slice %arg4[%squeeze3A_529, %dma_start3A_547] : memref<1000000x32xf32, #tpu.memory_space<hbm>> -> memref<1x32xf32, #tpu.memory_space<hbm>>
      tpu.enqueue_dma source(%dma_start3A_548 : memref<1x32xf32, #tpu.memory_space<hbm>>) target(%dma_start3A_546 : memref<1x32xf32, #tpu.memory_space<vmem>>) target_semaphore(%dma_start3A_543 : memref<!tpu.dma_semaphore, #tpu.memory_space<semaphore_mem>>)
      %dma_start3A_549 = arith.constant 0 : i32
      %dma_start3A_550 = arith.constant 0 : i32
      %dma_start3A_551 = tpu.memref_slice %arg10[%dma_start3A_549, %add3A_535, %dma_start3A_550] : memref<2x64x32xf32, #tpu.memory_space<vmem>> -> memref<1x1x32xf32, #tpu.memory_space<vmem>>
      %dma_start3A_552 = tpu.memref_squeeze %dma_start3A_551 : memref<1x1x32xf32, #tpu.memory_space<vmem>> -> memref<1x32xf32, #tpu.memory_space<vmem>>
      %dma_start3A_553 = arith.constant 0 : i32
      %dma_start3A_554 = tpu.memref_slice %arg5[%squeeze3A_531, %dma_start3A_553] : memref<100000x32xf32, #tpu.memory_space<hbm>> -> memref<1x32xf32, #tpu.memory_space<hbm>>
      %dma_start3A_555 = tpu.memref_slice %arg14[%scan3A] : memref<2x!tpu.dma_semaphore, #tpu.memory_space<semaphore_mem>> -> memref<1x!tpu.dma_semaphore, #tpu.memory_space<semaphore_mem>>
      %dma_start3A_556 = tpu.memref_squeeze %dma_start3A_555 : memref<1x!tpu.dma_semaphore, #tpu.memory_space<semaphore_mem>> -> memref<!tpu.dma_semaphore, #tpu.memory_space<semaphore_mem>>
      %dma_start3A_557 = arith.constant 0 : i32
      %dma_start3A_558 = tpu.memref_slice %arg10[%dma_start3A_549, %add3A_535, %dma_start3A_557] : memref<2x64x32xf32, #tpu.memory_space<vmem>> -> memref<1x1x32xf32, #tpu.memory_space<vmem>>
      %dma_start3A_559 = tpu.memref_squeeze %dma_start3A_558 : memref<1x1x32xf32, #tpu.memory_space<vmem>> -> memref<1x32xf32, #tpu.memory_space<vmem>>
      %dma_start3A_560 = arith.constant 0 : i32
      %dma_start3A_561 = tpu.memref_slice %arg5[%squeeze3A_531, %dma_start3A_560] : memref<100000x32xf32, #tpu.memory_space<hbm>> -> memref<1x32xf32, #tpu.memory_space<hbm>>
      tpu.enqueue_dma source(%dma_start3A_561 : memref<1x32xf32, #tpu.memory_space<hbm>>) target(%dma_start3A_559 : memref<1x32xf32, #tpu.memory_space<vmem>>) target_semaphore(%dma_start3A_556 : memref<!tpu.dma_semaphore, #tpu.memory_space<semaphore_mem>>)
    }
    %scan3A_7 = arith.constant 4 : i32
    %scan3A_8 = arith.constant 0 : i32
    %scan3A_9 = arith.constant 8 : i32
    %scan3A_10 = arith.addi %scan3A_8, %scan3A_9 : i32
    %scan3A_11 = arith.constant 1 : i32
    scf.for %scan3A_13 = %scan3A_8 to %scan3A_10 step %scan3A_11  : i32 {
      %jit3A = arith.constant 2 : i32
      %eq3A = arith.constant 0 : i32
      %eq3A_14 = arith.cmpi eq, %jit3A, %eq3A : i32
      %jit3A_15 = arith.constant 1 : i32
      %select_n3A = arith.select %eq3A_14, %jit3A_15, %jit3A : i32
      %rem3A = arith.remsi %scan3A_13, %select_n3A : i32
      %ne3A = arith.constant 0 : i32
      %ne3A_16 = arith.cmpi ne, %rem3A, %ne3A : i32
      %lt3A = arith.constant 0 : i32
      %lt3A_17 = arith.cmpi slt, %rem3A, %lt3A : i32
      %lt3A_18 = arith.constant 0 : i32
      %lt3A_19 = arith.cmpi slt, %select_n3A, %lt3A_18 : i32
      %ne3A_20 = arith.xori %lt3A_17, %lt3A_19 : i1
      %and3A = arith.andi %ne3A_20, %ne3A_16 : i1
      %add3A_21 = arith.addi %rem3A, %select_n3A : i32
      %select_n3A_22 = arith.select %and3A, %add3A_21, %rem3A : i32
      %add3A_23 = arith.constant 1 : i32
      %add3A_24 = arith.addi %scan3A_13, %add3A_23 : i32
      %lt3A_25 = arith.constant 8 : i32
      %lt3A_26 = arith.cmpi slt, %add3A_24, %lt3A_25 : i32
      %convert_element_type3A = arith.extui %lt3A_26 : i1 to i32
      %cond3A = arith.constant 0 : i32
      %cond3A_27 = arith.cmpi ne, %convert_element_type3A, %cond3A : i32
      scf.if %cond3A_27 {
        %add3A_74 = arith.constant 1 : i32
        %add3A_75 = arith.addi %scan3A_13, %add3A_74 : i32
        %add3A_76 = arith.constant 1 : i32
        %add3A_77 = arith.addi %scan3A_13, %add3A_76 : i32
        %jit3A_78 = arith.constant 2 : i32
        %eq3A_79 = arith.constant 0 : i32
        %eq3A_80 = arith.cmpi eq, %jit3A_78, %eq3A_79 : i32
        %jit3A_81 = arith.constant 1 : i32
        %select_n3A_82 = arith.select %eq3A_80, %jit3A_81, %jit3A_78 : i32
        %rem3A_83 = arith.remsi %add3A_77, %select_n3A_82 : i32
        %ne3A_84 = arith.constant 0 : i32
        %ne3A_85 = arith.cmpi ne, %rem3A_83, %ne3A_84 : i32
        %lt3A_86 = arith.constant 0 : i32
        %lt3A_87 = arith.cmpi slt, %rem3A_83, %lt3A_86 : i32
        %lt3A_88 = arith.constant 0 : i32
        %lt3A_89 = arith.cmpi slt, %select_n3A_82, %lt3A_88 : i32
        %ne3A_90 = arith.xori %lt3A_87, %lt3A_89 : i1
        %and3A_91 = arith.andi %ne3A_90, %ne3A_85 : i1
        %add3A_92 = arith.addi %rem3A_83, %select_n3A_82 : i32
        %select_n3A_93 = arith.select %and3A_91, %add3A_92, %rem3A_83 : i32
        %scan3A_94 = arith.constant 0 : i32
        %scan3A_95 = arith.constant 4 : i32
        %scan3A_96 = arith.addi %scan3A_94, %scan3A_95 : i32
        %scan3A_97 = arith.constant 1 : i32
        scf.for %scan3A_99 = %scan3A_94 to %scan3A_96 step %scan3A_97  : i32 {
          %mul3A_100 = arith.constant 64 : i32
          %mul3A_101 = arith.muli %add3A_75, %mul3A_100 : i32
          %mul3A_102 = arith.constant 16 : i32
          %mul3A_103 = arith.muli %scan3A_99, %mul3A_102 : i32
          %add3A_104 = arith.addi %mul3A_101, %mul3A_103 : i32
          %get3A = arith.index_cast %add3A_104 : i32 to index
          %get3A_105 = tpu.vector_load %arg7[%get3A] {strides = array<i32>} : memref<512xi32, #tpu.memory_space<vmem>>, vector<16xi32>,
          %get3A_106 = arith.index_cast %add3A_104 : i32 to index
          %get3A_107 = tpu.vector_load %arg8[%get3A_106] {strides = array<i32>} : memref<512xi32, #tpu.memory_space<vmem>>, vector<16xi32>,
          %slice3A = vector.extract_strided_slice %get3A_105 {offsets = [0], sizes = [1], strides = [1]} : vector<16xi32> to vector<1xi32>
          %squeeze3A = vector.extract %slice3A[0] : i32 from vector<1xi32>
          %slice3A_108 = vector.extract_strided_slice %get3A_107 {offsets = [0], sizes = [1], strides = [1]} : vector<16xi32> to vector<1xi32>
          %squeeze3A_109 = vector.extract %slice3A_108[0] : i32 from vector<1xi32>
          %mul3A_110 = arith.constant 16 : i32
          %mul3A_111 = arith.muli %scan3A_99, %mul3A_110 : i32
          %add3A_112 = arith.constant 0 : i32
          %add3A_113 = arith.addi %mul3A_111, %add3A_112 : i32
          %dma_start3A = arith.constant 0 : i32
          %dma_start3A_114 = tpu.memref_slice %arg9[%select_n3A_93, %add3A_113, %dma_start3A] : memref<2x64x32xf32, #tpu.memory_space<vmem>> -> memref<1x1x32xf32, #tpu.memory_space<vmem>>
          %dma_start3A_115 = tpu.memref_squeeze %dma_start3A_114 : memref<1x1x32xf32, #tpu.memory_space<vmem>> -> memref<1x32xf32, #tpu.memory_space<vmem>>
          %dma_start3A_116 = arith.constant 0 : i32
          %dma_start3A_117 = tpu.memref_slice %arg4[%squeeze3A, %dma_start3A_116] : memref<1000000x32xf32, #tpu.memory_space<hbm>> -> memref<1x32xf32, #tpu.memory_space<hbm>>
          %dma_start3A_118 = tpu.memref_slice %arg14[%select_n3A_93] : memref<2x!tpu.dma_semaphore, #tpu.memory_space<semaphore_mem>> -> memref<1x!tpu.dma_semaphore, #tpu.memory_space<semaphore_mem>>
          %dma_start3A_119 = tpu.memref_squeeze %dma_start3A_118 : memref<1x!tpu.dma_semaphore, #tpu.memory_space<semaphore_mem>> -> memref<!tpu.dma_semaphore, #tpu.memory_space<semaphore_mem>>
          %dma_start3A_120 = arith.constant 0 : i32
          %dma_start3A_121 = tpu.memref_slice %arg9[%select_n3A_93, %add3A_113, %dma_start3A_120] : memref<2x64x32xf32, #tpu.memory_space<vmem>> -> memref<1x1x32xf32, #tpu.memory_space<vmem>>
          %dma_start3A_122 = tpu.memref_squeeze %dma_start3A_121 : memref<1x1x32xf32, #tpu.memory_space<vmem>> -> memref<1x32xf32, #tpu.memory_space<vmem>>
          %dma_start3A_123 = arith.constant 0 : i32
          %dma_start3A_124 = tpu.memref_slice %arg4[%squeeze3A, %dma_start3A_123] : memref<1000000x32xf32, #tpu.memory_space<hbm>> -> memref<1x32xf32, #tpu.memory_space<hbm>>
          tpu.enqueue_dma source(%dma_start3A_124 : memref<1x32xf32, #tpu.memory_space<hbm>>) target(%dma_start3A_122 : memref<1x32xf32, #tpu.memory_space<vmem>>) target_semaphore(%dma_start3A_119 : memref<!tpu.dma_semaphore, #tpu.memory_space<semaphore_mem>>)
          %dma_start3A_125 = arith.constant 0 : i32
          %dma_start3A_126 = tpu.memref_slice %arg10[%select_n3A_93, %add3A_113, %dma_start3A_125] : memref<2x64x32xf32, #tpu.memory_space<vmem>> -> memref<1x1x32xf32, #tpu.memory_space<vmem>>
          %dma_start3A_127 = tpu.memref_squeeze %dma_start3A_126 : memref<1x1x32xf32, #tpu.memory_space<vmem>> -> memref<1x32xf32, #tpu.memory_space<vmem>>
          %dma_start3A_128 = arith.constant 0 : i32
          %dma_start3A_129 = tpu.memref_slice %arg5[%squeeze3A_109, %dma_start3A_128] : memref<100000x32xf32, #tpu.memory_space<hbm>> -> memref<1x32xf32, #tpu.memory_space<hbm>>
          %dma_start3A_130 = tpu.memref_slice %arg14[%select_n3A_93] : memref<2x!tpu.dma_semaphore, #tpu.memory_space<semaphore_mem>> -> memref<1x!tpu.dma_semaphore, #tpu.memory_space<semaphore_mem>>
          %dma_start3A_131 = tpu.memref_squeeze %dma_start3A_130 : memref<1x!tpu.dma_semaphore, #tpu.memory_space<semaphore_mem>> -> memref<!tpu.dma_semaphore, #tpu.memory_space<semaphore_mem>>
          %dma_start3A_132 = arith.constant 0 : i32
          %dma_start3A_133 = tpu.memref_slice %arg10[%select_n3A_93, %add3A_113, %dma_start3A_132] : memref<2x64x32xf32, #tpu.memory_space<vmem>> -> memref<1x1x32xf32, #tpu.memory_space<vmem>>
          %dma_start3A_134 = tpu.memref_squeeze %dma_start3A_133 : memref<1x1x32xf32, #tpu.memory_space<vmem>> -> memref<1x32xf32, #tpu.memory_space<vmem>>
          %dma_start3A_135 = arith.constant 0 : i32
          %dma_start3A_136 = tpu.memref_slice %arg5[%squeeze3A_109, %dma_start3A_135] : memref<100000x32xf32, #tpu.memory_space<hbm>> -> memref<1x32xf32, #tpu.memory_space<hbm>>
          tpu.enqueue_dma source(%dma_start3A_136 : memref<1x32xf32, #tpu.memory_space<hbm>>) target(%dma_start3A_134 : memref<1x32xf32, #tpu.memory_space<vmem>>) target_semaphore(%dma_start3A_131 : memref<!tpu.dma_semaphore, #tpu.memory_space<semaphore_mem>>)
          %slice3A_137 = vector.extract_strided_slice %get3A_105 {offsets = [1], sizes = [1], strides = [1]} : vector<16xi32> to vector<1xi32>
          %squeeze3A_138 = vector.extract %slice3A_137[0] : i32 from vector<1xi32>
          %slice3A_139 = vector.extract_strided_slice %get3A_107 {offsets = [1], sizes = [1], strides = [1]} : vector<16xi32> to vector<1xi32>
          %squeeze3A_140 = vector.extract %slice3A_139[0] : i32 from vector<1xi32>
          %mul3A_141 = arith.constant 16 : i32
          %mul3A_142 = arith.muli %scan3A_99, %mul3A_141 : i32
          %add3A_143 = arith.constant 1 : i32
          %add3A_144 = arith.addi %mul3A_142, %add3A_143 : i32
          %dma_start3A_145 = arith.constant 0 : i32
          %dma_start3A_146 = tpu.memref_slice %arg9[%select_n3A_93, %add3A_144, %dma_start3A_145] : memref<2x64x32xf32, #tpu.memory_space<vmem>> -> memref<1x1x32xf32, #tpu.memory_space<vmem>>
          %dma_start3A_147 = tpu.memref_squeeze %dma_start3A_146 : memref<1x1x32xf32, #tpu.memory_space<vmem>> -> memref<1x32xf32, #tpu.memory_space<vmem>>
          %dma_start3A_148 = arith.constant 0 : i32
          %dma_start3A_149 = tpu.memref_slice %arg4[%squeeze3A_138, %dma_start3A_148] : memref<1000000x32xf32, #tpu.memory_space<hbm>> -> memref<1x32xf32, #tpu.memory_space<hbm>>
          %dma_start3A_150 = tpu.memref_slice %arg14[%select_n3A_93] : memref<2x!tpu.dma_semaphore, #tpu.memory_space<semaphore_mem>> -> memref<1x!tpu.dma_semaphore, #tpu.memory_space<semaphore_mem>>
          %dma_start3A_151 = tpu.memref_squeeze %dma_start3A_150 : memref<1x!tpu.dma_semaphore, #tpu.memory_space<semaphore_mem>> -> memref<!tpu.dma_semaphore, #tpu.memory_space<semaphore_mem>>
          %dma_start3A_152 = arith.constant 0 : i32
          %dma_start3A_153 = tpu.memref_slice %arg9[%select_n3A_93, %add3A_144, %dma_start3A_152] : memref<2x64x32xf32, #tpu.memory_space<vmem>> -> memref<1x1x32xf32, #tpu.memory_space<vmem>>
          %dma_start3A_154 = tpu.memref_squeeze %dma_start3A_153 : memref<1x1x32xf32, #tpu.memory_space<vmem>> -> memref<1x32xf32, #tpu.memory_space<vmem>>
          %dma_start3A_155 = arith.constant 0 : i32
          %dma_start3A_156 = tpu.memref_slice %arg4[%squeeze3A_138, %dma_start3A_155] : memref<1000000x32xf32, #tpu.memory_space<hbm>> -> memref<1x32xf32, #tpu.memory_space<hbm>>
          tpu.enqueue_dma source(%dma_start3A_156 : memref<1x32xf32, #tpu.memory_space<hbm>>) target(%dma_start3A_154 : memref<1x32xf32, #tpu.memory_space<vmem>>) target_semaphore(%dma_start3A_151 : memref<!tpu.dma_semaphore, #tpu.memory_space<semaphore_mem>>)
          %dma_start3A_157 = arith.constant 0 : i32
          %dma_start3A_158 = tpu.memref_slice %arg10[%select_n3A_93, %add3A_144, %dma_start3A_157] : memref<2x64x32xf32, #tpu.memory_space<vmem>> -> memref<1x1x32xf32, #tpu.memory_space<vmem>>
          %dma_start3A_159 = tpu.memref_squeeze %dma_start3A_158 : memref<1x1x32xf32, #tpu.memory_space<vmem>> -> memref<1x32xf32, #tpu.memory_space<vmem>>
          %dma_start3A_160 = arith.constant 0 : i32
          %dma_start3A_161 = tpu.memref_slice %arg5[%squeeze3A_140, %dma_start3A_160] : memref<100000x32xf32, #tpu.memory_space<hbm>> -> memref<1x32xf32, #tpu.memory_space<hbm>>
          %dma_start3A_162 = tpu.memref_slice %arg14[%select_n3A_93] : memref<2x!tpu.dma_semaphore, #tpu.memory_space<semaphore_mem>> -> memref<1x!tpu.dma_semaphore, #tpu.memory_space<semaphore_mem>>
          %dma_start3A_163 = tpu.memref_squeeze %dma_start3A_162 : memref<1x!tpu.dma_semaphore, #tpu.memory_space<semaphore_mem>> -> memref<!tpu.dma_semaphore, #tpu.memory_space<semaphore_mem>>
          %dma_start3A_164 = arith.constant 0 : i32
          %dma_start3A_165 = tpu.memref_slice %arg10[%select_n3A_93, %add3A_144, %dma_start3A_164] : memref<2x64x32xf32, #tpu.memory_space<vmem>> -> memref<1x1x32xf32, #tpu.memory_space<vmem>>
          %dma_start3A_166 = tpu.memref_squeeze %dma_start3A_165 : memref<1x1x32xf32, #tpu.memory_space<vmem>> -> memref<1x32xf32, #tpu.memory_space<vmem>>
          %dma_start3A_167 = arith.constant 0 : i32
          %dma_start3A_168 = tpu.memref_slice %arg5[%squeeze3A_140, %dma_start3A_167] : memref<100000x32xf32, #tpu.memory_space<hbm>> -> memref<1x32xf32, #tpu.memory_space<hbm>>
          tpu.enqueue_dma source(%dma_start3A_168 : memref<1x32xf32, #tpu.memory_space<hbm>>) target(%dma_start3A_166 : memref<1x32xf32, #tpu.memory_space<vmem>>) target_semaphore(%dma_start3A_163 : memref<!tpu.dma_semaphore, #tpu.memory_space<semaphore_mem>>)
          %slice3A_169 = vector.extract_strided_slice %get3A_105 {offsets = [2], sizes = [1], strides = [1]} : vector<16xi32> to vector<1xi32>
          %squeeze3A_170 = vector.extract %slice3A_169[0] : i32 from vector<1xi32>
          %slice3A_171 = vector.extract_strided_slice %get3A_107 {offsets = [2], sizes = [1], strides = [1]} : vector<16xi32> to vector<1xi32>
          %squeeze3A_172 = vector.extract %slice3A_171[0] : i32 from vector<1xi32>
          %mul3A_173 = arith.constant 16 : i32
          %mul3A_174 = arith.muli %scan3A_99, %mul3A_173 : i32
          %add3A_175 = arith.constant 2 : i32
          %add3A_176 = arith.addi %mul3A_174, %add3A_175 : i32
          %dma_start3A_177 = arith.constant 0 : i32
          %dma_start3A_178 = tpu.memref_slice %arg9[%select_n3A_93, %add3A_176, %dma_start3A_177] : memref<2x64x32xf32, #tpu.memory_space<vmem>> -> memref<1x1x32xf32, #tpu.memory_space<vmem>>
          %dma_start3A_179 = tpu.memref_squeeze %dma_start3A_178 : memref<1x1x32xf32, #tpu.memory_space<vmem>> -> memref<1x32xf32, #tpu.memory_space<vmem>>
          %dma_start3A_180 = arith.constant 0 : i32
          %dma_start3A_181 = tpu.memref_slice %arg4[%squeeze3A_170, %dma_start3A_180] : memref<1000000x32xf32, #tpu.memory_space<hbm>> -> memref<1x32xf32, #tpu.memory_space<hbm>>
          %dma_start3A_182 = tpu.memref_slice %arg14[%select_n3A_93] : memref<2x!tpu.dma_semaphore, #tpu.memory_space<semaphore_mem>> -> memref<1x!tpu.dma_semaphore, #tpu.memory_space<semaphore_mem>>
          %dma_start3A_183 = tpu.memref_squeeze %dma_start3A_182 : memref<1x!tpu.dma_semaphore, #tpu.memory_space<semaphore_mem>> -> memref<!tpu.dma_semaphore, #tpu.memory_space<semaphore_mem>>
          %dma_start3A_184 = arith.constant 0 : i32
          %dma_start3A_185 = tpu.memref_slice %arg9[%select_n3A_93, %add3A_176, %dma_start3A_184] : memref<2x64x32xf32, #tpu.memory_space<vmem>> -> memref<1x1x32xf32, #tpu.memory_space<vmem>>
          %dma_start3A_186 = tpu.memref_squeeze %dma_start3A_185 : memref<1x1x32xf32, #tpu.memory_space<vmem>> -> memref<1x32xf32, #tpu.memory_space<vmem>>
          %dma_start3A_187 = arith.constant 0 : i32
          %dma_start3A_188 = tpu.memref_slice %arg4[%squeeze3A_170, %dma_start3A_187] : memref<1000000x32xf32, #tpu.memory_space<hbm>> -> memref<1x32xf32, #tpu.memory_space<hbm>>
          tpu.enqueue_dma source(%dma_start3A_188 : memref<1x32xf32, #tpu.memory_space<hbm>>) target(%dma_start3A_186 : memref<1x32xf32, #tpu.memory_space<vmem>>) target_semaphore(%dma_start3A_183 : memref<!tpu.dma_semaphore, #tpu.memory_space<semaphore_mem>>)
          %dma_start3A_189 = arith.constant 0 : i32
          %dma_start3A_190 = tpu.memref_slice %arg10[%select_n3A_93, %add3A_176, %dma_start3A_189] : memref<2x64x32xf32, #tpu.memory_space<vmem>> -> memref<1x1x32xf32, #tpu.memory_space<vmem>>
          %dma_start3A_191 = tpu.memref_squeeze %dma_start3A_190 : memref<1x1x32xf32, #tpu.memory_space<vmem>> -> memref<1x32xf32, #tpu.memory_space<vmem>>
          %dma_start3A_192 = arith.constant 0 : i32
          %dma_start3A_193 = tpu.memref_slice %arg5[%squeeze3A_172, %dma_start3A_192] : memref<100000x32xf32, #tpu.memory_space<hbm>> -> memref<1x32xf32, #tpu.memory_space<hbm>>
          %dma_start3A_194 = tpu.memref_slice %arg14[%select_n3A_93] : memref<2x!tpu.dma_semaphore, #tpu.memory_space<semaphore_mem>> -> memref<1x!tpu.dma_semaphore, #tpu.memory_space<semaphore_mem>>
          %dma_start3A_195 = tpu.memref_squeeze %dma_start3A_194 : memref<1x!tpu.dma_semaphore, #tpu.memory_space<semaphore_mem>> -> memref<!tpu.dma_semaphore, #tpu.memory_space<semaphore_mem>>
          %dma_start3A_196 = arith.constant 0 : i32
          %dma_start3A_197 = tpu.memref_slice %arg10[%select_n3A_93, %add3A_176, %dma_start3A_196] : memref<2x64x32xf32, #tpu.memory_space<vmem>> -> memref<1x1x32xf32, #tpu.memory_space<vmem>>
          %dma_start3A_198 = tpu.memref_squeeze %dma_start3A_197 : memref<1x1x32xf32, #tpu.memory_space<vmem>> -> memref<1x32xf32, #tpu.memory_space<vmem>>
          %dma_start3A_199 = arith.constant 0 : i32
          %dma_start3A_200 = tpu.memref_slice %arg5[%squeeze3A_172, %dma_start3A_199] : memref<100000x32xf32, #tpu.memory_space<hbm>> -> memref<1x32xf32, #tpu.memory_space<hbm>>
          tpu.enqueue_dma source(%dma_start3A_200 : memref<1x32xf32, #tpu.memory_space<hbm>>) target(%dma_start3A_198 : memref<1x32xf32, #tpu.memory_space<vmem>>) target_semaphore(%dma_start3A_195 : memref<!tpu.dma_semaphore, #tpu.memory_space<semaphore_mem>>)
          %slice3A_201 = vector.extract_strided_slice %get3A_105 {offsets = [3], sizes = [1], strides = [1]} : vector<16xi32> to vector<1xi32>
          %squeeze3A_202 = vector.extract %slice3A_201[0] : i32 from vector<1xi32>
          %slice3A_203 = vector.extract_strided_slice %get3A_107 {offsets = [3], sizes = [1], strides = [1]} : vector<16xi32> to vector<1xi32>
          %squeeze3A_204 = vector.extract %slice3A_203[0] : i32 from vector<1xi32>
          %mul3A_205 = arith.constant 16 : i32
          %mul3A_206 = arith.muli %scan3A_99, %mul3A_205 : i32
          %add3A_207 = arith.constant 3 : i32
          %add3A_208 = arith.addi %mul3A_206, %add3A_207 : i32
          %dma_start3A_209 = arith.constant 0 : i32
          %dma_start3A_210 = tpu.memref_slice %arg9[%select_n3A_93, %add3A_208, %dma_start3A_209] : memref<2x64x32xf32, #tpu.memory_space<vmem>> -> memref<1x1x32xf32, #tpu.memory_space<vmem>>
          %dma_start3A_211 = tpu.memref_squeeze %dma_start3A_210 : memref<1x1x32xf32, #tpu.memory_space<vmem>> -> memref<1x32xf32, #tpu.memory_space<vmem>>
          %dma_start3A_212 = arith.constant 0 : i32
          %dma_start3A_213 = tpu.memref_slice %arg4[%squeeze3A_202, %dma_start3A_212] : memref<1000000x32xf32, #tpu.memory_space<hbm>> -> memref<1x32xf32, #tpu.memory_space<hbm>>
          %dma_start3A_214 = tpu.memref_slice %arg14[%select_n3A_93] : memref<2x!tpu.dma_semaphore, #tpu.memory_space<semaphore_mem>> -> memref<1x!tpu.dma_semaphore, #tpu.memory_space<semaphore_mem>>
          %dma_start3A_215 = tpu.memref_squeeze %dma_start3A_214 : memref<1x!tpu.dma_semaphore, #tpu.memory_space<semaphore_mem>> -> memref<!tpu.dma_semaphore, #tpu.memory_space<semaphore_mem>>
          %dma_start3A_216 = arith.constant 0 : i32
          %dma_start3A_217 = tpu.memref_slice %arg9[%select_n3A_93, %add3A_208, %dma_start3A_216] : memref<2x64x32xf32, #tpu.memory_space<vmem>> -> memref<1x1x32xf32, #tpu.memory_space<vmem>>
          %dma_start3A_218 = tpu.memref_squeeze %dma_start3A_217 : memref<1x1x32xf32, #tpu.memory_space<vmem>> -> memref<1x32xf32, #tpu.memory_space<vmem>>
          %dma_start3A_219 = arith.constant 0 : i32
          %dma_start3A_220 = tpu.memref_slice %arg4[%squeeze3A_202, %dma_start3A_219] : memref<1000000x32xf32, #tpu.memory_space<hbm>> -> memref<1x32xf32, #tpu.memory_space<hbm>>
          tpu.enqueue_dma source(%dma_start3A_220 : memref<1x32xf32, #tpu.memory_space<hbm>>) target(%dma_start3A_218 : memref<1x32xf32, #tpu.memory_space<vmem>>) target_semaphore(%dma_start3A_215 : memref<!tpu.dma_semaphore, #tpu.memory_space<semaphore_mem>>)
          %dma_start3A_221 = arith.constant 0 : i32
          %dma_start3A_222 = tpu.memref_slice %arg10[%select_n3A_93, %add3A_208, %dma_start3A_221] : memref<2x64x32xf32, #tpu.memory_space<vmem>> -> memref<1x1x32xf32, #tpu.memory_space<vmem>>
          %dma_start3A_223 = tpu.memref_squeeze %dma_start3A_222 : memref<1x1x32xf32, #tpu.memory_space<vmem>> -> memref<1x32xf32, #tpu.memory_space<vmem>>
          %dma_start3A_224 = arith.constant 0 : i32
          %dma_start3A_225 = tpu.memref_slice %arg5[%squeeze3A_204, %dma_start3A_224] : memref<100000x32xf32, #tpu.memory_space<hbm>> -> memref<1x32xf32, #tpu.memory_space<hbm>>
          %dma_start3A_226 = tpu.memref_slice %arg14[%select_n3A_93] : memref<2x!tpu.dma_semaphore, #tpu.memory_space<semaphore_mem>> -> memref<1x!tpu.dma_semaphore, #tpu.memory_space<semaphore_mem>>
          %dma_start3A_227 = tpu.memref_squeeze %dma_start3A_226 : memref<1x!tpu.dma_semaphore, #tpu.memory_space<semaphore_mem>> -> memref<!tpu.dma_semaphore, #tpu.memory_space<semaphore_mem>>
          %dma_start3A_228 = arith.constant 0 : i32
          %dma_start3A_229 = tpu.memref_slice %arg10[%select_n3A_93, %add3A_208, %dma_start3A_228] : memref<2x64x32xf32, #tpu.memory_space<vmem>> -> memref<1x1x32xf32, #tpu.memory_space<vmem>>
          %dma_start3A_230 = tpu.memref_squeeze %dma_start3A_229 : memref<1x1x32xf32, #tpu.memory_space<vmem>> -> memref<1x32xf32, #tpu.memory_space<vmem>>
          %dma_start3A_231 = arith.constant 0 : i32
          %dma_start3A_232 = tpu.memref_slice %arg5[%squeeze3A_204, %dma_start3A_231] : memref<100000x32xf32, #tpu.memory_space<hbm>> -> memref<1x32xf32, #tpu.memory_space<hbm>>
          tpu.enqueue_dma source(%dma_start3A_232 : memref<1x32xf32, #tpu.memory_space<hbm>>) target(%dma_start3A_230 : memref<1x32xf32, #tpu.memory_space<vmem>>) target_semaphore(%dma_start3A_227 : memref<!tpu.dma_semaphore, #tpu.memory_space<semaphore_mem>>)
          %slice3A_233 = vector.extract_strided_slice %get3A_105 {offsets = [4], sizes = [1], strides = [1]} : vector<16xi32> to vector<1xi32>
          %squeeze3A_234 = vector.extract %slice3A_233[0] : i32 from vector<1xi32>
          %slice3A_235 = vector.extract_strided_slice %get3A_107 {offsets = [4], sizes = [1], strides = [1]} : vector<16xi32> to vector<1xi32>
          %squeeze3A_236 = vector.extract %slice3A_235[0] : i32 from vector<1xi32>
          %mul3A_237 = arith.constant 16 : i32
          %mul3A_238 = arith.muli %scan3A_99, %mul3A_237 : i32
          %add3A_239 = arith.constant 4 : i32
          %add3A_240 = arith.addi %mul3A_238, %add3A_239 : i32
          %dma_start3A_241 = arith.constant 0 : i32
          %dma_start3A_242 = tpu.memref_slice %arg9[%select_n3A_93, %add3A_240, %dma_start3A_241] : memref<2x64x32xf32, #tpu.memory_space<vmem>> -> memref<1x1x32xf32, #tpu.memory_space<vmem>>
          %dma_start3A_243 = tpu.memref_squeeze %dma_start3A_242 : memref<1x1x32xf32, #tpu.memory_space<vmem>> -> memref<1x32xf32, #tpu.memory_space<vmem>>
          %dma_start3A_244 = arith.constant 0 : i32
          %dma_start3A_245 = tpu.memref_slice %arg4[%squeeze3A_234, %dma_start3A_244] : memref<1000000x32xf32, #tpu.memory_space<hbm>> -> memref<1x32xf32, #tpu.memory_space<hbm>>
          %dma_start3A_246 = tpu.memref_slice %arg14[%select_n3A_93] : memref<2x!tpu.dma_semaphore, #tpu.memory_space<semaphore_mem>> -> memref<1x!tpu.dma_semaphore, #tpu.memory_space<semaphore_mem>>
          %dma_start3A_247 = tpu.memref_squeeze %dma_start3A_246 : memref<1x!tpu.dma_semaphore, #tpu.memory_space<semaphore_mem>> -> memref<!tpu.dma_semaphore, #tpu.memory_space<semaphore_mem>>
          %dma_start3A_248 = arith.constant 0 : i32
          %dma_start3A_249 = tpu.memref_slice %arg9[%select_n3A_93, %add3A_240, %dma_start3A_248] : memref<2x64x32xf32, #tpu.memory_space<vmem>> -> memref<1x1x32xf32, #tpu.memory_space<vmem>>
          %dma_start3A_250 = tpu.memref_squeeze %dma_start3A_249 : memref<1x1x32xf32, #tpu.memory_space<vmem>> -> memref<1x32xf32, #tpu.memory_space<vmem>>
          %dma_start3A_251 = arith.constant 0 : i32
          %dma_start3A_252 = tpu.memref_slice %arg4[%squeeze3A_234, %dma_start3A_251] : memref<1000000x32xf32, #tpu.memory_space<hbm>> -> memref<1x32xf32, #tpu.memory_space<hbm>>
          tpu.enqueue_dma source(%dma_start3A_252 : memref<1x32xf32, #tpu.memory_space<hbm>>) target(%dma_start3A_250 : memref<1x32xf32, #tpu.memory_space<vmem>>) target_semaphore(%dma_start3A_247 : memref<!tpu.dma_semaphore, #tpu.memory_space<semaphore_mem>>)
          %dma_start3A_253 = arith.constant 0 : i32
          %dma_start3A_254 = tpu.memref_slice %arg10[%select_n3A_93, %add3A_240, %dma_start3A_253] : memref<2x64x32xf32, #tpu.memory_space<vmem>> -> memref<1x1x32xf32, #tpu.memory_space<vmem>>
          %dma_start3A_255 = tpu.memref_squeeze %dma_start3A_254 : memref<1x1x32xf32, #tpu.memory_space<vmem>> -> memref<1x32xf32, #tpu.memory_space<vmem>>
          %dma_start3A_256 = arith.constant 0 : i32
          %dma_start3A_257 = tpu.memref_slice %arg5[%squeeze3A_236, %dma_start3A_256] : memref<100000x32xf32, #tpu.memory_space<hbm>> -> memref<1x32xf32, #tpu.memory_space<hbm>>
          %dma_start3A_258 = tpu.memref_slice %arg14[%select_n3A_93] : memref<2x!tpu.dma_semaphore, #tpu.memory_space<semaphore_mem>> -> memref<1x!tpu.dma_semaphore, #tpu.memory_space<semaphore_mem>>
          %dma_start3A_259 = tpu.memref_squeeze %dma_start3A_258 : memref<1x!tpu.dma_semaphore, #tpu.memory_space<semaphore_mem>> -> memref<!tpu.dma_semaphore, #tpu.memory_space<semaphore_mem>>
          %dma_start3A_260 = arith.constant 0 : i32
          %dma_start3A_261 = tpu.memref_slice %arg10[%select_n3A_93, %add3A_240, %dma_start3A_260] : memref<2x64x32xf32, #tpu.memory_space<vmem>> -> memref<1x1x32xf32, #tpu.memory_space<vmem>>
          %dma_start3A_262 = tpu.memref_squeeze %dma_start3A_261 : memref<1x1x32xf32, #tpu.memory_space<vmem>> -> memref<1x32xf32, #tpu.memory_space<vmem>>
          %dma_start3A_263 = arith.constant 0 : i32
          %dma_start3A_264 = tpu.memref_slice %arg5[%squeeze3A_236, %dma_start3A_263] : memref<100000x32xf32, #tpu.memory_space<hbm>> -> memref<1x32xf32, #tpu.memory_space<hbm>>
          tpu.enqueue_dma source(%dma_start3A_264 : memref<1x32xf32, #tpu.memory_space<hbm>>) target(%dma_start3A_262 : memref<1x32xf32, #tpu.memory_space<vmem>>) target_semaphore(%dma_start3A_259 : memref<!tpu.dma_semaphore, #tpu.memory_space<semaphore_mem>>)
          %slice3A_265 = vector.extract_strided_slice %get3A_105 {offsets = [5], sizes = [1], strides = [1]} : vector<16xi32> to vector<1xi32>
          %squeeze3A_266 = vector.extract %slice3A_265[0] : i32 from vector<1xi32>
          %slice3A_267 = vector.extract_strided_slice %get3A_107 {offsets = [5], sizes = [1], strides = [1]} : vector<16xi32> to vector<1xi32>
          %squeeze3A_268 = vector.extract %slice3A_267[0] : i32 from vector<1xi32>
          %mul3A_269 = arith.constant 16 : i32
          %mul3A_270 = arith.muli %scan3A_99, %mul3A_269 : i32
          %add3A_271 = arith.constant 5 : i32
          %add3A_272 = arith.addi %mul3A_270, %add3A_271 : i32
          %dma_start3A_273 = arith.constant 0 : i32
          %dma_start3A_274 = tpu.memref_slice %arg9[%select_n3A_93, %add3A_272, %dma_start3A_273] : memref<2x64x32xf32, #tpu.memory_space<vmem>> -> memref<1x1x32xf32, #tpu.memory_space<vmem>>
          %dma_start3A_275 = tpu.memref_squeeze %dma_start3A_274 : memref<1x1x32xf32, #tpu.memory_space<vmem>> -> memref<1x32xf32, #tpu.memory_space<vmem>>
          %dma_start3A_276 = arith.constant 0 : i32
          %dma_start3A_277 = tpu.memref_slice %arg4[%squeeze3A_266, %dma_start3A_276] : memref<1000000x32xf32, #tpu.memory_space<hbm>> -> memref<1x32xf32, #tpu.memory_space<hbm>>
          %dma_start3A_278 = tpu.memref_slice %arg14[%select_n3A_93] : memref<2x!tpu.dma_semaphore, #tpu.memory_space<semaphore_mem>> -> memref<1x!tpu.dma_semaphore, #tpu.memory_space<semaphore_mem>>
          %dma_start3A_279 = tpu.memref_squeeze %dma_start3A_278 : memref<1x!tpu.dma_semaphore, #tpu.memory_space<semaphore_mem>> -> memref<!tpu.dma_semaphore, #tpu.memory_space<semaphore_mem>>
          %dma_start3A_280 = arith.constant 0 : i32
          %dma_start3A_281 = tpu.memref_slice %arg9[%select_n3A_93, %add3A_272, %dma_start3A_280] : memref<2x64x32xf32, #tpu.memory_space<vmem>> -> memref<1x1x32xf32, #tpu.memory_space<vmem>>
          %dma_start3A_282 = tpu.memref_squeeze %dma_start3A_281 : memref<1x1x32xf32, #tpu.memory_space<vmem>> -> memref<1x32xf32, #tpu.memory_space<vmem>>
          %dma_start3A_283 = arith.constant 0 : i32
          %dma_start3A_284 = tpu.memref_slice %arg4[%squeeze3A_266, %dma_start3A_283] : memref<1000000x32xf32, #tpu.memory_space<hbm>> -> memref<1x32xf32, #tpu.memory_space<hbm>>
          tpu.enqueue_dma source(%dma_start3A_284 : memref<1x32xf32, #tpu.memory_space<hbm>>) target(%dma_start3A_282 : memref<1x32xf32, #tpu.memory_space<vmem>>) target_semaphore(%dma_start3A_279 : memref<!tpu.dma_semaphore, #tpu.memory_space<semaphore_mem>>)
          %dma_start3A_285 = arith.constant 0 : i32
          %dma_start3A_286 = tpu.memref_slice %arg10[%select_n3A_93, %add3A_272, %dma_start3A_285] : memref<2x64x32xf32, #tpu.memory_space<vmem>> -> memref<1x1x32xf32, #tpu.memory_space<vmem>>
          %dma_start3A_287 = tpu.memref_squeeze %dma_start3A_286 : memref<1x1x32xf32, #tpu.memory_space<vmem>> -> memref<1x32xf32, #tpu.memory_space<vmem>>
          %dma_start3A_288 = arith.constant 0 : i32
          %dma_start3A_289 = tpu.memref_slice %arg5[%squeeze3A_268, %dma_start3A_288] : memref<100000x32xf32, #tpu.memory_space<hbm>> -> memref<1x32xf32, #tpu.memory_space<hbm>>
          %dma_start3A_290 = tpu.memref_slice %arg14[%select_n3A_93] : memref<2x!tpu.dma_semaphore, #tpu.memory_space<semaphore_mem>> -> memref<1x!tpu.dma_semaphore, #tpu.memory_space<semaphore_mem>>
          %dma_start3A_291 = tpu.memref_squeeze %dma_start3A_290 : memref<1x!tpu.dma_semaphore, #tpu.memory_space<semaphore_mem>> -> memref<!tpu.dma_semaphore, #tpu.memory_space<semaphore_mem>>
          %dma_start3A_292 = arith.constant 0 : i32
          %dma_start3A_293 = tpu.memref_slice %arg10[%select_n3A_93, %add3A_272, %dma_start3A_292] : memref<2x64x32xf32, #tpu.memory_space<vmem>> -> memref<1x1x32xf32, #tpu.memory_space<vmem>>
          %dma_start3A_294 = tpu.memref_squeeze %dma_start3A_293 : memref<1x1x32xf32, #tpu.memory_space<vmem>> -> memref<1x32xf32, #tpu.memory_space<vmem>>
          %dma_start3A_295 = arith.constant 0 : i32
          %dma_start3A_296 = tpu.memref_slice %arg5[%squeeze3A_268, %dma_start3A_295] : memref<100000x32xf32, #tpu.memory_space<hbm>> -> memref<1x32xf32, #tpu.memory_space<hbm>>
          tpu.enqueue_dma source(%dma_start3A_296 : memref<1x32xf32, #tpu.memory_space<hbm>>) target(%dma_start3A_294 : memref<1x32xf32, #tpu.memory_space<vmem>>) target_semaphore(%dma_start3A_291 : memref<!tpu.dma_semaphore, #tpu.memory_space<semaphore_mem>>)
          %slice3A_297 = vector.extract_strided_slice %get3A_105 {offsets = [6], sizes = [1], strides = [1]} : vector<16xi32> to vector<1xi32>
          %squeeze3A_298 = vector.extract %slice3A_297[0] : i32 from vector<1xi32>
          %slice3A_299 = vector.extract_strided_slice %get3A_107 {offsets = [6], sizes = [1], strides = [1]} : vector<16xi32> to vector<1xi32>
          %squeeze3A_300 = vector.extract %slice3A_299[0] : i32 from vector<1xi32>
          %mul3A_301 = arith.constant 16 : i32
          %mul3A_302 = arith.muli %scan3A_99, %mul3A_301 : i32
          %add3A_303 = arith.constant 6 : i32
          %add3A_304 = arith.addi %mul3A_302, %add3A_303 : i32
          %dma_start3A_305 = arith.constant 0 : i32
          %dma_start3A_306 = tpu.memref_slice %arg9[%select_n3A_93, %add3A_304, %dma_start3A_305] : memref<2x64x32xf32, #tpu.memory_space<vmem>> -> memref<1x1x32xf32, #tpu.memory_space<vmem>>
          %dma_start3A_307 = tpu.memref_squeeze %dma_start3A_306 : memref<1x1x32xf32, #tpu.memory_space<vmem>> -> memref<1x32xf32, #tpu.memory_space<vmem>>
          %dma_start3A_308 = arith.constant 0 : i32
          %dma_start3A_309 = tpu.memref_slice %arg4[%squeeze3A_298, %dma_start3A_308] : memref<1000000x32xf32, #tpu.memory_space<hbm>> -> memref<1x32xf32, #tpu.memory_space<hbm>>
          %dma_start3A_310 = tpu.memref_slice %arg14[%select_n3A_93] : memref<2x!tpu.dma_semaphore, #tpu.memory_space<semaphore_mem>> -> memref<1x!tpu.dma_semaphore, #tpu.memory_space<semaphore_mem>>
          %dma_start3A_311 = tpu.memref_squeeze %dma_start3A_310 : memref<1x!tpu.dma_semaphore, #tpu.memory_space<semaphore_mem>> -> memref<!tpu.dma_semaphore, #tpu.memory_space<semaphore_mem>>
          %dma_start3A_312 = arith.constant 0 : i32
          %dma_start3A_313 = tpu.memref_slice %arg9[%select_n3A_93, %add3A_304, %dma_start3A_312] : memref<2x64x32xf32, #tpu.memory_space<vmem>> -> memref<1x1x32xf32, #tpu.memory_space<vmem>>
          %dma_start3A_314 = tpu.memref_squeeze %dma_start3A_313 : memref<1x1x32xf32, #tpu.memory_space<vmem>> -> memref<1x32xf32, #tpu.memory_space<vmem>>
          %dma_start3A_315 = arith.constant 0 : i32
          %dma_start3A_316 = tpu.memref_slice %arg4[%squeeze3A_298, %dma_start3A_315] : memref<1000000x32xf32, #tpu.memory_space<hbm>> -> memref<1x32xf32, #tpu.memory_space<hbm>>
          tpu.enqueue_dma source(%dma_start3A_316 : memref<1x32xf32, #tpu.memory_space<hbm>>) target(%dma_start3A_314 : memref<1x32xf32, #tpu.memory_space<vmem>>) target_semaphore(%dma_start3A_311 : memref<!tpu.dma_semaphore, #tpu.memory_space<semaphore_mem>>)
          %dma_start3A_317 = arith.constant 0 : i32
          %dma_start3A_318 = tpu.memref_slice %arg10[%select_n3A_93, %add3A_304, %dma_start3A_317] : memref<2x64x32xf32, #tpu.memory_space<vmem>> -> memref<1x1x32xf32, #tpu.memory_space<vmem>>
          %dma_start3A_319 = tpu.memref_squeeze %dma_start3A_318 : memref<1x1x32xf32, #tpu.memory_space<vmem>> -> memref<1x32xf32, #tpu.memory_space<vmem>>
          %dma_start3A_320 = arith.constant 0 : i32
          %dma_start3A_321 = tpu.memref_slice %arg5[%squeeze3A_300, %dma_start3A_320] : memref<100000x32xf32, #tpu.memory_space<hbm>> -> memref<1x32xf32, #tpu.memory_space<hbm>>
          %dma_start3A_322 = tpu.memref_slice %arg14[%select_n3A_93] : memref<2x!tpu.dma_semaphore, #tpu.memory_space<semaphore_mem>> -> memref<1x!tpu.dma_semaphore, #tpu.memory_space<semaphore_mem>>
          %dma_start3A_323 = tpu.memref_squeeze %dma_start3A_322 : memref<1x!tpu.dma_semaphore, #tpu.memory_space<semaphore_mem>> -> memref<!tpu.dma_semaphore, #tpu.memory_space<semaphore_mem>>
          %dma_start3A_324 = arith.constant 0 : i32
          %dma_start3A_325 = tpu.memref_slice %arg10[%select_n3A_93, %add3A_304, %dma_start3A_324] : memref<2x64x32xf32, #tpu.memory_space<vmem>> -> memref<1x1x32xf32, #tpu.memory_space<vmem>>
          %dma_start3A_326 = tpu.memref_squeeze %dma_start3A_325 : memref<1x1x32xf32, #tpu.memory_space<vmem>> -> memref<1x32xf32, #tpu.memory_space<vmem>>
          %dma_start3A_327 = arith.constant 0 : i32
          %dma_start3A_328 = tpu.memref_slice %arg5[%squeeze3A_300, %dma_start3A_327] : memref<100000x32xf32, #tpu.memory_space<hbm>> -> memref<1x32xf32, #tpu.memory_space<hbm>>
          tpu.enqueue_dma source(%dma_start3A_328 : memref<1x32xf32, #tpu.memory_space<hbm>>) target(%dma_start3A_326 : memref<1x32xf32, #tpu.memory_space<vmem>>) target_semaphore(%dma_start3A_323 : memref<!tpu.dma_semaphore, #tpu.memory_space<semaphore_mem>>)
          %slice3A_329 = vector.extract_strided_slice %get3A_105 {offsets = [7], sizes = [1], strides = [1]} : vector<16xi32> to vector<1xi32>
          %squeeze3A_330 = vector.extract %slice3A_329[0] : i32 from vector<1xi32>
          %slice3A_331 = vector.extract_strided_slice %get3A_107 {offsets = [7], sizes = [1], strides = [1]} : vector<16xi32> to vector<1xi32>
          %squeeze3A_332 = vector.extract %slice3A_331[0] : i32 from vector<1xi32>
          %mul3A_333 = arith.constant 16 : i32
          %mul3A_334 = arith.muli %scan3A_99, %mul3A_333 : i32
          %add3A_335 = arith.constant 7 : i32
          %add3A_336 = arith.addi %mul3A_334, %add3A_335 : i32
          %dma_start3A_337 = arith.constant 0 : i32
          %dma_start3A_338 = tpu.memref_slice %arg9[%select_n3A_93, %add3A_336, %dma_start3A_337] : memref<2x64x32xf32, #tpu.memory_space<vmem>> -> memref<1x1x32xf32, #tpu.memory_space<vmem>>
          %dma_start3A_339 = tpu.memref_squeeze %dma_start3A_338 : memref<1x1x32xf32, #tpu.memory_space<vmem>> -> memref<1x32xf32, #tpu.memory_space<vmem>>
          %dma_start3A_340 = arith.constant 0 : i32
          %dma_start3A_341 = tpu.memref_slice %arg4[%squeeze3A_330, %dma_start3A_340] : memref<1000000x32xf32, #tpu.memory_space<hbm>> -> memref<1x32xf32, #tpu.memory_space<hbm>>
          %dma_start3A_342 = tpu.memref_slice %arg14[%select_n3A_93] : memref<2x!tpu.dma_semaphore, #tpu.memory_space<semaphore_mem>> -> memref<1x!tpu.dma_semaphore, #tpu.memory_space<semaphore_mem>>
          %dma_start3A_343 = tpu.memref_squeeze %dma_start3A_342 : memref<1x!tpu.dma_semaphore, #tpu.memory_space<semaphore_mem>> -> memref<!tpu.dma_semaphore, #tpu.memory_space<semaphore_mem>>
          %dma_start3A_344 = arith.constant 0 : i32
          %dma_start3A_345 = tpu.memref_slice %arg9[%select_n3A_93, %add3A_336, %dma_start3A_344] : memref<2x64x32xf32, #tpu.memory_space<vmem>> -> memref<1x1x32xf32, #tpu.memory_space<vmem>>
          %dma_start3A_346 = tpu.memref_squeeze %dma_start3A_345 : memref<1x1x32xf32, #tpu.memory_space<vmem>> -> memref<1x32xf32, #tpu.memory_space<vmem>>
          %dma_start3A_347 = arith.constant 0 : i32
          %dma_start3A_348 = tpu.memref_slice %arg4[%squeeze3A_330, %dma_start3A_347] : memref<1000000x32xf32, #tpu.memory_space<hbm>> -> memref<1x32xf32, #tpu.memory_space<hbm>>
          tpu.enqueue_dma source(%dma_start3A_348 : memref<1x32xf32, #tpu.memory_space<hbm>>) target(%dma_start3A_346 : memref<1x32xf32, #tpu.memory_space<vmem>>) target_semaphore(%dma_start3A_343 : memref<!tpu.dma_semaphore, #tpu.memory_space<semaphore_mem>>)
          %dma_start3A_349 = arith.constant 0 : i32
          %dma_start3A_350 = tpu.memref_slice %arg10[%select_n3A_93, %add3A_336, %dma_start3A_349] : memref<2x64x32xf32, #tpu.memory_space<vmem>> -> memref<1x1x32xf32, #tpu.memory_space<vmem>>
          %dma_start3A_351 = tpu.memref_squeeze %dma_start3A_350 : memref<1x1x32xf32, #tpu.memory_space<vmem>> -> memref<1x32xf32, #tpu.memory_space<vmem>>
          %dma_start3A_352 = arith.constant 0 : i32
          %dma_start3A_353 = tpu.memref_slice %arg5[%squeeze3A_332, %dma_start3A_352] : memref<100000x32xf32, #tpu.memory_space<hbm>> -> memref<1x32xf32, #tpu.memory_space<hbm>>
          %dma_start3A_354 = tpu.memref_slice %arg14[%select_n3A_93] : memref<2x!tpu.dma_semaphore, #tpu.memory_space<semaphore_mem>> -> memref<1x!tpu.dma_semaphore, #tpu.memory_space<semaphore_mem>>
          %dma_start3A_355 = tpu.memref_squeeze %dma_start3A_354 : memref<1x!tpu.dma_semaphore, #tpu.memory_space<semaphore_mem>> -> memref<!tpu.dma_semaphore, #tpu.memory_space<semaphore_mem>>
          %dma_start3A_356 = arith.constant 0 : i32
          %dma_start3A_357 = tpu.memref_slice %arg10[%select_n3A_93, %add3A_336, %dma_start3A_356] : memref<2x64x32xf32, #tpu.memory_space<vmem>> -> memref<1x1x32xf32, #tpu.memory_space<vmem>>
          %dma_start3A_358 = tpu.memref_squeeze %dma_start3A_357 : memref<1x1x32xf32, #tpu.memory_space<vmem>> -> memref<1x32xf32, #tpu.memory_space<vmem>>
          %dma_start3A_359 = arith.constant 0 : i32
          %dma_start3A_360 = tpu.memref_slice %arg5[%squeeze3A_332, %dma_start3A_359] : memref<100000x32xf32, #tpu.memory_space<hbm>> -> memref<1x32xf32, #tpu.memory_space<hbm>>
          tpu.enqueue_dma source(%dma_start3A_360 : memref<1x32xf32, #tpu.memory_space<hbm>>) target(%dma_start3A_358 : memref<1x32xf32, #tpu.memory_space<vmem>>) target_semaphore(%dma_start3A_355 : memref<!tpu.dma_semaphore, #tpu.memory_space<semaphore_mem>>)
          %slice3A_361 = vector.extract_strided_slice %get3A_105 {offsets = [8], sizes = [1], strides = [1]} : vector<16xi32> to vector<1xi32>
          %squeeze3A_362 = vector.extract %slice3A_361[0] : i32 from vector<1xi32>
          %slice3A_363 = vector.extract_strided_slice %get3A_107 {offsets = [8], sizes = [1], strides = [1]} : vector<16xi32> to vector<1xi32>
          %squeeze3A_364 = vector.extract %slice3A_363[0] : i32 from vector<1xi32>
          %mul3A_365 = arith.constant 16 : i32
          %mul3A_366 = arith.muli %scan3A_99, %mul3A_365 : i32
          %add3A_367 = arith.constant 8 : i32
          %add3A_368 = arith.addi %mul3A_366, %add3A_367 : i32
          %dma_start3A_369 = arith.constant 0 : i32
          %dma_start3A_370 = tpu.memref_slice %arg9[%select_n3A_93, %add3A_368, %dma_start3A_369] : memref<2x64x32xf32, #tpu.memory_space<vmem>> -> memref<1x1x32xf32, #tpu.memory_space<vmem>>
          %dma_start3A_371 = tpu.memref_squeeze %dma_start3A_370 : memref<1x1x32xf32, #tpu.memory_space<vmem>> -> memref<1x32xf32, #tpu.memory_space<vmem>>
          %dma_start3A_372 = arith.constant 0 : i32
          %dma_start3A_373 = tpu.memref_slice %arg4[%squeeze3A_362, %dma_start3A_372] : memref<1000000x32xf32, #tpu.memory_space<hbm>> -> memref<1x32xf32, #tpu.memory_space<hbm>>
          %dma_start3A_374 = tpu.memref_slice %arg14[%select_n3A_93] : memref<2x!tpu.dma_semaphore, #tpu.memory_space<semaphore_mem>> -> memref<1x!tpu.dma_semaphore, #tpu.memory_space<semaphore_mem>>
          %dma_start3A_375 = tpu.memref_squeeze %dma_start3A_374 : memref<1x!tpu.dma_semaphore, #tpu.memory_space<semaphore_mem>> -> memref<!tpu.dma_semaphore, #tpu.memory_space<semaphore_mem>>
          %dma_start3A_376 = arith.constant 0 : i32
          %dma_start3A_377 = tpu.memref_slice %arg9[%select_n3A_93, %add3A_368, %dma_start3A_376] : memref<2x64x32xf32, #tpu.memory_space<vmem>> -> memref<1x1x32xf32, #tpu.memory_space<vmem>>
          %dma_start3A_378 = tpu.memref_squeeze %dma_start3A_377 : memref<1x1x32xf32, #tpu.memory_space<vmem>> -> memref<1x32xf32, #tpu.memory_space<vmem>>
          %dma_start3A_379 = arith.constant 0 : i32
          %dma_start3A_380 = tpu.memref_slice %arg4[%squeeze3A_362, %dma_start3A_379] : memref<1000000x32xf32, #tpu.memory_space<hbm>> -> memref<1x32xf32, #tpu.memory_space<hbm>>
          tpu.enqueue_dma source(%dma_start3A_380 : memref<1x32xf32, #tpu.memory_space<hbm>>) target(%dma_start3A_378 : memref<1x32xf32, #tpu.memory_space<vmem>>) target_semaphore(%dma_start3A_375 : memref<!tpu.dma_semaphore, #tpu.memory_space<semaphore_mem>>)
          %dma_start3A_381 = arith.constant 0 : i32
          %dma_start3A_382 = tpu.memref_slice %arg10[%select_n3A_93, %add3A_368, %dma_start3A_381] : memref<2x64x32xf32, #tpu.memory_space<vmem>> -> memref<1x1x32xf32, #tpu.memory_space<vmem>>
          %dma_start3A_383 = tpu.memref_squeeze %dma_start3A_382 : memref<1x1x32xf32, #tpu.memory_space<vmem>> -> memref<1x32xf32, #tpu.memory_space<vmem>>
          %dma_start3A_384 = arith.constant 0 : i32
          %dma_start3A_385 = tpu.memref_slice %arg5[%squeeze3A_364, %dma_start3A_384] : memref<100000x32xf32, #tpu.memory_space<hbm>> -> memref<1x32xf32, #tpu.memory_space<hbm>>
          %dma_start3A_386 = tpu.memref_slice %arg14[%select_n3A_93] : memref<2x!tpu.dma_semaphore, #tpu.memory_space<semaphore_mem>> -> memref<1x!tpu.dma_semaphore, #tpu.memory_space<semaphore_mem>>
          %dma_start3A_387 = tpu.memref_squeeze %dma_start3A_386 : memref<1x!tpu.dma_semaphore, #tpu.memory_space<semaphore_mem>> -> memref<!tpu.dma_semaphore, #tpu.memory_space<semaphore_mem>>
          %dma_start3A_388 = arith.constant 0 : i32
          %dma_start3A_389 = tpu.memref_slice %arg10[%select_n3A_93, %add3A_368, %dma_start3A_388] : memref<2x64x32xf32, #tpu.memory_space<vmem>> -> memref<1x1x32xf32, #tpu.memory_space<vmem>>
          %dma_start3A_390 = tpu.memref_squeeze %dma_start3A_389 : memref<1x1x32xf32, #tpu.memory_space<vmem>> -> memref<1x32xf32, #tpu.memory_space<vmem>>
          %dma_start3A_391 = arith.constant 0 : i32
          %dma_start3A_392 = tpu.memref_slice %arg5[%squeeze3A_364, %dma_start3A_391] : memref<100000x32xf32, #tpu.memory_space<hbm>> -> memref<1x32xf32, #tpu.memory_space<hbm>>
          tpu.enqueue_dma source(%dma_start3A_392 : memref<1x32xf32, #tpu.memory_space<hbm>>) target(%dma_start3A_390 : memref<1x32xf32, #tpu.memory_space<vmem>>) target_semaphore(%dma_start3A_387 : memref<!tpu.dma_semaphore, #tpu.memory_space<semaphore_mem>>)
          %slice3A_393 = vector.extract_strided_slice %get3A_105 {offsets = [9], sizes = [1], strides = [1]} : vector<16xi32> to vector<1xi32>
          %squeeze3A_394 = vector.extract %slice3A_393[0] : i32 from vector<1xi32>
          %slice3A_395 = vector.extract_strided_slice %get3A_107 {offsets = [9], sizes = [1], strides = [1]} : vector<16xi32> to vector<1xi32>
          %squeeze3A_396 = vector.extract %slice3A_395[0] : i32 from vector<1xi32>
          %mul3A_397 = arith.constant 16 : i32
          %mul3A_398 = arith.muli %scan3A_99, %mul3A_397 : i32
          %add3A_399 = arith.constant 9 : i32
          %add3A_400 = arith.addi %mul3A_398, %add3A_399 : i32
          %dma_start3A_401 = arith.constant 0 : i32
          %dma_start3A_402 = tpu.memref_slice %arg9[%select_n3A_93, %add3A_400, %dma_start3A_401] : memref<2x64x32xf32, #tpu.memory_space<vmem>> -> memref<1x1x32xf32, #tpu.memory_space<vmem>>
          %dma_start3A_403 = tpu.memref_squeeze %dma_start3A_402 : memref<1x1x32xf32, #tpu.memory_space<vmem>> -> memref<1x32xf32, #tpu.memory_space<vmem>>
          %dma_start3A_404 = arith.constant 0 : i32
          %dma_start3A_405 = tpu.memref_slice %arg4[%squeeze3A_394, %dma_start3A_404] : memref<1000000x32xf32, #tpu.memory_space<hbm>> -> memref<1x32xf32, #tpu.memory_space<hbm>>
          %dma_start3A_406 = tpu.memref_slice %arg14[%select_n3A_93] : memref<2x!tpu.dma_semaphore, #tpu.memory_space<semaphore_mem>> -> memref<1x!tpu.dma_semaphore, #tpu.memory_space<semaphore_mem>>
          %dma_start3A_407 = tpu.memref_squeeze %dma_start3A_406 : memref<1x!tpu.dma_semaphore, #tpu.memory_space<semaphore_mem>> -> memref<!tpu.dma_semaphore, #tpu.memory_space<semaphore_mem>>
          %dma_start3A_408 = arith.constant 0 : i32
          %dma_start3A_409 = tpu.memref_slice %arg9[%select_n3A_93, %add3A_400, %dma_start3A_408] : memref<2x64x32xf32, #tpu.memory_space<vmem>> -> memref<1x1x32xf32, #tpu.memory_space<vmem>>
          %dma_start3A_410 = tpu.memref_squeeze %dma_start3A_409 : memref<1x1x32xf32, #tpu.memory_space<vmem>> -> memref<1x32xf32, #tpu.memory_space<vmem>>
          %dma_start3A_411 = arith.constant 0 : i32
          %dma_start3A_412 = tpu.memref_slice %arg4[%squeeze3A_394, %dma_start3A_411] : memref<1000000x32xf32, #tpu.memory_space<hbm>> -> memref<1x32xf32, #tpu.memory_space<hbm>>
          tpu.enqueue_dma source(%dma_start3A_412 : memref<1x32xf32, #tpu.memory_space<hbm>>) target(%dma_start3A_410 : memref<1x32xf32, #tpu.memory_space<vmem>>) target_semaphore(%dma_start3A_407 : memref<!tpu.dma_semaphore, #tpu.memory_space<semaphore_mem>>)
          %dma_start3A_413 = arith.constant 0 : i32
          %dma_start3A_414 = tpu.memref_slice %arg10[%select_n3A_93, %add3A_400, %dma_start3A_413] : memref<2x64x32xf32, #tpu.memory_space<vmem>> -> memref<1x1x32xf32, #tpu.memory_space<vmem>>
          %dma_start3A_415 = tpu.memref_squeeze %dma_start3A_414 : memref<1x1x32xf32, #tpu.memory_space<vmem>> -> memref<1x32xf32, #tpu.memory_space<vmem>>
          %dma_start3A_416 = arith.constant 0 : i32
          %dma_start3A_417 = tpu.memref_slice %arg5[%squeeze3A_396, %dma_start3A_416] : memref<100000x32xf32, #tpu.memory_space<hbm>> -> memref<1x32xf32, #tpu.memory_space<hbm>>
          %dma_start3A_418 = tpu.memref_slice %arg14[%select_n3A_93] : memref<2x!tpu.dma_semaphore, #tpu.memory_space<semaphore_mem>> -> memref<1x!tpu.dma_semaphore, #tpu.memory_space<semaphore_mem>>
          %dma_start3A_419 = tpu.memref_squeeze %dma_start3A_418 : memref<1x!tpu.dma_semaphore, #tpu.memory_space<semaphore_mem>> -> memref<!tpu.dma_semaphore, #tpu.memory_space<semaphore_mem>>
          %dma_start3A_420 = arith.constant 0 : i32
          %dma_start3A_421 = tpu.memref_slice %arg10[%select_n3A_93, %add3A_400, %dma_start3A_420] : memref<2x64x32xf32, #tpu.memory_space<vmem>> -> memref<1x1x32xf32, #tpu.memory_space<vmem>>
          %dma_start3A_422 = tpu.memref_squeeze %dma_start3A_421 : memref<1x1x32xf32, #tpu.memory_space<vmem>> -> memref<1x32xf32, #tpu.memory_space<vmem>>
          %dma_start3A_423 = arith.constant 0 : i32
          %dma_start3A_424 = tpu.memref_slice %arg5[%squeeze3A_396, %dma_start3A_423] : memref<100000x32xf32, #tpu.memory_space<hbm>> -> memref<1x32xf32, #tpu.memory_space<hbm>>
          tpu.enqueue_dma source(%dma_start3A_424 : memref<1x32xf32, #tpu.memory_space<hbm>>) target(%dma_start3A_422 : memref<1x32xf32, #tpu.memory_space<vmem>>) target_semaphore(%dma_start3A_419 : memref<!tpu.dma_semaphore, #tpu.memory_space<semaphore_mem>>)
          %slice3A_425 = vector.extract_strided_slice %get3A_105 {offsets = [10], sizes = [1], strides = [1]} : vector<16xi32> to vector<1xi32>
          %squeeze3A_426 = vector.extract %slice3A_425[0] : i32 from vector<1xi32>
          %slice3A_427 = vector.extract_strided_slice %get3A_107 {offsets = [10], sizes = [1], strides = [1]} : vector<16xi32> to vector<1xi32>
          %squeeze3A_428 = vector.extract %slice3A_427[0] : i32 from vector<1xi32>
          %mul3A_429 = arith.constant 16 : i32
          %mul3A_430 = arith.muli %scan3A_99, %mul3A_429 : i32
          %add3A_431 = arith.constant 10 : i32
          %add3A_432 = arith.addi %mul3A_430, %add3A_431 : i32
          %dma_start3A_433 = arith.constant 0 : i32
          %dma_start3A_434 = tpu.memref_slice %arg9[%select_n3A_93, %add3A_432, %dma_start3A_433] : memref<2x64x32xf32, #tpu.memory_space<vmem>> -> memref<1x1x32xf32, #tpu.memory_space<vmem>>
          %dma_start3A_435 = tpu.memref_squeeze %dma_start3A_434 : memref<1x1x32xf32, #tpu.memory_space<vmem>> -> memref<1x32xf32, #tpu.memory_space<vmem>>
          %dma_start3A_436 = arith.constant 0 : i32
          %dma_start3A_437 = tpu.memref_slice %arg4[%squeeze3A_426, %dma_start3A_436] : memref<1000000x32xf32, #tpu.memory_space<hbm>> -> memref<1x32xf32, #tpu.memory_space<hbm>>
          %dma_start3A_438 = tpu.memref_slice %arg14[%select_n3A_93] : memref<2x!tpu.dma_semaphore, #tpu.memory_space<semaphore_mem>> -> memref<1x!tpu.dma_semaphore, #tpu.memory_space<semaphore_mem>>
          %dma_start3A_439 = tpu.memref_squeeze %dma_start3A_438 : memref<1x!tpu.dma_semaphore, #tpu.memory_space<semaphore_mem>> -> memref<!tpu.dma_semaphore, #tpu.memory_space<semaphore_mem>>
          %dma_start3A_440 = arith.constant 0 : i32
          %dma_start3A_441 = tpu.memref_slice %arg9[%select_n3A_93, %add3A_432, %dma_start3A_440] : memref<2x64x32xf32, #tpu.memory_space<vmem>> -> memref<1x1x32xf32, #tpu.memory_space<vmem>>
          %dma_start3A_442 = tpu.memref_squeeze %dma_start3A_441 : memref<1x1x32xf32, #tpu.memory_space<vmem>> -> memref<1x32xf32, #tpu.memory_space<vmem>>
          %dma_start3A_443 = arith.constant 0 : i32
          %dma_start3A_444 = tpu.memref_slice %arg4[%squeeze3A_426, %dma_start3A_443] : memref<1000000x32xf32, #tpu.memory_space<hbm>> -> memref<1x32xf32, #tpu.memory_space<hbm>>
          tpu.enqueue_dma source(%dma_start3A_444 : memref<1x32xf32, #tpu.memory_space<hbm>>) target(%dma_start3A_442 : memref<1x32xf32, #tpu.memory_space<vmem>>) target_semaphore(%dma_start3A_439 : memref<!tpu.dma_semaphore, #tpu.memory_space<semaphore_mem>>)
          %dma_start3A_445 = arith.constant 0 : i32
          %dma_start3A_446 = tpu.memref_slice %arg10[%select_n3A_93, %add3A_432, %dma_start3A_445] : memref<2x64x32xf32, #tpu.memory_space<vmem>> -> memref<1x1x32xf32, #tpu.memory_space<vmem>>
          %dma_start3A_447 = tpu.memref_squeeze %dma_start3A_446 : memref<1x1x32xf32, #tpu.memory_space<vmem>> -> memref<1x32xf32, #tpu.memory_space<vmem>>
          %dma_start3A_448 = arith.constant 0 : i32
          %dma_start3A_449 = tpu.memref_slice %arg5[%squeeze3A_428, %dma_start3A_448] : memref<100000x32xf32, #tpu.memory_space<hbm>> -> memref<1x32xf32, #tpu.memory_space<hbm>>
          %dma_start3A_450 = tpu.memref_slice %arg14[%select_n3A_93] : memref<2x!tpu.dma_semaphore, #tpu.memory_space<semaphore_mem>> -> memref<1x!tpu.dma_semaphore, #tpu.memory_space<semaphore_mem>>
          %dma_start3A_451 = tpu.memref_squeeze %dma_start3A_450 : memref<1x!tpu.dma_semaphore, #tpu.memory_space<semaphore_mem>> -> memref<!tpu.dma_semaphore, #tpu.memory_space<semaphore_mem>>
          %dma_start3A_452 = arith.constant 0 : i32
          %dma_start3A_453 = tpu.memref_slice %arg10[%select_n3A_93, %add3A_432, %dma_start3A_452] : memref<2x64x32xf32, #tpu.memory_space<vmem>> -> memref<1x1x32xf32, #tpu.memory_space<vmem>>
          %dma_start3A_454 = tpu.memref_squeeze %dma_start3A_453 : memref<1x1x32xf32, #tpu.memory_space<vmem>> -> memref<1x32xf32, #tpu.memory_space<vmem>>
          %dma_start3A_455 = arith.constant 0 : i32
          %dma_start3A_456 = tpu.memref_slice %arg5[%squeeze3A_428, %dma_start3A_455] : memref<100000x32xf32, #tpu.memory_space<hbm>> -> memref<1x32xf32, #tpu.memory_space<hbm>>
          tpu.enqueue_dma source(%dma_start3A_456 : memref<1x32xf32, #tpu.memory_space<hbm>>) target(%dma_start3A_454 : memref<1x32xf32, #tpu.memory_space<vmem>>) target_semaphore(%dma_start3A_451 : memref<!tpu.dma_semaphore, #tpu.memory_space<semaphore_mem>>)
          %slice3A_457 = vector.extract_strided_slice %get3A_105 {offsets = [11], sizes = [1], strides = [1]} : vector<16xi32> to vector<1xi32>
          %squeeze3A_458 = vector.extract %slice3A_457[0] : i32 from vector<1xi32>
          %slice3A_459 = vector.extract_strided_slice %get3A_107 {offsets = [11], sizes = [1], strides = [1]} : vector<16xi32> to vector<1xi32>
          %squeeze3A_460 = vector.extract %slice3A_459[0] : i32 from vector<1xi32>
          %mul3A_461 = arith.constant 16 : i32
          %mul3A_462 = arith.muli %scan3A_99, %mul3A_461 : i32
          %add3A_463 = arith.constant 11 : i32
          %add3A_464 = arith.addi %mul3A_462, %add3A_463 : i32
          %dma_start3A_465 = arith.constant 0 : i32
          %dma_start3A_466 = tpu.memref_slice %arg9[%select_n3A_93, %add3A_464, %dma_start3A_465] : memref<2x64x32xf32, #tpu.memory_space<vmem>> -> memref<1x1x32xf32, #tpu.memory_space<vmem>>
          %dma_start3A_467 = tpu.memref_squeeze %dma_start3A_466 : memref<1x1x32xf32, #tpu.memory_space<vmem>> -> memref<1x32xf32, #tpu.memory_space<vmem>>
          %dma_start3A_468 = arith.constant 0 : i32
          %dma_start3A_469 = tpu.memref_slice %arg4[%squeeze3A_458, %dma_start3A_468] : memref<1000000x32xf32, #tpu.memory_space<hbm>> -> memref<1x32xf32, #tpu.memory_space<hbm>>
          %dma_start3A_470 = tpu.memref_slice %arg14[%select_n3A_93] : memref<2x!tpu.dma_semaphore, #tpu.memory_space<semaphore_mem>> -> memref<1x!tpu.dma_semaphore, #tpu.memory_space<semaphore_mem>>
          %dma_start3A_471 = tpu.memref_squeeze %dma_start3A_470 : memref<1x!tpu.dma_semaphore, #tpu.memory_space<semaphore_mem>> -> memref<!tpu.dma_semaphore, #tpu.memory_space<semaphore_mem>>
          %dma_start3A_472 = arith.constant 0 : i32
          %dma_start3A_473 = tpu.memref_slice %arg9[%select_n3A_93, %add3A_464, %dma_start3A_472] : memref<2x64x32xf32, #tpu.memory_space<vmem>> -> memref<1x1x32xf32, #tpu.memory_space<vmem>>
          %dma_start3A_474 = tpu.memref_squeeze %dma_start3A_473 : memref<1x1x32xf32, #tpu.memory_space<vmem>> -> memref<1x32xf32, #tpu.memory_space<vmem>>
          %dma_start3A_475 = arith.constant 0 : i32
          %dma_start3A_476 = tpu.memref_slice %arg4[%squeeze3A_458, %dma_start3A_475] : memref<1000000x32xf32, #tpu.memory_space<hbm>> -> memref<1x32xf32, #tpu.memory_space<hbm>>
          tpu.enqueue_dma source(%dma_start3A_476 : memref<1x32xf32, #tpu.memory_space<hbm>>) target(%dma_start3A_474 : memref<1x32xf32, #tpu.memory_space<vmem>>) target_semaphore(%dma_start3A_471 : memref<!tpu.dma_semaphore, #tpu.memory_space<semaphore_mem>>)
          %dma_start3A_477 = arith.constant 0 : i32
          %dma_start3A_478 = tpu.memref_slice %arg10[%select_n3A_93, %add3A_464, %dma_start3A_477] : memref<2x64x32xf32, #tpu.memory_space<vmem>> -> memref<1x1x32xf32, #tpu.memory_space<vmem>>
          %dma_start3A_479 = tpu.memref_squeeze %dma_start3A_478 : memref<1x1x32xf32, #tpu.memory_space<vmem>> -> memref<1x32xf32, #tpu.memory_space<vmem>>
          %dma_start3A_480 = arith.constant 0 : i32
          %dma_start3A_481 = tpu.memref_slice %arg5[%squeeze3A_460, %dma_start3A_480] : memref<100000x32xf32, #tpu.memory_space<hbm>> -> memref<1x32xf32, #tpu.memory_space<hbm>>
          %dma_start3A_482 = tpu.memref_slice %arg14[%select_n3A_93] : memref<2x!tpu.dma_semaphore, #tpu.memory_space<semaphore_mem>> -> memref<1x!tpu.dma_semaphore, #tpu.memory_space<semaphore_mem>>
          %dma_start3A_483 = tpu.memref_squeeze %dma_start3A_482 : memref<1x!tpu.dma_semaphore, #tpu.memory_space<semaphore_mem>> -> memref<!tpu.dma_semaphore, #tpu.memory_space<semaphore_mem>>
          %dma_start3A_484 = arith.constant 0 : i32
          %dma_start3A_485 = tpu.memref_slice %arg10[%select_n3A_93, %add3A_464, %dma_start3A_484] : memref<2x64x32xf32, #tpu.memory_space<vmem>> -> memref<1x1x32xf32, #tpu.memory_space<vmem>>
          %dma_start3A_486 = tpu.memref_squeeze %dma_start3A_485 : memref<1x1x32xf32, #tpu.memory_space<vmem>> -> memref<1x32xf32, #tpu.memory_space<vmem>>
          %dma_start3A_487 = arith.constant 0 : i32
          %dma_start3A_488 = tpu.memref_slice %arg5[%squeeze3A_460, %dma_start3A_487] : memref<100000x32xf32, #tpu.memory_space<hbm>> -> memref<1x32xf32, #tpu.memory_space<hbm>>
          tpu.enqueue_dma source(%dma_start3A_488 : memref<1x32xf32, #tpu.memory_space<hbm>>) target(%dma_start3A_486 : memref<1x32xf32, #tpu.memory_space<vmem>>) target_semaphore(%dma_start3A_483 : memref<!tpu.dma_semaphore, #tpu.memory_space<semaphore_mem>>)
          %slice3A_489 = vector.extract_strided_slice %get3A_105 {offsets = [12], sizes = [1], strides = [1]} : vector<16xi32> to vector<1xi32>
          %squeeze3A_490 = vector.extract %slice3A_489[0] : i32 from vector<1xi32>
          %slice3A_491 = vector.extract_strided_slice %get3A_107 {offsets = [12], sizes = [1], strides = [1]} : vector<16xi32> to vector<1xi32>
          %squeeze3A_492 = vector.extract %slice3A_491[0] : i32 from vector<1xi32>
          %mul3A_493 = arith.constant 16 : i32
          %mul3A_494 = arith.muli %scan3A_99, %mul3A_493 : i32
          %add3A_495 = arith.constant 12 : i32
          %add3A_496 = arith.addi %mul3A_494, %add3A_495 : i32
          %dma_start3A_497 = arith.constant 0 : i32
          %dma_start3A_498 = tpu.memref_slice %arg9[%select_n3A_93, %add3A_496, %dma_start3A_497] : memref<2x64x32xf32, #tpu.memory_space<vmem>> -> memref<1x1x32xf32, #tpu.memory_space<vmem>>
          %dma_start3A_499 = tpu.memref_squeeze %dma_start3A_498 : memref<1x1x32xf32, #tpu.memory_space<vmem>> -> memref<1x32xf32, #tpu.memory_space<vmem>>
          %dma_start3A_500 = arith.constant 0 : i32
          %dma_start3A_501 = tpu.memref_slice %arg4[%squeeze3A_490, %dma_start3A_500] : memref<1000000x32xf32, #tpu.memory_space<hbm>> -> memref<1x32xf32, #tpu.memory_space<hbm>>
          %dma_start3A_502 = tpu.memref_slice %arg14[%select_n3A_93] : memref<2x!tpu.dma_semaphore, #tpu.memory_space<semaphore_mem>> -> memref<1x!tpu.dma_semaphore, #tpu.memory_space<semaphore_mem>>
          %dma_start3A_503 = tpu.memref_squeeze %dma_start3A_502 : memref<1x!tpu.dma_semaphore, #tpu.memory_space<semaphore_mem>> -> memref<!tpu.dma_semaphore, #tpu.memory_space<semaphore_mem>>
          %dma_start3A_504 = arith.constant 0 : i32
          %dma_start3A_505 = tpu.memref_slice %arg9[%select_n3A_93, %add3A_496, %dma_start3A_504] : memref<2x64x32xf32, #tpu.memory_space<vmem>> -> memref<1x1x32xf32, #tpu.memory_space<vmem>>
          %dma_start3A_506 = tpu.memref_squeeze %dma_start3A_505 : memref<1x1x32xf32, #tpu.memory_space<vmem>> -> memref<1x32xf32, #tpu.memory_space<vmem>>
          %dma_start3A_507 = arith.constant 0 : i32
          %dma_start3A_508 = tpu.memref_slice %arg4[%squeeze3A_490, %dma_start3A_507] : memref<1000000x32xf32, #tpu.memory_space<hbm>> -> memref<1x32xf32, #tpu.memory_space<hbm>>
          tpu.enqueue_dma source(%dma_start3A_508 : memref<1x32xf32, #tpu.memory_space<hbm>>) target(%dma_start3A_506 : memref<1x32xf32, #tpu.memory_space<vmem>>) target_semaphore(%dma_start3A_503 : memref<!tpu.dma_semaphore, #tpu.memory_space<semaphore_mem>>)
          %dma_start3A_509 = arith.constant 0 : i32
          %dma_start3A_510 = tpu.memref_slice %arg10[%select_n3A_93, %add3A_496, %dma_start3A_509] : memref<2x64x32xf32, #tpu.memory_space<vmem>> -> memref<1x1x32xf32, #tpu.memory_space<vmem>>
          %dma_start3A_511 = tpu.memref_squeeze %dma_start3A_510 : memref<1x1x32xf32, #tpu.memory_space<vmem>> -> memref<1x32xf32, #tpu.memory_space<vmem>>
          %dma_start3A_512 = arith.constant 0 : i32
          %dma_start3A_513 = tpu.memref_slice %arg5[%squeeze3A_492, %dma_start3A_512] : memref<100000x32xf32, #tpu.memory_space<hbm>> -> memref<1x32xf32, #tpu.memory_space<hbm>>
          %dma_start3A_514 = tpu.memref_slice %arg14[%select_n3A_93] : memref<2x!tpu.dma_semaphore, #tpu.memory_space<semaphore_mem>> -> memref<1x!tpu.dma_semaphore, #tpu.memory_space<semaphore_mem>>
          %dma_start3A_515 = tpu.memref_squeeze %dma_start3A_514 : memref<1x!tpu.dma_semaphore, #tpu.memory_space<semaphore_mem>> -> memref<!tpu.dma_semaphore, #tpu.memory_space<semaphore_mem>>
          %dma_start3A_516 = arith.constant 0 : i32
          %dma_start3A_517 = tpu.memref_slice %arg10[%select_n3A_93, %add3A_496, %dma_start3A_516] : memref<2x64x32xf32, #tpu.memory_space<vmem>> -> memref<1x1x32xf32, #tpu.memory_space<vmem>>
          %dma_start3A_518 = tpu.memref_squeeze %dma_start3A_517 : memref<1x1x32xf32, #tpu.memory_space<vmem>> -> memref<1x32xf32, #tpu.memory_space<vmem>>
          %dma_start3A_519 = arith.constant 0 : i32
          %dma_start3A_520 = tpu.memref_slice %arg5[%squeeze3A_492, %dma_start3A_519] : memref<100000x32xf32, #tpu.memory_space<hbm>> -> memref<1x32xf32, #tpu.memory_space<hbm>>
          tpu.enqueue_dma source(%dma_start3A_520 : memref<1x32xf32, #tpu.memory_space<hbm>>) target(%dma_start3A_518 : memref<1x32xf32, #tpu.memory_space<vmem>>) target_semaphore(%dma_start3A_515 : memref<!tpu.dma_semaphore, #tpu.memory_space<semaphore_mem>>)
          %slice3A_521 = vector.extract_strided_slice %get3A_105 {offsets = [13], sizes = [1], strides = [1]} : vector<16xi32> to vector<1xi32>
          %squeeze3A_522 = vector.extract %slice3A_521[0] : i32 from vector<1xi32>
          %slice3A_523 = vector.extract_strided_slice %get3A_107 {offsets = [13], sizes = [1], strides = [1]} : vector<16xi32> to vector<1xi32>
          %squeeze3A_524 = vector.extract %slice3A_523[0] : i32 from vector<1xi32>
          %mul3A_525 = arith.constant 16 : i32
          %mul3A_526 = arith.muli %scan3A_99, %mul3A_525 : i32
          %add3A_527 = arith.constant 13 : i32
          %add3A_528 = arith.addi %mul3A_526, %add3A_527 : i32
          %dma_start3A_529 = arith.constant 0 : i32
          %dma_start3A_530 = tpu.memref_slice %arg9[%select_n3A_93, %add3A_528, %dma_start3A_529] : memref<2x64x32xf32, #tpu.memory_space<vmem>> -> memref<1x1x32xf32, #tpu.memory_space<vmem>>
          %dma_start3A_531 = tpu.memref_squeeze %dma_start3A_530 : memref<1x1x32xf32, #tpu.memory_space<vmem>> -> memref<1x32xf32, #tpu.memory_space<vmem>>
          %dma_start3A_532 = arith.constant 0 : i32
          %dma_start3A_533 = tpu.memref_slice %arg4[%squeeze3A_522, %dma_start3A_532] : memref<1000000x32xf32, #tpu.memory_space<hbm>> -> memref<1x32xf32, #tpu.memory_space<hbm>>
          %dma_start3A_534 = tpu.memref_slice %arg14[%select_n3A_93] : memref<2x!tpu.dma_semaphore, #tpu.memory_space<semaphore_mem>> -> memref<1x!tpu.dma_semaphore, #tpu.memory_space<semaphore_mem>>
          %dma_start3A_535 = tpu.memref_squeeze %dma_start3A_534 : memref<1x!tpu.dma_semaphore, #tpu.memory_space<semaphore_mem>> -> memref<!tpu.dma_semaphore, #tpu.memory_space<semaphore_mem>>
          %dma_start3A_536 = arith.constant 0 : i32
          %dma_start3A_537 = tpu.memref_slice %arg9[%select_n3A_93, %add3A_528, %dma_start3A_536] : memref<2x64x32xf32, #tpu.memory_space<vmem>> -> memref<1x1x32xf32, #tpu.memory_space<vmem>>
          %dma_start3A_538 = tpu.memref_squeeze %dma_start3A_537 : memref<1x1x32xf32, #tpu.memory_space<vmem>> -> memref<1x32xf32, #tpu.memory_space<vmem>>
          %dma_start3A_539 = arith.constant 0 : i32
          %dma_start3A_540 = tpu.memref_slice %arg4[%squeeze3A_522, %dma_start3A_539] : memref<1000000x32xf32, #tpu.memory_space<hbm>> -> memref<1x32xf32, #tpu.memory_space<hbm>>
          tpu.enqueue_dma source(%dma_start3A_540 : memref<1x32xf32, #tpu.memory_space<hbm>>) target(%dma_start3A_538 : memref<1x32xf32, #tpu.memory_space<vmem>>) target_semaphore(%dma_start3A_535 : memref<!tpu.dma_semaphore, #tpu.memory_space<semaphore_mem>>)
          %dma_start3A_541 = arith.constant 0 : i32
          %dma_start3A_542 = tpu.memref_slice %arg10[%select_n3A_93, %add3A_528, %dma_start3A_541] : memref<2x64x32xf32, #tpu.memory_space<vmem>> -> memref<1x1x32xf32, #tpu.memory_space<vmem>>
          %dma_start3A_543 = tpu.memref_squeeze %dma_start3A_542 : memref<1x1x32xf32, #tpu.memory_space<vmem>> -> memref<1x32xf32, #tpu.memory_space<vmem>>
          %dma_start3A_544 = arith.constant 0 : i32
          %dma_start3A_545 = tpu.memref_slice %arg5[%squeeze3A_524, %dma_start3A_544] : memref<100000x32xf32, #tpu.memory_space<hbm>> -> memref<1x32xf32, #tpu.memory_space<hbm>>
          %dma_start3A_546 = tpu.memref_slice %arg14[%select_n3A_93] : memref<2x!tpu.dma_semaphore, #tpu.memory_space<semaphore_mem>> -> memref<1x!tpu.dma_semaphore, #tpu.memory_space<semaphore_mem>>
          %dma_start3A_547 = tpu.memref_squeeze %dma_start3A_546 : memref<1x!tpu.dma_semaphore, #tpu.memory_space<semaphore_mem>> -> memref<!tpu.dma_semaphore, #tpu.memory_space<semaphore_mem>>
          %dma_start3A_548 = arith.constant 0 : i32
          %dma_start3A_549 = tpu.memref_slice %arg10[%select_n3A_93, %add3A_528, %dma_start3A_548] : memref<2x64x32xf32, #tpu.memory_space<vmem>> -> memref<1x1x32xf32, #tpu.memory_space<vmem>>
          %dma_start3A_550 = tpu.memref_squeeze %dma_start3A_549 : memref<1x1x32xf32, #tpu.memory_space<vmem>> -> memref<1x32xf32, #tpu.memory_space<vmem>>
          %dma_start3A_551 = arith.constant 0 : i32
          %dma_start3A_552 = tpu.memref_slice %arg5[%squeeze3A_524, %dma_start3A_551] : memref<100000x32xf32, #tpu.memory_space<hbm>> -> memref<1x32xf32, #tpu.memory_space<hbm>>
          tpu.enqueue_dma source(%dma_start3A_552 : memref<1x32xf32, #tpu.memory_space<hbm>>) target(%dma_start3A_550 : memref<1x32xf32, #tpu.memory_space<vmem>>) target_semaphore(%dma_start3A_547 : memref<!tpu.dma_semaphore, #tpu.memory_space<semaphore_mem>>)
          %slice3A_553 = vector.extract_strided_slice %get3A_105 {offsets = [14], sizes = [1], strides = [1]} : vector<16xi32> to vector<1xi32>
          %squeeze3A_554 = vector.extract %slice3A_553[0] : i32 from vector<1xi32>
          %slice3A_555 = vector.extract_strided_slice %get3A_107 {offsets = [14], sizes = [1], strides = [1]} : vector<16xi32> to vector<1xi32>
          %squeeze3A_556 = vector.extract %slice3A_555[0] : i32 from vector<1xi32>
          %mul3A_557 = arith.constant 16 : i32
          %mul3A_558 = arith.muli %scan3A_99, %mul3A_557 : i32
          %add3A_559 = arith.constant 14 : i32
          %add3A_560 = arith.addi %mul3A_558, %add3A_559 : i32
          %dma_start3A_561 = arith.constant 0 : i32
          %dma_start3A_562 = tpu.memref_slice %arg9[%select_n3A_93, %add3A_560, %dma_start3A_561] : memref<2x64x32xf32, #tpu.memory_space<vmem>> -> memref<1x1x32xf32, #tpu.memory_space<vmem>>
          %dma_start3A_563 = tpu.memref_squeeze %dma_start3A_562 : memref<1x1x32xf32, #tpu.memory_space<vmem>> -> memref<1x32xf32, #tpu.memory_space<vmem>>
          %dma_start3A_564 = arith.constant 0 : i32
          %dma_start3A_565 = tpu.memref_slice %arg4[%squeeze3A_554, %dma_start3A_564] : memref<1000000x32xf32, #tpu.memory_space<hbm>> -> memref<1x32xf32, #tpu.memory_space<hbm>>
          %dma_start3A_566 = tpu.memref_slice %arg14[%select_n3A_93] : memref<2x!tpu.dma_semaphore, #tpu.memory_space<semaphore_mem>> -> memref<1x!tpu.dma_semaphore, #tpu.memory_space<semaphore_mem>>
          %dma_start3A_567 = tpu.memref_squeeze %dma_start3A_566 : memref<1x!tpu.dma_semaphore, #tpu.memory_space<semaphore_mem>> -> memref<!tpu.dma_semaphore, #tpu.memory_space<semaphore_mem>>
          %dma_start3A_568 = arith.constant 0 : i32
          %dma_start3A_569 = tpu.memref_slice %arg9[%select_n3A_93, %add3A_560, %dma_start3A_568] : memref<2x64x32xf32, #tpu.memory_space<vmem>> -> memref<1x1x32xf32, #tpu.memory_space<vmem>>
          %dma_start3A_570 = tpu.memref_squeeze %dma_start3A_569 : memref<1x1x32xf32, #tpu.memory_space<vmem>> -> memref<1x32xf32, #tpu.memory_space<vmem>>
          %dma_start3A_571 = arith.constant 0 : i32
          %dma_start3A_572 = tpu.memref_slice %arg4[%squeeze3A_554, %dma_start3A_571] : memref<1000000x32xf32, #tpu.memory_space<hbm>> -> memref<1x32xf32, #tpu.memory_space<hbm>>
          tpu.enqueue_dma source(%dma_start3A_572 : memref<1x32xf32, #tpu.memory_space<hbm>>) target(%dma_start3A_570 : memref<1x32xf32, #tpu.memory_space<vmem>>) target_semaphore(%dma_start3A_567 : memref<!tpu.dma_semaphore, #tpu.memory_space<semaphore_mem>>)
          %dma_start3A_573 = arith.constant 0 : i32
          %dma_start3A_574 = tpu.memref_slice %arg10[%select_n3A_93, %add3A_560, %dma_start3A_573] : memref<2x64x32xf32, #tpu.memory_space<vmem>> -> memref<1x1x32xf32, #tpu.memory_space<vmem>>
          %dma_start3A_575 = tpu.memref_squeeze %dma_start3A_574 : memref<1x1x32xf32, #tpu.memory_space<vmem>> -> memref<1x32xf32, #tpu.memory_space<vmem>>
          %dma_start3A_576 = arith.constant 0 : i32
          %dma_start3A_577 = tpu.memref_slice %arg5[%squeeze3A_556, %dma_start3A_576] : memref<100000x32xf32, #tpu.memory_space<hbm>> -> memref<1x32xf32, #tpu.memory_space<hbm>>
          %dma_start3A_578 = tpu.memref_slice %arg14[%select_n3A_93] : memref<2x!tpu.dma_semaphore, #tpu.memory_space<semaphore_mem>> -> memref<1x!tpu.dma_semaphore, #tpu.memory_space<semaphore_mem>>
          %dma_start3A_579 = tpu.memref_squeeze %dma_start3A_578 : memref<1x!tpu.dma_semaphore, #tpu.memory_space<semaphore_mem>> -> memref<!tpu.dma_semaphore, #tpu.memory_space<semaphore_mem>>
          %dma_start3A_580 = arith.constant 0 : i32
          %dma_start3A_581 = tpu.memref_slice %arg10[%select_n3A_93, %add3A_560, %dma_start3A_580] : memref<2x64x32xf32, #tpu.memory_space<vmem>> -> memref<1x1x32xf32, #tpu.memory_space<vmem>>
          %dma_start3A_582 = tpu.memref_squeeze %dma_start3A_581 : memref<1x1x32xf32, #tpu.memory_space<vmem>> -> memref<1x32xf32, #tpu.memory_space<vmem>>
          %dma_start3A_583 = arith.constant 0 : i32
          %dma_start3A_584 = tpu.memref_slice %arg5[%squeeze3A_556, %dma_start3A_583] : memref<100000x32xf32, #tpu.memory_space<hbm>> -> memref<1x32xf32, #tpu.memory_space<hbm>>
          tpu.enqueue_dma source(%dma_start3A_584 : memref<1x32xf32, #tpu.memory_space<hbm>>) target(%dma_start3A_582 : memref<1x32xf32, #tpu.memory_space<vmem>>) target_semaphore(%dma_start3A_579 : memref<!tpu.dma_semaphore, #tpu.memory_space<semaphore_mem>>)
          %slice3A_585 = vector.extract_strided_slice %get3A_105 {offsets = [15], sizes = [1], strides = [1]} : vector<16xi32> to vector<1xi32>
          %squeeze3A_586 = vector.extract %slice3A_585[0] : i32 from vector<1xi32>
          %slice3A_587 = vector.extract_strided_slice %get3A_107 {offsets = [15], sizes = [1], strides = [1]} : vector<16xi32> to vector<1xi32>
          %squeeze3A_588 = vector.extract %slice3A_587[0] : i32 from vector<1xi32>
          %mul3A_589 = arith.constant 16 : i32
          %mul3A_590 = arith.muli %scan3A_99, %mul3A_589 : i32
          %add3A_591 = arith.constant 15 : i32
          %add3A_592 = arith.addi %mul3A_590, %add3A_591 : i32
          %dma_start3A_593 = arith.constant 0 : i32
          %dma_start3A_594 = tpu.memref_slice %arg9[%select_n3A_93, %add3A_592, %dma_start3A_593] : memref<2x64x32xf32, #tpu.memory_space<vmem>> -> memref<1x1x32xf32, #tpu.memory_space<vmem>>
          %dma_start3A_595 = tpu.memref_squeeze %dma_start3A_594 : memref<1x1x32xf32, #tpu.memory_space<vmem>> -> memref<1x32xf32, #tpu.memory_space<vmem>>
          %dma_start3A_596 = arith.constant 0 : i32
          %dma_start3A_597 = tpu.memref_slice %arg4[%squeeze3A_586, %dma_start3A_596] : memref<1000000x32xf32, #tpu.memory_space<hbm>> -> memref<1x32xf32, #tpu.memory_space<hbm>>
          %dma_start3A_598 = tpu.memref_slice %arg14[%select_n3A_93] : memref<2x!tpu.dma_semaphore, #tpu.memory_space<semaphore_mem>> -> memref<1x!tpu.dma_semaphore, #tpu.memory_space<semaphore_mem>>
          %dma_start3A_599 = tpu.memref_squeeze %dma_start3A_598 : memref<1x!tpu.dma_semaphore, #tpu.memory_space<semaphore_mem>> -> memref<!tpu.dma_semaphore, #tpu.memory_space<semaphore_mem>>
          %dma_start3A_600 = arith.constant 0 : i32
          %dma_start3A_601 = tpu.memref_slice %arg9[%select_n3A_93, %add3A_592, %dma_start3A_600] : memref<2x64x32xf32, #tpu.memory_space<vmem>> -> memref<1x1x32xf32, #tpu.memory_space<vmem>>
          %dma_start3A_602 = tpu.memref_squeeze %dma_start3A_601 : memref<1x1x32xf32, #tpu.memory_space<vmem>> -> memref<1x32xf32, #tpu.memory_space<vmem>>
          %dma_start3A_603 = arith.constant 0 : i32
          %dma_start3A_604 = tpu.memref_slice %arg4[%squeeze3A_586, %dma_start3A_603] : memref<1000000x32xf32, #tpu.memory_space<hbm>> -> memref<1x32xf32, #tpu.memory_space<hbm>>
          tpu.enqueue_dma source(%dma_start3A_604 : memref<1x32xf32, #tpu.memory_space<hbm>>) target(%dma_start3A_602 : memref<1x32xf32, #tpu.memory_space<vmem>>) target_semaphore(%dma_start3A_599 : memref<!tpu.dma_semaphore, #tpu.memory_space<semaphore_mem>>)
          %dma_start3A_605 = arith.constant 0 : i32
          %dma_start3A_606 = tpu.memref_slice %arg10[%select_n3A_93, %add3A_592, %dma_start3A_605] : memref<2x64x32xf32, #tpu.memory_space<vmem>> -> memref<1x1x32xf32, #tpu.memory_space<vmem>>
          %dma_start3A_607 = tpu.memref_squeeze %dma_start3A_606 : memref<1x1x32xf32, #tpu.memory_space<vmem>> -> memref<1x32xf32, #tpu.memory_space<vmem>>
          %dma_start3A_608 = arith.constant 0 : i32
          %dma_start3A_609 = tpu.memref_slice %arg5[%squeeze3A_588, %dma_start3A_608] : memref<100000x32xf32, #tpu.memory_space<hbm>> -> memref<1x32xf32, #tpu.memory_space<hbm>>
          %dma_start3A_610 = tpu.memref_slice %arg14[%select_n3A_93] : memref<2x!tpu.dma_semaphore, #tpu.memory_space<semaphore_mem>> -> memref<1x!tpu.dma_semaphore, #tpu.memory_space<semaphore_mem>>
          %dma_start3A_611 = tpu.memref_squeeze %dma_start3A_610 : memref<1x!tpu.dma_semaphore, #tpu.memory_space<semaphore_mem>> -> memref<!tpu.dma_semaphore, #tpu.memory_space<semaphore_mem>>
          %dma_start3A_612 = arith.constant 0 : i32
          %dma_start3A_613 = tpu.memref_slice %arg10[%select_n3A_93, %add3A_592, %dma_start3A_612] : memref<2x64x32xf32, #tpu.memory_space<vmem>> -> memref<1x1x32xf32, #tpu.memory_space<vmem>>
          %dma_start3A_614 = tpu.memref_squeeze %dma_start3A_613 : memref<1x1x32xf32, #tpu.memory_space<vmem>> -> memref<1x32xf32, #tpu.memory_space<vmem>>
          %dma_start3A_615 = arith.constant 0 : i32
          %dma_start3A_616 = tpu.memref_slice %arg5[%squeeze3A_588, %dma_start3A_615] : memref<100000x32xf32, #tpu.memory_space<hbm>> -> memref<1x32xf32, #tpu.memory_space<hbm>>
          tpu.enqueue_dma source(%dma_start3A_616 : memref<1x32xf32, #tpu.memory_space<hbm>>) target(%dma_start3A_614 : memref<1x32xf32, #tpu.memory_space<vmem>>) target_semaphore(%dma_start3A_611 : memref<!tpu.dma_semaphore, #tpu.memory_space<semaphore_mem>>)
        }
        %scan3A_98 = arith.constant 4 : i32
      } else {
      }
      %dma_wait3A = arith.constant 0 : i32
      %dma_wait3A_28 = arith.constant 0 : i32
      %dma_wait3A_29 = arith.constant 0 : i32
      %dma_wait3A_30 = tpu.memref_slice %arg9[%dma_wait3A, %dma_wait3A_28, %dma_wait3A_29] : memref<2x64x32xf32, #tpu.memory_space<vmem>> -> memref<1x64x32xf32, #tpu.memory_space<vmem>>
      %dma_wait3A_31 = tpu.memref_squeeze %dma_wait3A_30 : memref<1x64x32xf32, #tpu.memory_space<vmem>> -> memref<64x32xf32, #tpu.memory_space<vmem>>
      %dma_wait3A_32 = arith.constant 0 : i32
      %dma_wait3A_33 = arith.constant 0 : i32
      %dma_wait3A_34 = tpu.memref_slice %arg4[%dma_wait3A_32, %dma_wait3A_33] : memref<1000000x32xf32, #tpu.memory_space<hbm>> -> memref<64x32xf32, #tpu.memory_space<hbm>>
      %dma_wait3A_35 = tpu.memref_slice %arg14[%select_n3A_22] : memref<2x!tpu.dma_semaphore, #tpu.memory_space<semaphore_mem>> -> memref<1x!tpu.dma_semaphore, #tpu.memory_space<semaphore_mem>>
      %dma_wait3A_36 = tpu.memref_squeeze %dma_wait3A_35 : memref<1x!tpu.dma_semaphore, #tpu.memory_space<semaphore_mem>> -> memref<!tpu.dma_semaphore, #tpu.memory_space<semaphore_mem>>
      %dma_wait3A_37 = arith.constant 0 : i32
      %dma_wait3A_38 = arith.constant 0 : i32
      %dma_wait3A_39 = tpu.memref_slice %arg9[%dma_wait3A, %dma_wait3A_37, %dma_wait3A_38] : memref<2x64x32xf32, #tpu.memory_space<vmem>> -> memref<1x64x32xf32, #tpu.memory_space<vmem>>
      %dma_wait3A_40 = tpu.memref_squeeze %dma_wait3A_39 : memref<1x64x32xf32, #tpu.memory_space<vmem>> -> memref<64x32xf32, #tpu.memory_space<vmem>>
      %dma_wait3A_41 = arith.constant 0 : i32
      %dma_wait3A_42 = arith.constant 0 : i32
      %dma_wait3A_43 = tpu.memref_slice %arg4[%dma_wait3A_41, %dma_wait3A_42] : memref<1000000x32xf32, #tpu.memory_space<hbm>> -> memref<64x32xf32, #tpu.memory_space<hbm>>
      tpu.wait_dma2 semaphore(%dma_wait3A_36 : memref<!tpu.dma_semaphore, #tpu.memory_space<semaphore_mem>>) src(%dma_wait3A_43 : memref<64x32xf32, #tpu.memory_space<hbm>>) dst(%dma_wait3A_40 : memref<64x32xf32, #tpu.memory_space<vmem>>)
      %dma_wait3A_44 = arith.constant 0 : i32
      %dma_wait3A_45 = arith.constant 0 : i32
      %dma_wait3A_46 = arith.constant 0 : i32
      %dma_wait3A_47 = tpu.memref_slice %arg10[%dma_wait3A_44, %dma_wait3A_45, %dma_wait3A_46] : memref<2x64x32xf32, #tpu.memory_space<vmem>> -> memref<1x64x32xf32, #tpu.memory_space<vmem>>
      %dma_wait3A_48 = tpu.memref_squeeze %dma_wait3A_47 : memref<1x64x32xf32, #tpu.memory_space<vmem>> -> memref<64x32xf32, #tpu.memory_space<vmem>>
      %dma_wait3A_49 = arith.constant 0 : i32
      %dma_wait3A_50 = arith.constant 0 : i32
      %dma_wait3A_51 = tpu.memref_slice %arg4[%dma_wait3A_49, %dma_wait3A_50] : memref<1000000x32xf32, #tpu.memory_space<hbm>> -> memref<64x32xf32, #tpu.memory_space<hbm>>
      %dma_wait3A_52 = tpu.memref_slice %arg14[%select_n3A_22] : memref<2x!tpu.dma_semaphore, #tpu.memory_space<semaphore_mem>> -> memref<1x!tpu.dma_semaphore, #tpu.memory_space<semaphore_mem>>
      %dma_wait3A_53 = tpu.memref_squeeze %dma_wait3A_52 : memref<1x!tpu.dma_semaphore, #tpu.memory_space<semaphore_mem>> -> memref<!tpu.dma_semaphore, #tpu.memory_space<semaphore_mem>>
      %dma_wait3A_54 = arith.constant 0 : i32
      %dma_wait3A_55 = arith.constant 0 : i32
      %dma_wait3A_56 = tpu.memref_slice %arg10[%dma_wait3A_44, %dma_wait3A_54, %dma_wait3A_55] : memref<2x64x32xf32, #tpu.memory_space<vmem>> -> memref<1x64x32xf32, #tpu.memory_space<vmem>>
      %dma_wait3A_57 = tpu.memref_squeeze %dma_wait3A_56 : memref<1x64x32xf32, #tpu.memory_space<vmem>> -> memref<64x32xf32, #tpu.memory_space<vmem>>
      %dma_wait3A_58 = arith.constant 0 : i32
      %dma_wait3A_59 = arith.constant 0 : i32
      %dma_wait3A_60 = tpu.memref_slice %arg4[%dma_wait3A_58, %dma_wait3A_59] : memref<1000000x32xf32, #tpu.memory_space<hbm>> -> memref<64x32xf32, #tpu.memory_space<hbm>>
      tpu.wait_dma2 semaphore(%dma_wait3A_53 : memref<!tpu.dma_semaphore, #tpu.memory_space<semaphore_mem>>) src(%dma_wait3A_60 : memref<64x32xf32, #tpu.memory_space<hbm>>) dst(%dma_wait3A_57 : memref<64x32xf32, #tpu.memory_space<vmem>>)
      %mul3A_61 = arith.constant 0 : i32
      %mul3A_62 = vector.broadcast %mul3A_61 : i32 to vector<16xi32>
      %mul3A_63 = arith.muli %iota3A, %mul3A_62 : vector<16xi32>
      %add3A_64 = vector.broadcast %select_n3A_22 : i32 to vector<16xi32>
      %add3A_65 = arith.addi %mul3A_63, %add3A_64 : vector<16xi32>
      %mul3A_66 = arith.constant 0 : i32
      %mul3A_67 = vector.broadcast %mul3A_66 : i32 to vector<16xi32>
      %mul3A_68 = arith.muli %iota3A, %mul3A_67 : vector<16xi32>
      %scan3A_69 = arith.constant 0 : i32
      %scan3A_70 = arith.constant 4 : i32
      %scan3A_71 = arith.addi %scan3A_69, %scan3A_70 : i32
      %scan3A_72 = arith.constant 1 : i32
      scf.for %scan3A_74 = %scan3A_69 to %scan3A_71 step %scan3A_72  : i32 {
        %mul3A_75 = arith.constant 16 : i32
        %mul3A_76 = arith.muli %scan3A_74, %mul3A_75 : i32
        %add3A_77 = vector.broadcast %mul3A_76 : i32 to vector<16xi32>
        %add3A_78 = arith.addi %iota3A, %add3A_77 : vector<16xi32>
        %broadcast_in_dim3A = arith.constant 0.000000e+00 : f32
        %broadcast_in_dim3A_79 = vector.broadcast %broadcast_in_dim3A : f32 to vector<16xf32>
        %mul3A_80 = arith.constant 0 : i32
        %mul3A_81 = vector.broadcast %mul3A_80 : i32 to vector<16xi32>
        %mul3A_82 = arith.muli %iota3A, %mul3A_81 : vector<16xi32>
        %add3A_83 = arith.constant 0 : i32
        %add3A_84 = vector.broadcast %add3A_83 : i32 to vector<16xi32>
        %add3A_85 = arith.addi %mul3A_82, %add3A_84 : vector<16xi32>
        %gather3A = tpu.vector_load_idx %arg9[%add3A_65, %add3A_78, %add3A_85] : memref<2x64x32xf32, #tpu.memory_space<vmem>>[vector<16xi32>, vector<16xi32>, vector<16xi32>], vector<16xf32>,
        %gather3A_86 = tpu.vector_load_idx %arg10[%add3A_65, %add3A_78, %add3A_85] : memref<2x64x32xf32, #tpu.memory_space<vmem>>[vector<16xi32>, vector<16xi32>, vector<16xi32>], vector<16xf32>,
        %mul3A_87 = arith.mulf %gather3A, %gather3A_86 : vector<16xf32>
        %add3A_88 = arith.addf %broadcast_in_dim3A_79, %mul3A_87 : vector<16xf32>
        %mul3A_89 = arith.constant 0 : i32
        %mul3A_90 = vector.broadcast %mul3A_89 : i32 to vector<16xi32>
        %mul3A_91 = arith.muli %iota3A, %mul3A_90 : vector<16xi32>
        %add3A_92 = arith.constant 1 : i32
        %add3A_93 = vector.broadcast %add3A_92 : i32 to vector<16xi32>
        %add3A_94 = arith.addi %mul3A_91, %add3A_93 : vector<16xi32>
        %gather3A_95 = tpu.vector_load_idx %arg9[%add3A_65, %add3A_78, %add3A_94] : memref<2x64x32xf32, #tpu.memory_space<vmem>>[vector<16xi32>, vector<16xi32>, vector<16xi32>], vector<16xf32>,
        %gather3A_96 = tpu.vector_load_idx %arg10[%add3A_65, %add3A_78, %add3A_94] : memref<2x64x32xf32, #tpu.memory_space<vmem>>[vector<16xi32>, vector<16xi32>, vector<16xi32>], vector<16xf32>,
        %mul3A_97 = arith.mulf %gather3A_95, %gather3A_96 : vector<16xf32>
        %add3A_98 = arith.addf %add3A_88, %mul3A_97 : vector<16xf32>
        %mul3A_99 = arith.constant 0 : i32
        %mul3A_100 = vector.broadcast %mul3A_99 : i32 to vector<16xi32>
        %mul3A_101 = arith.muli %iota3A, %mul3A_100 : vector<16xi32>
        %add3A_102 = arith.constant 2 : i32
        %add3A_103 = vector.broadcast %add3A_102 : i32 to vector<16xi32>
        %add3A_104 = arith.addi %mul3A_101, %add3A_103 : vector<16xi32>
        %gather3A_105 = tpu.vector_load_idx %arg9[%add3A_65, %add3A_78, %add3A_104] : memref<2x64x32xf32, #tpu.memory_space<vmem>>[vector<16xi32>, vector<16xi32>, vector<16xi32>], vector<16xf32>,
        %gather3A_106 = tpu.vector_load_idx %arg10[%add3A_65, %add3A_78, %add3A_104] : memref<2x64x32xf32, #tpu.memory_space<vmem>>[vector<16xi32>, vector<16xi32>, vector<16xi32>], vector<16xf32>,
        %mul3A_107 = arith.mulf %gather3A_105, %gather3A_106 : vector<16xf32>
        %add3A_108 = arith.addf %add3A_98, %mul3A_107 : vector<16xf32>
        %mul3A_109 = arith.constant 0 : i32
        %mul3A_110 = vector.broadcast %mul3A_109 : i32 to vector<16xi32>
        %mul3A_111 = arith.muli %iota3A, %mul3A_110 : vector<16xi32>
        %add3A_112 = arith.constant 3 : i32
        %add3A_113 = vector.broadcast %add3A_112 : i32 to vector<16xi32>
        %add3A_114 = arith.addi %mul3A_111, %add3A_113 : vector<16xi32>
        %gather3A_115 = tpu.vector_load_idx %arg9[%add3A_65, %add3A_78, %add3A_114] : memref<2x64x32xf32, #tpu.memory_space<vmem>>[vector<16xi32>, vector<16xi32>, vector<16xi32>], vector<16xf32>,
        %gather3A_116 = tpu.vector_load_idx %arg10[%add3A_65, %add3A_78, %add3A_114] : memref<2x64x32xf32, #tpu.memory_space<vmem>>[vector<16xi32>, vector<16xi32>, vector<16xi32>], vector<16xf32>,
        %mul3A_117 = arith.mulf %gather3A_115, %gather3A_116 : vector<16xf32>
        %add3A_118 = arith.addf %add3A_108, %mul3A_117 : vector<16xf32>
        %mul3A_119 = arith.constant 0 : i32
        %mul3A_120 = vector.broadcast %mul3A_119 : i32 to vector<16xi32>
        %mul3A_121 = arith.muli %iota3A, %mul3A_120 : vector<16xi32>
        %add3A_122 = arith.constant 4 : i32
        %add3A_123 = vector.broadcast %add3A_122 : i32 to vector<16xi32>
        %add3A_124 = arith.addi %mul3A_121, %add3A_123 : vector<16xi32>
        %gather3A_125 = tpu.vector_load_idx %arg9[%add3A_65, %add3A_78, %add3A_124] : memref<2x64x32xf32, #tpu.memory_space<vmem>>[vector<16xi32>, vector<16xi32>, vector<16xi32>], vector<16xf32>,
        %gather3A_126 = tpu.vector_load_idx %arg10[%add3A_65, %add3A_78, %add3A_124] : memref<2x64x32xf32, #tpu.memory_space<vmem>>[vector<16xi32>, vector<16xi32>, vector<16xi32>], vector<16xf32>,
        %mul3A_127 = arith.mulf %gather3A_125, %gather3A_126 : vector<16xf32>
        %add3A_128 = arith.addf %add3A_118, %mul3A_127 : vector<16xf32>
        %mul3A_129 = arith.constant 0 : i32
        %mul3A_130 = vector.broadcast %mul3A_129 : i32 to vector<16xi32>
        %mul3A_131 = arith.muli %iota3A, %mul3A_130 : vector<16xi32>
        %add3A_132 = arith.constant 5 : i32
        %add3A_133 = vector.broadcast %add3A_132 : i32 to vector<16xi32>
        %add3A_134 = arith.addi %mul3A_131, %add3A_133 : vector<16xi32>
        %gather3A_135 = tpu.vector_load_idx %arg9[%add3A_65, %add3A_78, %add3A_134] : memref<2x64x32xf32, #tpu.memory_space<vmem>>[vector<16xi32>, vector<16xi32>, vector<16xi32>], vector<16xf32>,
        %gather3A_136 = tpu.vector_load_idx %arg10[%add3A_65, %add3A_78, %add3A_134] : memref<2x64x32xf32, #tpu.memory_space<vmem>>[vector<16xi32>, vector<16xi32>, vector<16xi32>], vector<16xf32>,
        %mul3A_137 = arith.mulf %gather3A_135, %gather3A_136 : vector<16xf32>
        %add3A_138 = arith.addf %add3A_128, %mul3A_137 : vector<16xf32>
        %mul3A_139 = arith.constant 0 : i32
        %mul3A_140 = vector.broadcast %mul3A_139 : i32 to vector<16xi32>
        %mul3A_141 = arith.muli %iota3A, %mul3A_140 : vector<16xi32>
        %add3A_142 = arith.constant 6 : i32
        %add3A_143 = vector.broadcast %add3A_142 : i32 to vector<16xi32>
        %add3A_144 = arith.addi %mul3A_141, %add3A_143 : vector<16xi32>
        %gather3A_145 = tpu.vector_load_idx %arg9[%add3A_65, %add3A_78, %add3A_144] : memref<2x64x32xf32, #tpu.memory_space<vmem>>[vector<16xi32>, vector<16xi32>, vector<16xi32>], vector<16xf32>,
        %gather3A_146 = tpu.vector_load_idx %arg10[%add3A_65, %add3A_78, %add3A_144] : memref<2x64x32xf32, #tpu.memory_space<vmem>>[vector<16xi32>, vector<16xi32>, vector<16xi32>], vector<16xf32>,
        %mul3A_147 = arith.mulf %gather3A_145, %gather3A_146 : vector<16xf32>
        %add3A_148 = arith.addf %add3A_138, %mul3A_147 : vector<16xf32>
        %mul3A_149 = arith.constant 0 : i32
        %mul3A_150 = vector.broadcast %mul3A_149 : i32 to vector<16xi32>
        %mul3A_151 = arith.muli %iota3A, %mul3A_150 : vector<16xi32>
        %add3A_152 = arith.constant 7 : i32
        %add3A_153 = vector.broadcast %add3A_152 : i32 to vector<16xi32>
        %add3A_154 = arith.addi %mul3A_151, %add3A_153 : vector<16xi32>
        %gather3A_155 = tpu.vector_load_idx %arg9[%add3A_65, %add3A_78, %add3A_154] : memref<2x64x32xf32, #tpu.memory_space<vmem>>[vector<16xi32>, vector<16xi32>, vector<16xi32>], vector<16xf32>,
        %gather3A_156 = tpu.vector_load_idx %arg10[%add3A_65, %add3A_78, %add3A_154] : memref<2x64x32xf32, #tpu.memory_space<vmem>>[vector<16xi32>, vector<16xi32>, vector<16xi32>], vector<16xf32>,
        %mul3A_157 = arith.mulf %gather3A_155, %gather3A_156 : vector<16xf32>
        %add3A_158 = arith.addf %add3A_148, %mul3A_157 : vector<16xf32>
        %mul3A_159 = arith.constant 0 : i32
        %mul3A_160 = vector.broadcast %mul3A_159 : i32 to vector<16xi32>
        %mul3A_161 = arith.muli %iota3A, %mul3A_160 : vector<16xi32>
        %add3A_162 = arith.constant 8 : i32
        %add3A_163 = vector.broadcast %add3A_162 : i32 to vector<16xi32>
        %add3A_164 = arith.addi %mul3A_161, %add3A_163 : vector<16xi32>
        %gather3A_165 = tpu.vector_load_idx %arg9[%add3A_65, %add3A_78, %add3A_164] : memref<2x64x32xf32, #tpu.memory_space<vmem>>[vector<16xi32>, vector<16xi32>, vector<16xi32>], vector<16xf32>,
        %gather3A_166 = tpu.vector_load_idx %arg10[%add3A_65, %add3A_78, %add3A_164] : memref<2x64x32xf32, #tpu.memory_space<vmem>>[vector<16xi32>, vector<16xi32>, vector<16xi32>], vector<16xf32>,
        %mul3A_167 = arith.mulf %gather3A_165, %gather3A_166 : vector<16xf32>
        %add3A_168 = arith.addf %add3A_158, %mul3A_167 : vector<16xf32>
        %mul3A_169 = arith.constant 0 : i32
        %mul3A_170 = vector.broadcast %mul3A_169 : i32 to vector<16xi32>
        %mul3A_171 = arith.muli %iota3A, %mul3A_170 : vector<16xi32>
        %add3A_172 = arith.constant 9 : i32
        %add3A_173 = vector.broadcast %add3A_172 : i32 to vector<16xi32>
        %add3A_174 = arith.addi %mul3A_171, %add3A_173 : vector<16xi32>
        %gather3A_175 = tpu.vector_load_idx %arg9[%add3A_65, %add3A_78, %add3A_174] : memref<2x64x32xf32, #tpu.memory_space<vmem>>[vector<16xi32>, vector<16xi32>, vector<16xi32>], vector<16xf32>,
        %gather3A_176 = tpu.vector_load_idx %arg10[%add3A_65, %add3A_78, %add3A_174] : memref<2x64x32xf32, #tpu.memory_space<vmem>>[vector<16xi32>, vector<16xi32>, vector<16xi32>], vector<16xf32>,
        %mul3A_177 = arith.mulf %gather3A_175, %gather3A_176 : vector<16xf32>
        %add3A_178 = arith.addf %add3A_168, %mul3A_177 : vector<16xf32>
        %mul3A_179 = arith.constant 0 : i32
        %mul3A_180 = vector.broadcast %mul3A_179 : i32 to vector<16xi32>
        %mul3A_181 = arith.muli %iota3A, %mul3A_180 : vector<16xi32>
        %add3A_182 = arith.constant 10 : i32
        %add3A_183 = vector.broadcast %add3A_182 : i32 to vector<16xi32>
        %add3A_184 = arith.addi %mul3A_181, %add3A_183 : vector<16xi32>
        %gather3A_185 = tpu.vector_load_idx %arg9[%add3A_65, %add3A_78, %add3A_184] : memref<2x64x32xf32, #tpu.memory_space<vmem>>[vector<16xi32>, vector<16xi32>, vector<16xi32>], vector<16xf32>,
        %gather3A_186 = tpu.vector_load_idx %arg10[%add3A_65, %add3A_78, %add3A_184] : memref<2x64x32xf32, #tpu.memory_space<vmem>>[vector<16xi32>, vector<16xi32>, vector<16xi32>], vector<16xf32>,
        %mul3A_187 = arith.mulf %gather3A_185, %gather3A_186 : vector<16xf32>
        %add3A_188 = arith.addf %add3A_178, %mul3A_187 : vector<16xf32>
        %mul3A_189 = arith.constant 0 : i32
        %mul3A_190 = vector.broadcast %mul3A_189 : i32 to vector<16xi32>
        %mul3A_191 = arith.muli %iota3A, %mul3A_190 : vector<16xi32>
        %add3A_192 = arith.constant 11 : i32
        %add3A_193 = vector.broadcast %add3A_192 : i32 to vector<16xi32>
        %add3A_194 = arith.addi %mul3A_191, %add3A_193 : vector<16xi32>
        %gather3A_195 = tpu.vector_load_idx %arg9[%add3A_65, %add3A_78, %add3A_194] : memref<2x64x32xf32, #tpu.memory_space<vmem>>[vector<16xi32>, vector<16xi32>, vector<16xi32>], vector<16xf32>,
        %gather3A_196 = tpu.vector_load_idx %arg10[%add3A_65, %add3A_78, %add3A_194] : memref<2x64x32xf32, #tpu.memory_space<vmem>>[vector<16xi32>, vector<16xi32>, vector<16xi32>], vector<16xf32>,
        %mul3A_197 = arith.mulf %gather3A_195, %gather3A_196 : vector<16xf32>
        %add3A_198 = arith.addf %add3A_188, %mul3A_197 : vector<16xf32>
        %mul3A_199 = arith.constant 0 : i32
        %mul3A_200 = vector.broadcast %mul3A_199 : i32 to vector<16xi32>
        %mul3A_201 = arith.muli %iota3A, %mul3A_200 : vector<16xi32>
        %add3A_202 = arith.constant 12 : i32
        %add3A_203 = vector.broadcast %add3A_202 : i32 to vector<16xi32>
        %add3A_204 = arith.addi %mul3A_201, %add3A_203 : vector<16xi32>
        %gather3A_205 = tpu.vector_load_idx %arg9[%add3A_65, %add3A_78, %add3A_204] : memref<2x64x32xf32, #tpu.memory_space<vmem>>[vector<16xi32>, vector<16xi32>, vector<16xi32>], vector<16xf32>,
        %gather3A_206 = tpu.vector_load_idx %arg10[%add3A_65, %add3A_78, %add3A_204] : memref<2x64x32xf32, #tpu.memory_space<vmem>>[vector<16xi32>, vector<16xi32>, vector<16xi32>], vector<16xf32>,
        %mul3A_207 = arith.mulf %gather3A_205, %gather3A_206 : vector<16xf32>
        %add3A_208 = arith.addf %add3A_198, %mul3A_207 : vector<16xf32>
        %mul3A_209 = arith.constant 0 : i32
        %mul3A_210 = vector.broadcast %mul3A_209 : i32 to vector<16xi32>
        %mul3A_211 = arith.muli %iota3A, %mul3A_210 : vector<16xi32>
        %add3A_212 = arith.constant 13 : i32
        %add3A_213 = vector.broadcast %add3A_212 : i32 to vector<16xi32>
        %add3A_214 = arith.addi %mul3A_211, %add3A_213 : vector<16xi32>
        %gather3A_215 = tpu.vector_load_idx %arg9[%add3A_65, %add3A_78, %add3A_214] : memref<2x64x32xf32, #tpu.memory_space<vmem>>[vector<16xi32>, vector<16xi32>, vector<16xi32>], vector<16xf32>,
        %gather3A_216 = tpu.vector_load_idx %arg10[%add3A_65, %add3A_78, %add3A_214] : memref<2x64x32xf32, #tpu.memory_space<vmem>>[vector<16xi32>, vector<16xi32>, vector<16xi32>], vector<16xf32>,
        %mul3A_217 = arith.mulf %gather3A_215, %gather3A_216 : vector<16xf32>
        %add3A_218 = arith.addf %add3A_208, %mul3A_217 : vector<16xf32>
        %mul3A_219 = arith.constant 0 : i32
        %mul3A_220 = vector.broadcast %mul3A_219 : i32 to vector<16xi32>
        %mul3A_221 = arith.muli %iota3A, %mul3A_220 : vector<16xi32>
        %add3A_222 = arith.constant 14 : i32
        %add3A_223 = vector.broadcast %add3A_222 : i32 to vector<16xi32>
        %add3A_224 = arith.addi %mul3A_221, %add3A_223 : vector<16xi32>
        %gather3A_225 = tpu.vector_load_idx %arg9[%add3A_65, %add3A_78, %add3A_224] : memref<2x64x32xf32, #tpu.memory_space<vmem>>[vector<16xi32>, vector<16xi32>, vector<16xi32>], vector<16xf32>,
        %gather3A_226 = tpu.vector_load_idx %arg10[%add3A_65, %add3A_78, %add3A_224] : memref<2x64x32xf32, #tpu.memory_space<vmem>>[vector<16xi32>, vector<16xi32>, vector<16xi32>], vector<16xf32>,
        %mul3A_227 = arith.mulf %gather3A_225, %gather3A_226 : vector<16xf32>
        %add3A_228 = arith.addf %add3A_218, %mul3A_227 : vector<16xf32>
        %mul3A_229 = arith.constant 0 : i32
        %mul3A_230 = vector.broadcast %mul3A_229 : i32 to vector<16xi32>
        %mul3A_231 = arith.muli %iota3A, %mul3A_230 : vector<16xi32>
        %add3A_232 = arith.constant 15 : i32
        %add3A_233 = vector.broadcast %add3A_232 : i32 to vector<16xi32>
        %add3A_234 = arith.addi %mul3A_231, %add3A_233 : vector<16xi32>
        %gather3A_235 = tpu.vector_load_idx %arg9[%add3A_65, %add3A_78, %add3A_234] : memref<2x64x32xf32, #tpu.memory_space<vmem>>[vector<16xi32>, vector<16xi32>, vector<16xi32>], vector<16xf32>,
        %gather3A_236 = tpu.vector_load_idx %arg10[%add3A_65, %add3A_78, %add3A_234] : memref<2x64x32xf32, #tpu.memory_space<vmem>>[vector<16xi32>, vector<16xi32>, vector<16xi32>], vector<16xf32>,
        %mul3A_237 = arith.mulf %gather3A_235, %gather3A_236 : vector<16xf32>
        %add3A_238 = arith.addf %add3A_228, %mul3A_237 : vector<16xf32>
        %mul3A_239 = arith.constant 0 : i32
        %mul3A_240 = vector.broadcast %mul3A_239 : i32 to vector<16xi32>
        %mul3A_241 = arith.muli %iota3A, %mul3A_240 : vector<16xi32>
        %add3A_242 = arith.constant 16 : i32
        %add3A_243 = vector.broadcast %add3A_242 : i32 to vector<16xi32>
        %add3A_244 = arith.addi %mul3A_241, %add3A_243 : vector<16xi32>
        %gather3A_245 = tpu.vector_load_idx %arg9[%add3A_65, %add3A_78, %add3A_244] : memref<2x64x32xf32, #tpu.memory_space<vmem>>[vector<16xi32>, vector<16xi32>, vector<16xi32>], vector<16xf32>,
        %gather3A_246 = tpu.vector_load_idx %arg10[%add3A_65, %add3A_78, %add3A_244] : memref<2x64x32xf32, #tpu.memory_space<vmem>>[vector<16xi32>, vector<16xi32>, vector<16xi32>], vector<16xf32>,
        %mul3A_247 = arith.mulf %gather3A_245, %gather3A_246 : vector<16xf32>
        %add3A_248 = arith.addf %add3A_238, %mul3A_247 : vector<16xf32>
        %mul3A_249 = arith.constant 0 : i32
        %mul3A_250 = vector.broadcast %mul3A_249 : i32 to vector<16xi32>
        %mul3A_251 = arith.muli %iota3A, %mul3A_250 : vector<16xi32>
        %add3A_252 = arith.constant 17 : i32
        %add3A_253 = vector.broadcast %add3A_252 : i32 to vector<16xi32>
        %add3A_254 = arith.addi %mul3A_251, %add3A_253 : vector<16xi32>
        %gather3A_255 = tpu.vector_load_idx %arg9[%add3A_65, %add3A_78, %add3A_254] : memref<2x64x32xf32, #tpu.memory_space<vmem>>[vector<16xi32>, vector<16xi32>, vector<16xi32>], vector<16xf32>,
        %gather3A_256 = tpu.vector_load_idx %arg10[%add3A_65, %add3A_78, %add3A_254] : memref<2x64x32xf32, #tpu.memory_space<vmem>>[vector<16xi32>, vector<16xi32>, vector<16xi32>], vector<16xf32>,
        %mul3A_257 = arith.mulf %gather3A_255, %gather3A_256 : vector<16xf32>
        %add3A_258 = arith.addf %add3A_248, %mul3A_257 : vector<16xf32>
        %mul3A_259 = arith.constant 0 : i32
        %mul3A_260 = vector.broadcast %mul3A_259 : i32 to vector<16xi32>
        %mul3A_261 = arith.muli %iota3A, %mul3A_260 : vector<16xi32>
        %add3A_262 = arith.constant 18 : i32
        %add3A_263 = vector.broadcast %add3A_262 : i32 to vector<16xi32>
        %add3A_264 = arith.addi %mul3A_261, %add3A_263 : vector<16xi32>
        %gather3A_265 = tpu.vector_load_idx %arg9[%add3A_65, %add3A_78, %add3A_264] : memref<2x64x32xf32, #tpu.memory_space<vmem>>[vector<16xi32>, vector<16xi32>, vector<16xi32>], vector<16xf32>,
        %gather3A_266 = tpu.vector_load_idx %arg10[%add3A_65, %add3A_78, %add3A_264] : memref<2x64x32xf32, #tpu.memory_space<vmem>>[vector<16xi32>, vector<16xi32>, vector<16xi32>], vector<16xf32>,
        %mul3A_267 = arith.mulf %gather3A_265, %gather3A_266 : vector<16xf32>
        %add3A_268 = arith.addf %add3A_258, %mul3A_267 : vector<16xf32>
        %mul3A_269 = arith.constant 0 : i32
        %mul3A_270 = vector.broadcast %mul3A_269 : i32 to vector<16xi32>
        %mul3A_271 = arith.muli %iota3A, %mul3A_270 : vector<16xi32>
        %add3A_272 = arith.constant 19 : i32
        %add3A_273 = vector.broadcast %add3A_272 : i32 to vector<16xi32>
        %add3A_274 = arith.addi %mul3A_271, %add3A_273 : vector<16xi32>
        %gather3A_275 = tpu.vector_load_idx %arg9[%add3A_65, %add3A_78, %add3A_274] : memref<2x64x32xf32, #tpu.memory_space<vmem>>[vector<16xi32>, vector<16xi32>, vector<16xi32>], vector<16xf32>,
        %gather3A_276 = tpu.vector_load_idx %arg10[%add3A_65, %add3A_78, %add3A_274] : memref<2x64x32xf32, #tpu.memory_space<vmem>>[vector<16xi32>, vector<16xi32>, vector<16xi32>], vector<16xf32>,
        %mul3A_277 = arith.mulf %gather3A_275, %gather3A_276 : vector<16xf32>
        %add3A_278 = arith.addf %add3A_268, %mul3A_277 : vector<16xf32>
        %mul3A_279 = arith.constant 0 : i32
        %mul3A_280 = vector.broadcast %mul3A_279 : i32 to vector<16xi32>
        %mul3A_281 = arith.muli %iota3A, %mul3A_280 : vector<16xi32>
        %add3A_282 = arith.constant 20 : i32
        %add3A_283 = vector.broadcast %add3A_282 : i32 to vector<16xi32>
        %add3A_284 = arith.addi %mul3A_281, %add3A_283 : vector<16xi32>
        %gather3A_285 = tpu.vector_load_idx %arg9[%add3A_65, %add3A_78, %add3A_284] : memref<2x64x32xf32, #tpu.memory_space<vmem>>[vector<16xi32>, vector<16xi32>, vector<16xi32>], vector<16xf32>,
        %gather3A_286 = tpu.vector_load_idx %arg10[%add3A_65, %add3A_78, %add3A_284] : memref<2x64x32xf32, #tpu.memory_space<vmem>>[vector<16xi32>, vector<16xi32>, vector<16xi32>], vector<16xf32>,
        %mul3A_287 = arith.mulf %gather3A_285, %gather3A_286 : vector<16xf32>
        %add3A_288 = arith.addf %add3A_278, %mul3A_287 : vector<16xf32>
        %mul3A_289 = arith.constant 0 : i32
        %mul3A_290 = vector.broadcast %mul3A_289 : i32 to vector<16xi32>
        %mul3A_291 = arith.muli %iota3A, %mul3A_290 : vector<16xi32>
        %add3A_292 = arith.constant 21 : i32
        %add3A_293 = vector.broadcast %add3A_292 : i32 to vector<16xi32>
        %add3A_294 = arith.addi %mul3A_291, %add3A_293 : vector<16xi32>
        %gather3A_295 = tpu.vector_load_idx %arg9[%add3A_65, %add3A_78, %add3A_294] : memref<2x64x32xf32, #tpu.memory_space<vmem>>[vector<16xi32>, vector<16xi32>, vector<16xi32>], vector<16xf32>,
        %gather3A_296 = tpu.vector_load_idx %arg10[%add3A_65, %add3A_78, %add3A_294] : memref<2x64x32xf32, #tpu.memory_space<vmem>>[vector<16xi32>, vector<16xi32>, vector<16xi32>], vector<16xf32>,
        %mul3A_297 = arith.mulf %gather3A_295, %gather3A_296 : vector<16xf32>
        %add3A_298 = arith.addf %add3A_288, %mul3A_297 : vector<16xf32>
        %mul3A_299 = arith.constant 0 : i32
        %mul3A_300 = vector.broadcast %mul3A_299 : i32 to vector<16xi32>
        %mul3A_301 = arith.muli %iota3A, %mul3A_300 : vector<16xi32>
        %add3A_302 = arith.constant 22 : i32
        %add3A_303 = vector.broadcast %add3A_302 : i32 to vector<16xi32>
        %add3A_304 = arith.addi %mul3A_301, %add3A_303 : vector<16xi32>
        %gather3A_305 = tpu.vector_load_idx %arg9[%add3A_65, %add3A_78, %add3A_304] : memref<2x64x32xf32, #tpu.memory_space<vmem>>[vector<16xi32>, vector<16xi32>, vector<16xi32>], vector<16xf32>,
        %gather3A_306 = tpu.vector_load_idx %arg10[%add3A_65, %add3A_78, %add3A_304] : memref<2x64x32xf32, #tpu.memory_space<vmem>>[vector<16xi32>, vector<16xi32>, vector<16xi32>], vector<16xf32>,
        %mul3A_307 = arith.mulf %gather3A_305, %gather3A_306 : vector<16xf32>
        %add3A_308 = arith.addf %add3A_298, %mul3A_307 : vector<16xf32>
        %mul3A_309 = arith.constant 0 : i32
        %mul3A_310 = vector.broadcast %mul3A_309 : i32 to vector<16xi32>
        %mul3A_311 = arith.muli %iota3A, %mul3A_310 : vector<16xi32>
        %add3A_312 = arith.constant 23 : i32
        %add3A_313 = vector.broadcast %add3A_312 : i32 to vector<16xi32>
        %add3A_314 = arith.addi %mul3A_311, %add3A_313 : vector<16xi32>
        %gather3A_315 = tpu.vector_load_idx %arg9[%add3A_65, %add3A_78, %add3A_314] : memref<2x64x32xf32, #tpu.memory_space<vmem>>[vector<16xi32>, vector<16xi32>, vector<16xi32>], vector<16xf32>,
        %gather3A_316 = tpu.vector_load_idx %arg10[%add3A_65, %add3A_78, %add3A_314] : memref<2x64x32xf32, #tpu.memory_space<vmem>>[vector<16xi32>, vector<16xi32>, vector<16xi32>], vector<16xf32>,
        %mul3A_317 = arith.mulf %gather3A_315, %gather3A_316 : vector<16xf32>
        %add3A_318 = arith.addf %add3A_308, %mul3A_317 : vector<16xf32>
        %mul3A_319 = arith.constant 0 : i32
        %mul3A_320 = vector.broadcast %mul3A_319 : i32 to vector<16xi32>
        %mul3A_321 = arith.muli %iota3A, %mul3A_320 : vector<16xi32>
        %add3A_322 = arith.constant 24 : i32
        %add3A_323 = vector.broadcast %add3A_322 : i32 to vector<16xi32>
        %add3A_324 = arith.addi %mul3A_321, %add3A_323 : vector<16xi32>
        %gather3A_325 = tpu.vector_load_idx %arg9[%add3A_65, %add3A_78, %add3A_324] : memref<2x64x32xf32, #tpu.memory_space<vmem>>[vector<16xi32>, vector<16xi32>, vector<16xi32>], vector<16xf32>,
        %gather3A_326 = tpu.vector_load_idx %arg10[%add3A_65, %add3A_78, %add3A_324] : memref<2x64x32xf32, #tpu.memory_space<vmem>>[vector<16xi32>, vector<16xi32>, vector<16xi32>], vector<16xf32>,
        %mul3A_327 = arith.mulf %gather3A_325, %gather3A_326 : vector<16xf32>
        %add3A_328 = arith.addf %add3A_318, %mul3A_327 : vector<16xf32>
        %mul3A_329 = arith.constant 0 : i32
        %mul3A_330 = vector.broadcast %mul3A_329 : i32 to vector<16xi32>
        %mul3A_331 = arith.muli %iota3A, %mul3A_330 : vector<16xi32>
        %add3A_332 = arith.constant 25 : i32
        %add3A_333 = vector.broadcast %add3A_332 : i32 to vector<16xi32>
        %add3A_334 = arith.addi %mul3A_331, %add3A_333 : vector<16xi32>
        %gather3A_335 = tpu.vector_load_idx %arg9[%add3A_65, %add3A_78, %add3A_334] : memref<2x64x32xf32, #tpu.memory_space<vmem>>[vector<16xi32>, vector<16xi32>, vector<16xi32>], vector<16xf32>,
        %gather3A_336 = tpu.vector_load_idx %arg10[%add3A_65, %add3A_78, %add3A_334] : memref<2x64x32xf32, #tpu.memory_space<vmem>>[vector<16xi32>, vector<16xi32>, vector<16xi32>], vector<16xf32>,
        %mul3A_337 = arith.mulf %gather3A_335, %gather3A_336 : vector<16xf32>
        %add3A_338 = arith.addf %add3A_328, %mul3A_337 : vector<16xf32>
        %mul3A_339 = arith.constant 0 : i32
        %mul3A_340 = vector.broadcast %mul3A_339 : i32 to vector<16xi32>
        %mul3A_341 = arith.muli %iota3A, %mul3A_340 : vector<16xi32>
        %add3A_342 = arith.constant 26 : i32
        %add3A_343 = vector.broadcast %add3A_342 : i32 to vector<16xi32>
        %add3A_344 = arith.addi %mul3A_341, %add3A_343 : vector<16xi32>
        %gather3A_345 = tpu.vector_load_idx %arg9[%add3A_65, %add3A_78, %add3A_344] : memref<2x64x32xf32, #tpu.memory_space<vmem>>[vector<16xi32>, vector<16xi32>, vector<16xi32>], vector<16xf32>,
        %gather3A_346 = tpu.vector_load_idx %arg10[%add3A_65, %add3A_78, %add3A_344] : memref<2x64x32xf32, #tpu.memory_space<vmem>>[vector<16xi32>, vector<16xi32>, vector<16xi32>], vector<16xf32>,
        %mul3A_347 = arith.mulf %gather3A_345, %gather3A_346 : vector<16xf32>
        %add3A_348 = arith.addf %add3A_338, %mul3A_347 : vector<16xf32>
        %mul3A_349 = arith.constant 0 : i32
        %mul3A_350 = vector.broadcast %mul3A_349 : i32 to vector<16xi32>
        %mul3A_351 = arith.muli %iota3A, %mul3A_350 : vector<16xi32>
        %add3A_352 = arith.constant 27 : i32
        %add3A_353 = vector.broadcast %add3A_352 : i32 to vector<16xi32>
        %add3A_354 = arith.addi %mul3A_351, %add3A_353 : vector<16xi32>
        %gather3A_355 = tpu.vector_load_idx %arg9[%add3A_65, %add3A_78, %add3A_354] : memref<2x64x32xf32, #tpu.memory_space<vmem>>[vector<16xi32>, vector<16xi32>, vector<16xi32>], vector<16xf32>,
        %gather3A_356 = tpu.vector_load_idx %arg10[%add3A_65, %add3A_78, %add3A_354] : memref<2x64x32xf32, #tpu.memory_space<vmem>>[vector<16xi32>, vector<16xi32>, vector<16xi32>], vector<16xf32>,
        %mul3A_357 = arith.mulf %gather3A_355, %gather3A_356 : vector<16xf32>
        %add3A_358 = arith.addf %add3A_348, %mul3A_357 : vector<16xf32>
        %mul3A_359 = arith.constant 0 : i32
        %mul3A_360 = vector.broadcast %mul3A_359 : i32 to vector<16xi32>
        %mul3A_361 = arith.muli %iota3A, %mul3A_360 : vector<16xi32>
        %add3A_362 = arith.constant 28 : i32
        %add3A_363 = vector.broadcast %add3A_362 : i32 to vector<16xi32>
        %add3A_364 = arith.addi %mul3A_361, %add3A_363 : vector<16xi32>
        %gather3A_365 = tpu.vector_load_idx %arg9[%add3A_65, %add3A_78, %add3A_364] : memref<2x64x32xf32, #tpu.memory_space<vmem>>[vector<16xi32>, vector<16xi32>, vector<16xi32>], vector<16xf32>,
        %gather3A_366 = tpu.vector_load_idx %arg10[%add3A_65, %add3A_78, %add3A_364] : memref<2x64x32xf32, #tpu.memory_space<vmem>>[vector<16xi32>, vector<16xi32>, vector<16xi32>], vector<16xf32>,
        %mul3A_367 = arith.mulf %gather3A_365, %gather3A_366 : vector<16xf32>
        %add3A_368 = arith.addf %add3A_358, %mul3A_367 : vector<16xf32>
        %mul3A_369 = arith.constant 0 : i32
        %mul3A_370 = vector.broadcast %mul3A_369 : i32 to vector<16xi32>
        %mul3A_371 = arith.muli %iota3A, %mul3A_370 : vector<16xi32>
        %add3A_372 = arith.constant 29 : i32
        %add3A_373 = vector.broadcast %add3A_372 : i32 to vector<16xi32>
        %add3A_374 = arith.addi %mul3A_371, %add3A_373 : vector<16xi32>
        %gather3A_375 = tpu.vector_load_idx %arg9[%add3A_65, %add3A_78, %add3A_374] : memref<2x64x32xf32, #tpu.memory_space<vmem>>[vector<16xi32>, vector<16xi32>, vector<16xi32>], vector<16xf32>,
        %gather3A_376 = tpu.vector_load_idx %arg10[%add3A_65, %add3A_78, %add3A_374] : memref<2x64x32xf32, #tpu.memory_space<vmem>>[vector<16xi32>, vector<16xi32>, vector<16xi32>], vector<16xf32>,
        %mul3A_377 = arith.mulf %gather3A_375, %gather3A_376 : vector<16xf32>
        %add3A_378 = arith.addf %add3A_368, %mul3A_377 : vector<16xf32>
        %mul3A_379 = arith.constant 0 : i32
        %mul3A_380 = vector.broadcast %mul3A_379 : i32 to vector<16xi32>
        %mul3A_381 = arith.muli %iota3A, %mul3A_380 : vector<16xi32>
        %add3A_382 = arith.constant 30 : i32
        %add3A_383 = vector.broadcast %add3A_382 : i32 to vector<16xi32>
        %add3A_384 = arith.addi %mul3A_381, %add3A_383 : vector<16xi32>
        %gather3A_385 = tpu.vector_load_idx %arg9[%add3A_65, %add3A_78, %add3A_384] : memref<2x64x32xf32, #tpu.memory_space<vmem>>[vector<16xi32>, vector<16xi32>, vector<16xi32>], vector<16xf32>,
        %gather3A_386 = tpu.vector_load_idx %arg10[%add3A_65, %add3A_78, %add3A_384] : memref<2x64x32xf32, #tpu.memory_space<vmem>>[vector<16xi32>, vector<16xi32>, vector<16xi32>], vector<16xf32>,
        %mul3A_387 = arith.mulf %gather3A_385, %gather3A_386 : vector<16xf32>
        %add3A_388 = arith.addf %add3A_378, %mul3A_387 : vector<16xf32>
        %mul3A_389 = arith.constant 0 : i32
        %mul3A_390 = vector.broadcast %mul3A_389 : i32 to vector<16xi32>
        %mul3A_391 = arith.muli %iota3A, %mul3A_390 : vector<16xi32>
        %add3A_392 = arith.constant 31 : i32
        %add3A_393 = vector.broadcast %add3A_392 : i32 to vector<16xi32>
        %add3A_394 = arith.addi %mul3A_391, %add3A_393 : vector<16xi32>
        %gather3A_395 = tpu.vector_load_idx %arg9[%add3A_65, %add3A_78, %add3A_394] : memref<2x64x32xf32, #tpu.memory_space<vmem>>[vector<16xi32>, vector<16xi32>, vector<16xi32>], vector<16xf32>,
        %gather3A_396 = tpu.vector_load_idx %arg10[%add3A_65, %add3A_78, %add3A_394] : memref<2x64x32xf32, #tpu.memory_space<vmem>>[vector<16xi32>, vector<16xi32>, vector<16xi32>], vector<16xf32>,
        %mul3A_397 = arith.mulf %gather3A_395, %gather3A_396 : vector<16xf32>
        %add3A_398 = arith.addf %add3A_388, %mul3A_397 : vector<16xf32>
        %neg3A = arith.constant 0.000000e+00 : f32
        %neg3A_399 = vector.broadcast %neg3A : f32 to vector<16xf32>
        %neg3A_400 = arith.subf %neg3A_399, %add3A_398 : vector<16xf32>
        %exp3A = math.exp %neg3A_400 : vector<16xf32>
        %add3A_401 = arith.constant 1.000000e+00 : f32
        %add3A_402 = vector.broadcast %add3A_401 : f32 to vector<16xf32>
        %add3A_403 = arith.addf %add3A_402, %exp3A : vector<16xf32>
        %div3A = arith.constant 1.000000e+00 : f32
        %div3A_404 = vector.broadcast %div3A : f32 to vector<16xf32>
        %div3A_405 = arith.divf %div3A_404, %add3A_403 : vector<16xf32>
        %mul3A_406 = arith.constant 64 : i32
        %mul3A_407 = arith.muli %scan3A_13, %mul3A_406 : i32
        %mul3A_408 = arith.constant 16 : i32
        %mul3A_409 = arith.muli %scan3A_74, %mul3A_408 : i32
        %add3A_410 = arith.addi %mul3A_407, %mul3A_409 : i32
        %swap3A = arith.index_cast %add3A_410 : i32 to index
        %swap3A_411 = tpu.vector_load %arg13[%swap3A] {strides = array<i32>} : memref<512xf32, #tpu.memory_space<vmem>>, vector<16xf32>,
        tpu.vector_store %arg13[%swap3A], %div3A_405 {strides = array<i32>} : memref<512xf32, #tpu.memory_space<vmem>>, vector<16xf32>,
      }
      %scan3A_73 = arith.constant 4 : i32
    }
    %scan3A_12 = arith.constant 8 : i32
    "tpu.region"() ({
      %run_scoped3A = tpu.sem_alloc : memref<!tpu.dma_semaphore, #tpu.memory_space<semaphore_mem>>
      %dma_start3A = tpu.memref_slice %arg6[%mul3A_2] : memref<16384xf32, #tpu.memory_space<hbm>> -> memref<512xf32, #tpu.memory_space<hbm>>
      %dma_start3A_13 = tpu.memref_slice %arg6[%mul3A_2] : memref<16384xf32, #tpu.memory_space<hbm>> -> memref<512xf32, #tpu.memory_space<hbm>>
      tpu.enqueue_dma source(%arg13 : memref<512xf32, #tpu.memory_space<vmem>>) target(%dma_start3A_13 : memref<512xf32, #tpu.memory_space<hbm>>) target_semaphore(%run_scoped3A : memref<!tpu.dma_semaphore, #tpu.memory_space<semaphore_mem>>)
      %dma_wait3A = tpu.memref_slice %arg6[%mul3A_2] : memref<16384xf32, #tpu.memory_space<hbm>> -> memref<512xf32, #tpu.memory_space<hbm>>
      %dma_wait3A_14 = tpu.memref_slice %arg6[%mul3A_2] : memref<16384xf32, #tpu.memory_space<hbm>> -> memref<512xf32, #tpu.memory_space<hbm>>
      tpu.wait_dma2 semaphore(%run_scoped3A : memref<!tpu.dma_semaphore, #tpu.memory_space<semaphore_mem>>) src(%arg13 : memref<512xf32, #tpu.memory_space<vmem>>) dst(%dma_wait3A_14 : memref<512xf32, #tpu.memory_space<hbm>>)
      tpu.yield
    }) : () -> ()
    return
  }
}

</mosaic_0001>

<sc_bundles>
// kernel: _hm_model.3.cloned.1.call-start
scs
__scs_entry_jumppad:
0x0: {  	(pc) =	sbr.rel $0x88, $3  }
0x1: {  	(tag) =	ssettag $0x0;
	lr =	simm.s32 $0x1  }
0x2: {  	[smem:$0x3F9D] =	sst lr;
	_ =	strace $0xD0000000  }
0x3: {  	_ = 	snop  }
0x4: {  	_ = 	snop  }
0x5: {  	_ = 	snop  }
0x6: {  	_ = 	snop  }
0x7: {  	_ = 	snop  }
__scs_overlays_trampoline_lowered:
0x8: {  	[smem:$0x3FAC] =	sst s0  }
0x9: {  	[smem:$0x3FAD] =	sst s1  }
0xa: {  	[smem:$0x3FAE] =	sst s2  }
0xb: {  	[smem:$0x3FAF] =	sst s3  }
0xc: {  	[smem:$0x3FB0] =	sst s4  }
0xd: {  	[smem:$0x3FB1] =	sst s5  }
0xe: {  	[smem:$0x3FB2] =	sst s6  }
0xf: {  	[smem:$0x3FB3] =	sst s7  }
0x10: {  	[smem:$0x3FB4] =	sst s8  }
0x11: {  	[smem:$0x3FB5] =	sst s9;
	s0 =	simm.s32 @!p0 $0x0  }
0x12: {  	s1 =	sld [smem:$0x3F9B];
	s0 =	simm.s32 @p0 $0x1  }
0x13: {  	[smem:$0x3FB6] =	sst s0;
	s0 =	simm.s32 @!p1 $0x0  }
0x14: {  	s2 =	sld [smem:$0x3F9A];
	s0 =	simm.s32 @p1 $0x1  }
0x15: {  	[smem:$0x3FB7] =	sst s0;
	s0 =	simm.s32 @!p2 $0x0  }
0x16: {  	s3 =	sld [smem:$0x3FDB];
	s0 =	simm.s32 @p2 $0x1  }
0x17: {  	s4 =	simm.s32 $0x1BF5;
	[smem:$0x3FB9] =	sst s0  }
0x18: {  	s0 =	sld [smem:$0x3F9C];
	_ =	swait.ge [sflag:s4], $0x0  }
0x19: {  	s7 =	sld [smem:$0x3F9D]  }
0x1a: {  	s8 =	sadd.s32 $0xFFFFE003, lr  }
0x1b: {  	s9 =	sadd.s32 $0xFFFFFEF7, lr;
	s5 =	simm.s32 $0xFFFFFFFF;
	p2 =	slt.u32 s8, $0xFFFFF086  }
0x1c: {  	p1 =	slt.u32 s9, $0xF7A;
	s5 =	simm.s32 @!p2 $0x0  }
0x1d: {  	s5 =	simm.s32 @p1 $0x1;
	p0 =	seq.s32 s7, s2  }
0x1e: {  	s7 =	smul.u32 @!p0 $0xF7A, s2;
	p2 =	seq.s32 @!p0 s5, $0x0  }
0x1f: {  	s9 =	smul.u32 $0xF7A, s1;
	s8 =	simm.s32 @!p0 $0x1BF5;
	p2 =	por !p2, p0  }
0x20: {  	[sflag:s8] =	ssyncset.s32 @!p0 $0xFFFFF086;
	s6 =	sadd.s32 @!p0 s3, s7;
	s7 =	simm.s32 @!p0 $0x108  }
0x21: {  	s3 =	sadd.s32 s3, s9;
	s6 =	sadd.s32 @!p0 $0x88, s6;
	s7 =	simm.s32 @p2 $0x1082  }
0x22: {  	[simem:s7], [sflag:s8] =	dma.local @!p0 [hbm:s6], $0xF7A  }
0x23: {  	s9 =	sor.u32 $0xD0000000, s2;
	s6 =	simm.s32 $0x108;
	_ =	swait.ge @!p0 [sflag:s8], $0x0  }
0x24: {  	s3 =	sadd.s32 $0x88, s3;
	s6 =	simm.s32 @!p1 $0x1082;
	[sflag:s4] =	ssyncset.s32 $0xFFFFF086  }
0x25: {  	[simem:s6], [sflag:s4] =	dma.local [hbm:s3], $0xF7A  }
0x26: {  	[smem:$0x3F9D] =	sst s1;
	(tag) =	ssettag s2;
	_ =	strace s9  }
0x27: {  	s1 =	sld [smem:$0x3FAD]  }
0x28: {  	s2 =	sld [smem:$0x3FAE]  }
0x29: {  	s4 =	sld [smem:$0x3FB0]  }
0x2a: {  	p0 =	seq.s32 s5, $0x0;
	s5 =	sld [smem:$0x3FB1]  }
0x2b: {  	s6 =	sld [smem:$0x3FB2]  }
0x2c: {  	s7 =	sld [smem:$0x3FB3]  }
0x2d: {  	s3 =	simm.s32 $0x108;
	s8 =	sld [smem:$0x3FB4]  }
0x2e: {  	s3 =	simm.s32 @!p0 $0x1082;
	s9 =	sld [smem:$0x3FB5]  }
0x2f: {  	lr =	sadd.s32 s0, s3;
	s0 =	sld [smem:$0x3FAC]  }
0x30: {  	s3 =	sld [smem:$0x3FAF]  }
0x31: {  	[smem:$0x3FB8] =	sst s10  }
0x32: {  	s10 =	sld [smem:$0x3FB6];
	_ =	sdelay $0x3  }
0x33: {  	p0 =	seq.s32 s10, $0x1;
	s10 =	sld [smem:$0x3FB8];
	_ =	sdelay $0x3  }
0x34: {  	[smem:$0x3FB8] =	sst s10  }
0x35: {  	s10 =	sld [smem:$0x3FB7];
	_ =	sdelay $0x3  }
0x36: {  	p1 =	seq.s32 s10, $0x1;
	s10 =	sld [smem:$0x3FB8];
	_ =	sdelay $0x3  }
0x37: {  	[smem:$0x3FB8] =	sst s10  }
0x38: {  	s10 =	sld [smem:$0x3FB9]  }
0x39: {  	_ = 	snop;
	(pc) =	sbr.ind lr, $3  }
0x3a: {  	_ = 	snop  }
0x3b: {  	_ = 	snop  }
0x3c: {  	p2 =	seq.s32 s10, $0x1;
	s10 =	sld [smem:$0x3FB8]  }
0x3d: {  	_ =	shalt  }
0x3e: {  	_ =	shalt  }
0x3f: {  	_ =	shalt  }
0x40: {  	_ =	shalt  }
0x41: {  	_ =	shalt  }
0x42: {  	_ =	shalt  }
0x43: {  	_ =	shalt  }
0x44: {  	_ =	shalt  }
0x45: {  	_ =	shalt  }
0x46: {  	_ =	shalt  }
0x47: {  	_ =	shalt  }
0x48: {  	_ =	shalt  }
0x49: {  	_ =	shalt  }
0x4a: {  	_ =	shalt  }
0x4b: {  	_ =	shalt  }
0x4c: {  	_ =	shalt  }
0x4d: {  	_ =	shalt  }
0x4e: {  	_ =	shalt  }
0x4f: {  	_ =	shalt  }
0x50: {  	_ =	shalt  }
0x51: {  	_ =	shalt  }
0x52: {  	_ =	shalt  }
0x53: {  	_ =	shalt  }
0x54: {  	_ =	shalt  }
0x55: {  	_ =	shalt  }
0x56: {  	_ =	shalt  }
0x57: {  	_ =	shalt  }
0x58: {  	_ =	shalt  }
0x59: {  	_ =	shalt  }
0x5a: {  	_ =	shalt  }
0x5b: {  	_ =	shalt  }
0x5c: {  	_ =	shalt  }
0x5d: {  	_ =	shalt  }
0x5e: {  	_ =	shalt  }
0x5f: {  	_ =	shalt  }
0x60: {  	_ =	shalt  }
0x61: {  	_ =	shalt  }
0x62: {  	_ =	shalt  }
0x63: {  	_ =	shalt  }
0x64: {  	_ =	shalt  }
0x65: {  	_ =	shalt  }
0x66: {  	_ =	shalt  }
0x67: {  	_ =	shalt  }
0x68: {  	_ =	shalt  }
0x69: {  	_ =	shalt  }
0x6a: {  	_ =	shalt  }
0x6b: {  	_ =	shalt  }
0x6c: {  	_ =	shalt  }
0x6d: {  	_ =	shalt  }
0x6e: {  	_ =	shalt  }
0x6f: {  	_ =	shalt  }
0x70: {  	_ =	shalt  }
0x71: {  	_ =	shalt  }
0x72: {  	_ =	shalt  }
0x73: {  	_ =	shalt  }
0x74: {  	_ =	shalt  }
0x75: {  	_ =	shalt  }
0x76: {  	_ =	shalt  }
0x77: {  	_ =	shalt  }
0x78: {  	_ =	shalt  }
0x79: {  	_ =	shalt  }
0x7a: {  	_ =	shalt  }
0x7b: {  	_ =	shalt  }
0x7c: {  	_ =	shalt  }
0x7d: {  	_ =	shalt  }
0x7e: {  	_ =	shalt  }
0x7f: {  	_ =	shalt  }
0x80: {  	_ =	shalt  }
0x81: {  	_ =	shalt  }
0x82: {  	_ =	shalt  }
0x83: {  	_ =	shalt  }
0x84: {  	_ =	shalt  }
0x85: {  	_ =	shalt  }
0x86: {  	_ =	shalt  }
0x87: {  	_ =	shalt  }
.Lfunc_end0:
.L_simem_size_0:
called_computation_lowered:
.L_overlay_start_0:
0x88: {  	s2 =	sld [smem:$0x3FD9]  }
0x89: {  	s3 =	sld [smem:$0x3FFE];
	_ =	sdelay $0x1  }
0x8a: {  	s1 =	srdreg.scid  }
0x8b: {  	s0 =	sand.u32 $0x1, s1  }
0x8c: {  	s17 =	sshll.u32 s0, $0xA;
	s2 =	sadd.s32 s3, s2  }
0x8d: {  	s2 =	sadd.s32 s2, s17  }
0x8e: {  	[smem:$0x3FC4] =	sst s2  }
0x8f: {  	_ = 	snop  }
0x90: {  	s2 =	sld [smem:$0x3FC9]  }
0x91: {  	s18 =	sld [smem:$0x3FC8]  }
0x92: {  	s4 =	sld [smem:$0x3FD0];
	(tm) =	ssettm $0x1  }
0x93: {  	s5 =	sld [smem:$0x3FFB];
	_ =	sdelay $0x3  }
0x94: {  	_ =	strace s5  }
0x95: {  	s5 =	sld [smem:$0x3FFC];
	_ =	sdelay $0x3  }
0x96: {  	_ =	strace s5  }
0x97: {  	s5 =	sld [smem:$0x3FFD];
	_ =	sdelay $0x3  }
0x98: {  	_ =	strace s5  }
0x99: {  	_ =	strace $0x8FFFFFFF  }
0x9a: {  	s19 =	sld [smem:$0x3FDB];
	_ =	sdelay $0x1  }
0x9b: {  	s6 =	simm.s32 $_scs_section_size  }
0x9c: {  	s7 =	simm.s32 $_size__tile_overlayer_lowered;
	s8 =	simm.s32 $_tile_overlayer_lowered  }
0x9d: {  	s22 =	simm.s32 $0x1BFF;
	s21 =	sshll.u32 s8, $0x1;
	s5 =	sadd.s32 s6, s19  }
0x9e: {  	s9 =	simm.s32 $0x0;
	s20 =	sshll.u32 s7, $0x1;
	s7 =	sadd.s32 s21, s5  }
0x9f: {  	[timem:s9], [sflag:s22] =	dma.local [hbm:s7], s20  }
0xa0: {  	_ =	swait.ge [sflag:s22], s20  }
0xa1: {  	s6 =	ssub.s32 $0x0, s20;
	[sflag:s22] =	ssyncset.done $0x0  }
0xa2: {  	[sflag:s22] =	ssyncadd.s32 s6;
	_ =	sdelay $0x1  }
0xa3: {  	s23 =	simm.s32 $0x1B8B  }
0xa4: {  	_ =	swait.ge [sflag:s23], $0x1  }
0xa5: {  	[sflag:s23] =	ssyncset.done $0x0  }
0xa6: {  	s25 =	simm.s32 $0x1B8E;
	s24 =	sld [smem:$0x3FFE];
	[sflag:s23] =	ssyncadd.s32 $0xFFFFFFFF  }
0xa7: {  	s26 =	simm.s32 $execute0_lowered;
	[smem:$0x3FD2] =	sst s25  }
0xa8: {  	s7 =	sshll.u32 s26, $0x1;
	_ =	strace $0x80000046;
	[dreg:$0x1] =	wrdreg $0xFFFFFFFF  }
0xa9: {  	s28 =	simm.s32 $_size_execute0_lowered;
	s5 =	sadd.s32 s5, s7;
	[dreg:$0x0] =	wrdreg $0x0  }
0xaa: {  	s7 =	sshll.u32 s28, $0x1;
	[dreg:$0x2] =	wrdreg s5  }
0xab: {  	[dreg:$0x3] =	wrdreg s7  }
0xac: {  	[dreg:$0x4] =	wrdreg $0xC0  }
0xad: {  	_ =	task [dreg:s9], $0x5FFFF  }
0xae: {  	[dreg:$0x1] =	wrdreg $0xFFFFFFFF  }
0xaf: {  	[dreg:$0x0] =	wrdreg $0x60  }
0xb0: {  	[dreg:$0x2] =	wrdreg s2  }
0xb1: {  	[dreg:$0x3] =	wrdreg s18  }
0xb2: {  	[dreg:$0x4] =	wrdreg s24  }
0xb3: {  	[dreg:$0x5] =	wrdreg s4  }
0xb4: {  	[dreg:$0x6] =	wrdreg $0x9  }
0xb5: {  	_ =	task.clear_ibuf [dreg:s9], $0x7FFFF;
	_ =	strace $0x90000046  }
0xb6: {  	s29 =	simm.s32 $0x9;
	_ =	strace $0x80000048  }
0xb7: {  	_ =	swait.ge [sflag:s29], $0x1  }
0xb8: {  	[sflag:s29] =	ssyncadd.s32 $0xFFFFFFFF  }
0xb9: {  	_ =	strace $0x90000048  }
0xba: {  	_ =	sfence  }
0xbb: {  	s30 =	sld [smem:$0x0];
	_ =	sdelay $0x2  }
0xbc: {  	s31 =	sshll.u32 s1, $0xD;
	s1 =	sshrl.u32 s1, $0x2  }
0xbd: {  	s3 =	sand.u32 $0x4000, s31;
	s1 =	sadd.s32 s1, s30  }
0xbe: {  	s0 =	sor.u32 s3, s0;
	s1 =	sshll.u32 s1, $0x11  }
0xbf: {  	s0 =	sor.u32 s1, s0  }
0xc0: {  	s0 =	sadd.s32 $0x8F2B, s0  }
0xc1: {  	[sflag:s0] =	ssyncadd.remote.s32 $0x1  }
0xc2: {  	_ =	sfence.sel $0xFFFF  }
0xc3: {  	[dreg:$0x0] =	wrdreg $0xFFFFFFFF;
	(pc) =	sbr.abs _section_cstart, $3  }
0xc4: {  	[dreg:$0x1] =	wrdreg $0xFFFFFFFF  }
0xc5: {  	_ =	task.clear_ibuf [dreg:s9], $0x2FFFF;
	_ =	strace $0x9FFFFFFF  }
0xc6: {  	(tm) =	ssettm $0x7FFFFFFF  }
0xc7: {  	_ =	shalt  }
tec
execute0_lowered:
.L_overlay_start_1:
0x0: {  	(tag) =	ssettag $0x1  }
0x1: {  	s0 =	rddreg [dreg:$0x0]  }
0x2: {  	s1 =	rddreg [dreg:$0x1]  }
0x3: {  	s2 =	rddreg [dreg:$0x2]  }
0x4: {  	s3 =	rddreg [dreg:$0x3];
	s16 =	simm.s32 $0x0  }
0x5: {  	s4 =	srdreg.scid;
	s7 =	stileid.u32;
	s10 =	simm.s32 $0x400  }
0x6: {  	s11 =	simm.s32 $0x4400;
	[smem:$0x7FF] =	sst s16;
	s4 =	sand.u32 $0x1, s4  }
0x7: {  	s9 =	sadd.s32 $0x186E00, s2;
	s7 =	sshll.u32 s7, $0x7;
	s8 =	sshll.u32 s4, $0x6  }
0x8: {  	s17 =	sadd.s32 $0x400, s2;
	_ =	strace $0x80000047;
	s28 =	sor.u32 s8, s7  }
0x9: {  	s5 =	ssub.s32 $0x2, s4;
	[dreg:$0x7] =	wrdreg s17;
	s0 =	sadd.s32 s0, s28  }
0xa: {  	s6 =	sshrl.u32 s5, $0x1;
	s29 =	sadd.s32 s1, s28;
	[dreg:$0x1b] =	wrdreg s0  }
0xb: {  	s26 =	ssub.s32 s5, s6;
	s30 =	sadd.s32 s3, s28;
	[dreg:$0x1c] =	wrdreg s29  }
0xc: {  	v0 =	vlaneseq.u32;
	s2 =	simm.s32 $0x3;
	[dreg:$0x1d] =	wrdreg s30;
	s31 =	smax.u32 s26, $0x1  }
0xd: {  	v0 =	vmul.u32 $0x80, v0;
	s4 =	smov.u32 s9;
	s1 =	simm.s32 $0x0;
	[dreg:$0x1e] =	wrdreg s31  }
.LBB2_1:
0xe: {  	[dreg:$0x1f] =	wrdreg s1  }
0xf: {  	s0 =	rddreg [dreg:$0x1b]  }
0x10: {  	[tilespmem:s16], [sflag:$0x3] =	stream.linear.gather [hbm4b:s0+s16], $0x200, $0x38;
	[tilespmem:$0x8600] =	vst v63  }
0x11: {  	_ =	swait.ge [sflag:s2], $0x200  }
0x12: {  	[sflag:s2] =	ssyncset.done $0x0  }
0x13: {  	s24 =	simm.s32 $0x200;
	s25 =	rddreg [dreg:$0x1c];
	[sflag:s2] =	ssyncadd.s32 $0xFFFFFE00  }
0x14: {  	[tilespmem:s24], [sflag:$0x3] =	stream.linear.gather [hbm4b:s25+s16], $0x200, $0x38;
	[tilespmem:$0x8600] =	vst v63  }
0x15: {  	_ =	swait.ge [sflag:s2], $0x200  }
0x16: {  	[sflag:s2] =	ssyncset.done $0x0  }
0x17: {  	[sflag:s2] =	ssyncadd.s32 $0xFFFFFE00  }
0x18: {  	v1 =	vld [tilespmem:s16+$0x0]  }
0x19: {  	v2 =	vld [tilespmem:s24+$0x0];
	_ =	sdelay $0x3  }
0x1a: {  	v1 =	vshll.u32 v1, $0x4  }
0x1b: {  	v2 =	vshll.u32 v2, $0x4;
	(v2sf) =	vpush v1, $0x0  }
0x1c: {  	(v2sf) =	vpush v2, $0x0  }
0x1d: {  	(v2sf) =	vpush v1, $0x1;
	_ =	sdelay $0x1  }
0x1e: {  	(v2sf) =	vpush v2, $0x1;
	_ =	sdelay $0x2  }
0x1f: {  	(v2sf) =	vpush v1, $0x2;
	_ =	sdelay $0x1  }
0x20: {  	(v2sf) =	vpush v2, $0x2  }
0x21: {  	p0 =	por $0x0, $0x0  }
0x22: {  	s15 =	simm.s32 $0x2000;
	s14 =	simm.s32 $0x0;
	s26 =	simm.s32 $0x4400;
	(v2sf) =	vpush v1, $0x3  }
0x23: {  	s5 =	simm.s32 $0x680;
	s13 =	simm.s32 $0x880;
	s28 =	simm.s32 $0x400  }
0x24: {  	s7 =	simm.s32 $0x600;
	s8 =	simm.s32 $0x580;
	s9 =	simm.s32 $0x4580  }
0x25: {  	s18 =	simm.s32 $0x4A00;
	s6 =	simm.s32 $0x480;
	s21 =	simm.s32 $0x4480  }
0x26: {  	s23 =	simm.s32 $0x500;
	s1 =	simm.s32 $0x4980;
	s3 =	spop (v2sf);
	(v2sf) =	vpush v2, $0x3  }
0x27: {  	s0 =	simm.s32 $0x4900;
	s3 =	sand.u32 $0x1FFFFFF0, s3;
	s12 =	spop (v2sf)  }
0x28: {  	(v2sf) =	vpush v1, $0x4;
	s3 =	sadd.s32 s4, s3;
	s29 =	sand.u32 $0x1FFFFFF0, s12;
	s30 =	spop (v2sf)  }
0x29: {  	(v2sf) =	vpush v2, $0x4;
	[tilespmem:s28], [sflag:$0x1] =	stream.linear.gather [hbm4b:s3+s16], $0x80, $0x38;
	[tilespmem:$0x8600] =	vst v63  }
0x2a: {  	s12 =	simm.s32 $0x780;
	s2 =	sadd.s32 s17, s29;
	s31 =	spop (v2sf)  }
0x2b: {  	s3 =	sand.u32 $0x1FFFFFF0, s30;
	(v2sf) =	vpush v1, $0x5;
	s30 =	simm.s32 $0x4600;
	s20 =	sand.u32 $0x1FFFFFF0, s31  }
0x2c: {  	(v2sf) =	vpush v2, $0x5;
	[tilespmem:s26], [sflag:$0x1] =	stream.linear.gather [hbm4b:s2+s16], $0x80, $0x38;
	[tilespmem:$0x8600] =	vst v63  }
0x2d: {  	s19 =	sadd.s32 s4, s3;
	s22 =	spop (v2sf);
	s3 =	sadd.s32 s17, s20  }
0x2e: {  	(v2sf) =	vpush v1, $0x6;
	[tilespmem:s6], [sflag:$0x1] =	stream.linear.gather [hbm4b:s19+s16], $0x80, $0x38;
	[tilespmem:$0x8600] =	vst v63  }
0x2f: {  	s2 =	sand.u32 $0x1FFFFFF0, s22;
	s24 =	spop (v2sf);
	s26 =	simm.s32 $0x4500  }
0x30: {  	[tilespmem:s21], [sflag:$0x1] =	stream.linear.gather [hbm4b:s3+s16], $0x80, $0x38;
	[tilespmem:$0x8600] =	vst v63  }
0x31: {  	s2 =	sadd.s32 s4, s2;
	s25 =	spop (v2sf);
	s3 =	sand.u32 $0x1FFFFFF0, s24  }
0x32: {  	(v2sf) =	vpush v2, $0x6;
	[tilespmem:s23], [sflag:$0x1] =	stream.linear.gather [hbm4b:s2+s16], $0x80, $0x38;
	[tilespmem:$0x8600] =	vst v63  }
0x33: {  	s22 =	simm.s32 $0xA80;
	s29 =	sand.u32 $0x1FFFFFF0, s25;
	s28 =	sadd.s32 s17, s3  }
0x34: {  	[tilespmem:s26], [sflag:$0x1] =	stream.linear.gather [hbm4b:s28+s16], $0x80, $0x38;
	[tilespmem:$0x8600] =	vst v63  }
0x35: {  	s19 =	simm.s32 $0x4680;
	s3 =	sadd.s32 s4, s29;
	s31 =	spop (v2sf)  }
0x36: {  	(v2sf) =	vpush v1, $0x7;
	[tilespmem:s8], [sflag:$0x1] =	stream.linear.gather [hbm4b:s3+s16], $0x80, $0x38;
	[tilespmem:$0x8600] =	vst v63  }
0x37: {  	s21 =	simm.s32 $0x700;
	s2 =	sand.u32 $0x1FFFFFF0, s31;
	s3 =	spop (v2sf)  }
0x38: {  	(v2sf) =	vpush v2, $0x7;
	s2 =	sadd.s32 s17, s2;
	s8 =	sand.u32 $0x1FFFFFF0, s3;
	s6 =	spop (v2sf)  }
0x39: {  	(v2sf) =	vpush v1, $0x8;
	[tilespmem:s9], [sflag:$0x1] =	stream.linear.gather [hbm4b:s2+s16], $0x80, $0x38;
	[tilespmem:$0x8600] =	vst v63  }
0x3a: {  	s29 =	simm.s32 $0x4700;
	s8 =	sadd.s32 s4, s8;
	s23 =	spop (v2sf)  }
0x3b: {  	s20 =	sand.u32 $0x1FFFFFF0, s6;
	(v2sf) =	vpush v2, $0x8;
	s6 =	simm.s32 $0x4880;
	s24 =	spop (v2sf)  }
0x3c: {  	(v2sf) =	vpush v1, $0x9;
	[tilespmem:s7], [sflag:$0x1] =	stream.linear.gather [hbm4b:s8+s16], $0x80, $0x38;
	[tilespmem:$0x8600] =	vst v63  }
0x3d: {  	s9 =	sadd.s32 s17, s20;
	s8 =	sand.u32 $0x1FFFFFF0, s23;
	s25 =	spop (v2sf)  }
0x3e: {  	(v2sf) =	vpush v2, $0x9;
	[tilespmem:s30], [sflag:$0x1] =	stream.linear.gather [hbm4b:s9+s16], $0x80, $0x38;
	[tilespmem:$0x8600] =	vst v63  }
0x3f: {  	s7 =	simm.s32 $0x4A80;
	s8 =	sadd.s32 s4, s8;
	s9 =	sand.u32 $0x1FFFFFF0, s24  }
0x40: {  	(v2sf) =	vpush v1, $0xA;
	[tilespmem:s5], [sflag:$0x1] =	stream.linear.gather [hbm4b:s8+s16], $0x80, $0x38;
	[tilespmem:$0x8600] =	vst v63  }
0x41: {  	s28 =	sand.u32 $0x1FFFFFF0, s25;
	s30 =	spop (v2sf);
	s26 =	sadd.s32 s17, s9  }
0x42: {  	(v2sf) =	vpush v2, $0xA;
	[tilespmem:s19], [sflag:$0x1] =	stream.linear.gather [hbm4b:s26+s16], $0x80, $0x38;
	[tilespmem:$0x8600] =	vst v63  }
0x43: {  	s24 =	simm.s32 $0x800;
	s8 =	sadd.s32 s4, s28;
	s5 =	sand.u32 $0x1FFFFFF0, s30  }
0x44: {  	[tilespmem:s21], [sflag:$0x1] =	stream.linear.gather [hbm4b:s8+s16], $0x80, $0x38;
	[tilespmem:$0x8600] =	vst v63  }
0x45: {  	s28 =	simm.s32 $0x4800;
	s5 =	sadd.s32 s17, s5;
	s31 =	spop (v2sf)  }
0x46: {  	[tilespmem:s29], [sflag:$0x1] =	stream.linear.gather [hbm4b:s5+s16], $0x80, $0x38;
	[tilespmem:$0x8600] =	vst v63  }
0x47: {  	s21 =	simm.s32 $0x4780;
	s8 =	sand.u32 $0x1FFFFFF0, s31;
	s3 =	spop (v2sf)  }
0x48: {  	(v2sf) =	vpush v1, $0xB;
	s19 =	sadd.s32 s4, s8;
	s20 =	sand.u32 $0x1FFFFFF0, s3;
	s23 =	spop (v2sf)  }
0x49: {  	(v2sf) =	vpush v2, $0xB;
	[tilespmem:s12], [sflag:$0x1] =	stream.linear.gather [hbm4b:s19+s16], $0x80, $0x38;
	[tilespmem:$0x8600] =	vst v63  }
0x4a: {  	s31 =	simm.s32 $0x900;
	s8 =	sadd.s32 s17, s20;
	s25 =	spop (v2sf)  }
0x4b: {  	s5 =	sand.u32 $0x1FFFFFF0, s23;
	s23 =	simm.s32 $0xA00;
	s26 =	spop (v2sf)  }
0x4c: {  	[tilespmem:s21], [sflag:$0x1] =	stream.linear.gather [hbm4b:s8+s16], $0x80, $0x38;
	[tilespmem:$0x8600] =	vst v63  }
0x4d: {  	(v2sf) =	vpush v1, $0xC;
	s5 =	sadd.s32 s4, s5;
	s8 =	sand.u32 $0x1FFFFFF0, s25;
	s3 =	spop (v2sf)  }
0x4e: {  	[tilespmem:s24], [sflag:$0x1] =	stream.linear.gather [hbm4b:s5+s16], $0x80, $0x38;
	[tilespmem:$0x8600] =	vst v63  }
0x4f: {  	(v2sf) =	vpush v2, $0xC;
	s30 =	sand.u32 $0x1FFFFFF0, s26;
	s29 =	sadd.s32 s17, s8;
	s9 =	spop (v2sf)  }
0x50: {  	[tilespmem:s28], [sflag:$0x1] =	stream.linear.gather [hbm4b:s29+s16], $0x80, $0x38;
	[tilespmem:$0x8600] =	vst v63  }
0x51: {  	s8 =	sadd.s32 s4, s30;
	s5 =	sand.u32 $0x1FFFFFF0, s3;
	s12 =	spop (v2sf)  }
0x52: {  	[tilespmem:s13], [sflag:$0x1] =	stream.linear.gather [hbm4b:s8+s16], $0x80, $0x38;
	[tilespmem:$0x8600] =	vst v63  }
0x53: {  	s3 =	sand.u32 $0x1FFFFFF0, s9;
	s5 =	sadd.s32 s17, s5;
	s19 =	sand.u32 $0x1FFFFFF0, s12  }
0x54: {  	[tilespmem:s6], [sflag:$0x1] =	stream.linear.gather [hbm4b:s5+s16], $0x80, $0x38;
	[tilespmem:$0x8600] =	vst v63  }
0x55: {  	s26 =	simm.s32 $0x980;
	s21 =	sadd.s32 s17, s19;
	s13 =	sadd.s32 s4, s3  }
0x56: {  	[tilespmem:s31], [sflag:$0x1] =	stream.linear.gather [hbm4b:s13+s16], $0x80, $0x38;
	[tilespmem:$0x8600] =	vst v63  }
0x57: {  	s6 =	simm.s32 $0x0;
	s20 =	spop (v2sf);
	s13 =	simm.s32 $0x4B00  }
0x58: {  	s24 =	sand.u32 $0x1FFFFFF0, s20;
	s25 =	spop (v2sf);
	s20 =	simm.s32 $0x10  }
0x59: {  	(v2sf) =	vpush v1, $0xD;
	[tilespmem:s0], [sflag:$0x1] =	stream.linear.gather [hbm4b:s21+s16], $0x80, $0x38;
	[tilespmem:$0x8600] =	vst v63  }
.Ltmp0:
0x5a: {  	(v2sf) =	vpush v2, $0xD;
	s28 =	sadd.s32 s4, s24;
	s29 =	sand.u32 $0x1FFFFFF0, s25;
	(pc) =	sbr.rel @p0 .LBB2_3-.Ltmp0, $4  }
0x5b: {  	(v2sf) =	vpush v1, $0xE;
	[tilespmem:s26], [sflag:$0x1] =	stream.linear.gather [hbm4b:s28+s16], $0x80, $0x38;
	[tilespmem:$0x8600] =	vst v63  }
0x5c: {  	s21 =	simm.s32 $0x210;
	s30 =	sadd.s32 s17, s29;
	(v2sf) =	vpush v2, $0xE;
	s31 =	spop (v2sf)  }
0x5d: {  	(v2sf) =	vpush v1, $0xF;
	[tilespmem:s1], [sflag:$0x1] =	stream.linear.gather [hbm4b:s30+s16], $0x80, $0x38;
	[tilespmem:$0x8600] =	vst v63  }
0x5e: {  	s24 =	simm.s32 $0xB00;
	s0 =	sand.u32 $0x1FFFFFF0, s31;
	(v2sf) =	vpush v2, $0xF;
	s1 =	spop (v2sf)  }
.LBB2_2:
0x5f: {  	_ =	sdelay $0x4  }
0x60: {  	s0 =	sadd.s32 s4, s0;
	s1 =	sand.u32 $0x1FFFFFF0, s1  }
0x61: {  	[tilespmem:s23], [sflag:$0x1] =	stream.linear.gather [hbm4b:s0+s6], $0x80, $0x38;
	[tilespmem:$0x8600] =	vst v63  }
0x62: {  	s1 =	sadd.s32 s17, s1  }
0x63: {  	[tilespmem:s18], [sflag:$0x1] =	stream.linear.gather [hbm4b:s1+s6], $0x80, $0x38;
	[tilespmem:$0x8600] =	vst v63  }
0x64: {  	s2 =	spop (v2sf)  }
0x65: {  	s2 =	sand.u32 $0x1FFFFFF0, s2;
	s3 =	spop (v2sf)  }
0x66: {  	s5 =	sadd.s32 s4, s2;
	s8 =	sand.u32 $0x1FFFFFF0, s3;
	s9 =	spop (v2sf)  }
0x67: {  	[tilespmem:s22], [sflag:$0x1] =	stream.linear.gather [hbm4b:s5+s6], $0x80, $0x38;
	[tilespmem:$0x8600] =	vst v63  }
0x68: {  	s12 =	sadd.s32 s17, s8;
	s16 =	sand.u32 $0x1FFFFFF0, s9;
	s18 =	spop (v2sf)  }
0x69: {  	[tilespmem:s7], [sflag:$0x1] =	stream.linear.gather [hbm4b:s12+s6], $0x80, $0x38;
	[tilespmem:$0x8600] =	vst v63  }
0x6a: {  	s19 =	sadd.s32 s4, s16;
	s22 =	sand.u32 $0x1FFFFFF0, s18;
	s23 =	spop (v2sf)  }
0x6b: {  	[tilespmem:s24], [sflag:$0x1] =	stream.linear.gather [hbm4b:s19+s6], $0x80, $0x38;
	[tilespmem:$0x8600] =	vst v63  }
0x6c: {  	s25 =	sadd.s32 s17, s22;
	s26 =	sand.u32 $0x1FFFFFF0, s23;
	s28 =	spop (v2sf)  }
0x6d: {  	[tilespmem:s13], [sflag:$0x1] =	stream.linear.gather [hbm4b:s25+s6], $0x80, $0x38;
	[tilespmem:$0x8600] =	vst v63  }
0x6e: {  	s29 =	sadd.s32 $0xB80, s14;
	s1 =	sadd.s32 s4, s26;
	s2 =	sand.u32 $0x1FFFFFF0, s28  }
0x6f: {  	[tilespmem:s29], [sflag:$0x1] =	stream.linear.gather [hbm4b:s1+s6], $0x80, $0x38;
	[tilespmem:$0x8600] =	vst v63  }
0x70: {  	s30 =	sadd.s32 $0x4B80, s14;
	s31 =	sadd.s32 s17, s2  }
0x71: {  	[tilespmem:s30], [sflag:$0x1] =	stream.linear.gather [hbm4b:s31+s6], $0x80, $0x38;
	[tilespmem:$0x8600] =	vst v63  }
0x72: {  	v1 =	vld [tilespmem:s20+$0x0];
	_ =	sdelay $0x1  }
0x73: {  	v3 =	vld [tilespmem:s21+$0x0];
	_ =	sdelay $0x2  }
0x74: {  	v2 =	vshll.u32 v1, $0x4  }
0x75: {  	(v2sf) =	vpush v2, $0x0  }
0x76: {  	s2 =	smov.u32 s15;
	v1 =	vshll.u32 v3, $0x4  }
0x77: {  	p0 =	seq.s32 s15, $0x6000;
	s14 =	sshra.s32 s2, $0x2;
	(v2sf) =	vpush v1, $0x0  }
0x78: {  	s0 =	simm.s32 $0x0;
	s15 =	sadd.s32 $0x2000, s15;
	s25 =	sadd.s32 $0x4400, s14  }
0x79: {  	s3 =	sadd.s32 $0x680, s14;
	s5 =	sadd.s32 $0x880, s14;
	s2 =	sadd.s32 $0x400, s14;
	(v2sf) =	vpush v2, $0x1  }
0x7a: {  	s16 =	sadd.s32 $0x4580, s14;
	s18 =	sadd.s32 $0x4A00, s14;
	s26 =	sadd.s32 $0x500, s14  }
0x7b: {  	s8 =	sadd.s32 $0x4600, s14;
	s22 =	sadd.s32 $0xA80, s14;
	[dreg:$0x18] =	wrdreg s3  }
0x7c: {  	s17 =	sadd.s32 $0x4480, s14;
	s7 =	sadd.s32 $0x4880, s14;
	[dreg:$0xc] =	wrdreg s5;
	(v2sf) =	vpush v1, $0x1  }
0x7d: {  	s9 =	sadd.s32 $0x700, s14;
	s13 =	sadd.s32 $0x900, s14;
	[dreg:$0x12] =	wrdreg s7  }
0x7e: {  	s12 =	sadd.s32 $0x4A80, s14;
	s19 =	sadd.s32 $0x780, s14;
	[dreg:$0xf] =	wrdreg s13;
	(v2sf) =	vpush v2, $0x2  }
0x7f: {  	s28 =	sadd.s32 $0x4700, s14;
	s23 =	sadd.s32 $0x4800, s14;
	[dreg:$0x1a] =	wrdreg s19  }
0x80: {  	s24 =	sadd.s32 $0x800, s14;
	s3 =	sadd.s32 $0x4980, s14;
	[dreg:$0x14] =	wrdreg s23  }
0x81: {  	s23 =	sadd.s32 $0xA00, s14;
	s5 =	sadd.s32 $0x4780, s14;
	[dreg:$0x16] =	wrdreg s24;
	(v2sf) =	vpush v1, $0x2  }
0x82: {  	s24 =	sadd.s32 $0xB00, s14;
	s13 =	sadd.s32 $0x4B00, s14;
	s1 =	sadd.s32 $0x580, s14;
	(v2sf) =	vpush v2, $0x3  }
0x83: {  	s29 =	sadd.s32 $0x4500, s14;
	[dreg:$0xa] =	wrdreg s3;
	s6 =	sadd.s32 $0x4900, s14  }
0x84: {  	s3 =	sadd.s32 $0x480, s14;
	[dreg:$0x9] =	wrdreg s6;
	(v2sf) =	vpush v1, $0x3;
	s6 =	spop (v2sf)  }
0x85: {  	[dreg:$0x19] =	wrdreg s5;
	s5 =	sadd.s32 $0x980, s14;
	s7 =	sand.u32 $0x1FFFFFF0, s6  }
0x86: {  	s31 =	sadd.s32 $0x600, s14;
	(v2sf) =	vpush v2, $0x4;
	s19 =	spop (v2sf);
	s6 =	sadd.s32 s4, s7  }
0x87: {  	[tilespmem:s2], [sflag:$0x1] =	stream.linear.gather [hbm4b:s6+s0], $0x80, $0x38;
	[tilespmem:$0x8600] =	vst v63  }
0x88: {  	(v2sf) =	vpush v1, $0x4;
	s19 =	sand.u32 $0x1FFFFFF0, s19;
	s7 =	spop (v2sf);
	s6 =	rddreg [dreg:$0x7]  }
0x89: {  	s30 =	sadd.s32 $0x4680, s14;
	s7 =	sand.u32 $0x1FFFFFF0, s7;
	s2 =	sadd.s32 s6, s19  }
0x8a: {  	(v2sf) =	vpush v2, $0x5;
	[tilespmem:s25], [sflag:$0x1] =	stream.linear.gather [hbm4b:s2+s0], $0x80, $0x38;
	[tilespmem:$0x8600] =	vst v63  }
0x8b: {  	s20 =	sadd.s32 $0x10, s20;
	s19 =	spop (v2sf);
	s6 =	sadd.s32 s4, s7  }
0x8c: {  	(v2sf) =	vpush v1, $0x5;
	[tilespmem:s3], [sflag:$0x1] =	stream.linear.gather [hbm4b:s6+s0], $0x80, $0x38;
	[tilespmem:$0x8600] =	vst v63  }
0x8d: {  	s19 =	sand.u32 $0x1FFFFFF0, s19;
	s25 =	spop (v2sf);
	(v2sf) =	vpush v2, $0x6;
	s3 =	rddreg [dreg:$0x7]  }
0x8e: {  	s21 =	sadd.s32 $0x10, s21;
	s7 =	smov.u32 s12;
	s2 =	sadd.s32 s3, s19  }
0x8f: {  	[tilespmem:s17], [sflag:$0x1] =	stream.linear.gather [hbm4b:s2+s0], $0x80, $0x38;
	[tilespmem:$0x8600] =	vst v63  }
0x90: {  	s19 =	sand.u32 $0x1FFFFFF0, s25;
	s25 =	spop (v2sf);
	s17 =	rddreg [dreg:$0x7]  }
0x91: {  	(v2sf) =	vpush v1, $0x6;
	s12 =	sadd.s32 s4, s19;
	s19 =	sand.u32 $0x1FFFFFF0, s25;
	s25 =	spop (v2sf)  }
0x92: {  	(v2sf) =	vpush v2, $0x7;
	[tilespmem:s26], [sflag:$0x1] =	stream.linear.gather [hbm4b:s12+s0], $0x80, $0x38;
	[tilespmem:$0x8600] =	vst v63  }
0x93: {  	s3 =	sadd.s32 s17, s19;
	s19 =	spop (v2sf);
	s12 =	sand.u32 $0x1FFFFFF0, s25  }
0x94: {  	(v2sf) =	vpush v1, $0x7;
	[tilespmem:s29], [sflag:$0x1] =	stream.linear.gather [hbm4b:s3+s0], $0x80, $0x38;
	[tilespmem:$0x8600] =	vst v63  }
0x95: {  	s26 =	sand.u32 $0x1FFFFFF0, s19;
	s25 =	sadd.s32 s4, s12;
	s29 =	spop (v2sf)  }
0x96: {  	(v2sf) =	vpush v2, $0x8;
	[tilespmem:s1], [sflag:$0x1] =	stream.linear.gather [hbm4b:s25+s0], $0x80, $0x38;
	[tilespmem:$0x8600] =	vst v63  }
0x97: {  	s12 =	sadd.s32 s17, s26;
	s19 =	sand.u32 $0x1FFFFFF0, s29;
	s25 =	spop (v2sf)  }
0x98: {  	[tilespmem:s16], [sflag:$0x1] =	stream.linear.gather [hbm4b:s12+s0], $0x80, $0x38;
	[tilespmem:$0x8600] =	vst v63  }
0x99: {  	s6 =	simm.s32 $0x0;
	s26 =	sadd.s32 s4, s19;
	s1 =	spop (v2sf)  }
0x9a: {  	(v2sf) =	vpush v1, $0x8;
	[tilespmem:s31], [sflag:$0x1] =	stream.linear.gather [hbm4b:s26+s0], $0x80, $0x38;
	[tilespmem:$0x8600] =	vst v63  }
0x9b: {  	s29 =	sand.u32 $0x1FFFFFF0, s25;
	(v2sf) =	vpush v2, $0x9;
	s16 =	sand.u32 $0x1FFFFFF0, s1;
	s19 =	spop (v2sf)  }
0x9c: {  	s12 =	sadd.s32 s17, s29;
	s25 =	sadd.s32 s4, s16;
	s29 =	spop (v2sf)  }
0x9d: {  	[tilespmem:s8], [sflag:$0x1] =	stream.linear.gather [hbm4b:s12+s0], $0x80, $0x38;
	[tilespmem:$0x8600] =	vst v63  }
0x9e: {  	s31 =	rddreg [dreg:$0x18];
	s26 =	sand.u32 $0x1FFFFFF0, s19;
	s12 =	sand.u32 $0x1FFFFFF0, s29  }
0x9f: {  	(v2sf) =	vpush v1, $0x9;
	[tilespmem:s31], [sflag:$0x1] =	stream.linear.gather [hbm4b:s25+s6], $0x80, $0x38;
	[tilespmem:$0x8600] =	vst v63  }
0xa0: {  	s8 =	sadd.s32 s17, s26;
	s19 =	sadd.s32 s4, s12;
	s16 =	spop (v2sf)  }
0xa1: {  	(v2sf) =	vpush v2, $0xA;
	s12 =	rddreg [dreg:$0x1a];
	s25 =	sand.u32 $0x1FFFFFF0, s16;
	s26 =	spop (v2sf)  }
0xa2: {  	[tilespmem:s30], [sflag:$0x1] =	stream.linear.gather [hbm4b:s8+s6], $0x80, $0x38;
	[tilespmem:$0x8600] =	vst v63  }
0xa3: {  	(v2sf) =	vpush v1, $0xA;
	s29 =	sadd.s32 s17, s25;
	s30 =	sand.u32 $0x1FFFFFF0, s26;
	s31 =	spop (v2sf)  }
0xa4: {  	[tilespmem:s9], [sflag:$0x1] =	stream.linear.gather [hbm4b:s19+s6], $0x80, $0x38;
	[tilespmem:$0x8600] =	vst v63  }
0xa5: {  	(v2sf) =	vpush v2, $0xB;
	s26 =	rddreg [dreg:$0x19];
	s3 =	sadd.s32 s4, s30;
	s9 =	spop (v2sf)  }
0xa6: {  	[tilespmem:s28], [sflag:$0x1] =	stream.linear.gather [hbm4b:s29+s6], $0x80, $0x38;
	[tilespmem:$0x8600] =	vst v63  }
0xa7: {  	s8 =	sand.u32 $0x1FFFFFF0, s31;
	s31 =	rddreg [dreg:$0x16];
	s19 =	sand.u32 $0x1FFFFFF0, s9  }
0xa8: {  	[tilespmem:s12], [sflag:$0x1] =	stream.linear.gather [hbm4b:s3+s6], $0x80, $0x38;
	[tilespmem:$0x8600] =	vst v63  }
0xa9: {  	(v2sf) =	vpush v1, $0xB;
	s16 =	sadd.s32 s17, s8;
	s28 =	sadd.s32 s4, s19;
	s25 =	spop (v2sf)  }
0xaa: {  	(v2sf) =	vpush v2, $0xC;
	s12 =	rddreg [dreg:$0x14];
	s29 =	sand.u32 $0x1FFFFFF0, s25;
	s30 =	spop (v2sf)  }
0xab: {  	[tilespmem:s26], [sflag:$0x1] =	stream.linear.gather [hbm4b:s16+s6], $0x80, $0x38;
	[tilespmem:$0x8600] =	vst v63  }
0xac: {  	(v2sf) =	vpush v1, $0xC;
	s3 =	sadd.s32 s17, s29;
	s8 =	sand.u32 $0x1FFFFFF0, s30;
	s26 =	rddreg [dreg:$0xc]  }
0xad: {  	[tilespmem:s31], [sflag:$0x1] =	stream.linear.gather [hbm4b:s28+s6], $0x80, $0x38;
	[tilespmem:$0x8600] =	vst v63  }
0xae: {  	s9 =	spop (v2sf);
	s16 =	sadd.s32 s4, s8;
	s31 =	rddreg [dreg:$0x12]  }
0xaf: {  	[tilespmem:s12], [sflag:$0x1] =	stream.linear.gather [hbm4b:s3+s6], $0x80, $0x38;
	[tilespmem:$0x8600] =	vst v63  }
0xb0: {  	s19 =	sand.u32 $0x1FFFFFF0, s9;
	s25 =	spop (v2sf);
	s9 =	rddreg [dreg:$0xf]  }
0xb1: {  	[tilespmem:s26], [sflag:$0x1] =	stream.linear.gather [hbm4b:s16+s6], $0x80, $0x38;
	[tilespmem:$0x8600] =	vst v63  }
0xb2: {  	s28 =	sadd.s32 s17, s19;
	s29 =	sand.u32 $0x1FFFFFF0, s25;
	s30 =	spop (v2sf)  }
0xb3: {  	[tilespmem:s31], [sflag:$0x1] =	stream.linear.gather [hbm4b:s28+s6], $0x80, $0x38;
	[tilespmem:$0x8600] =	vst v63  }
0xb4: {  	s1 =	sadd.s32 s4, s29;
	s2 =	sand.u32 $0x1FFFFFF0, s30;
	s8 =	spop (v2sf)  }
0xb5: {  	[tilespmem:s9], [sflag:$0x1] =	stream.linear.gather [hbm4b:s1+s6], $0x80, $0x38;
	[tilespmem:$0x8600] =	vst v63  }
0xb6: {  	s25 =	rddreg [dreg:$0x9];
	s12 =	sadd.s32 s17, s2;
	s16 =	sand.u32 $0x1FFFFFF0, s8  }
0xb7: {  	(v2sf) =	vpush v2, $0xD;
	[tilespmem:s25], [sflag:$0x1] =	stream.linear.gather [hbm4b:s12+s6], $0x80, $0x38;
	[tilespmem:$0x8600] =	vst v63  }
.Ltmp1:
0xb8: {  	(v2sf) =	vpush v1, $0xD;
	s19 =	spop (v2sf);
	s26 =	sadd.s32 s4, s16;
	(pc) =	sbr.rel @!p0 .LBB2_2-.Ltmp1, $4  }
0xb9: {  	(v2sf) =	vpush v2, $0xE;
	s28 =	sand.u32 $0x1FFFFFF0, s19;
	s31 =	rddreg [dreg:$0xa];
	s29 =	spop (v2sf)  }
0xba: {  	(v2sf) =	vpush v1, $0xE;
	[tilespmem:s5], [sflag:$0x1] =	stream.linear.gather [hbm4b:s26+s6], $0x80, $0x38;
	[tilespmem:$0x8600] =	vst v63  }
0xbb: {  	(v2sf) =	vpush v2, $0xF;
	s30 =	sadd.s32 s17, s28;
	s0 =	sand.u32 $0x1FFFFFF0, s29;
	s1 =	spop (v2sf)  }
0xbc: {  	(v2sf) =	vpush v1, $0xF;
	[tilespmem:s31], [sflag:$0x1] =	stream.linear.gather [hbm4b:s30+s6], $0x80, $0x38;
	[tilespmem:$0x8600] =	vst v63  }
.LBB2_3:
0xbd: {  	_ =	sdelay $0x4  }
0xbe: {  	s0 =	sadd.s32 s4, s0;
	s1 =	sand.u32 $0x1FFFFFF0, s1  }
0xbf: {  	[tilespmem:s23], [sflag:$0x1] =	stream.linear.gather [hbm4b:s0+s6], $0x80, $0x38;
	[tilespmem:$0x8600] =	vst v63  }
0xc0: {  	s29 =	sadd.s32 $0xB80, s14;
	s5 =	sadd.s32 s17, s1  }
0xc1: {  	[tilespmem:s18], [sflag:$0x1] =	stream.linear.gather [hbm4b:s5+s6], $0x80, $0x38;
	[tilespmem:$0x8600] =	vst v63  }
0xc2: {  	s30 =	sadd.s32 $0x4B80, s14;
	p0 =	por $0x1, $0x1;
	s2 =	spop (v2sf)  }
0xc3: {  	s3 =	simm.s32 $0x240;
	s8 =	sand.u32 $0x1FFFFFF0, s2;
	s9 =	spop (v2sf)  }
0xc4: {  	s12 =	sadd.s32 s4, s8;
	s15 =	sand.u32 $0x1FFFFFF0, s9;
	s16 =	spop (v2sf)  }
0xc5: {  	[tilespmem:s22], [sflag:$0x1] =	stream.linear.gather [hbm4b:s12+s6], $0x80, $0x38;
	[tilespmem:$0x8600] =	vst v63  }
0xc6: {  	s18 =	sadd.s32 s17, s15;
	s19 =	sand.u32 $0x1FFFFFF0, s16;
	s20 =	spop (v2sf)  }
0xc7: {  	[tilespmem:s7], [sflag:$0x1] =	stream.linear.gather [hbm4b:s18+s6], $0x80, $0x38;
	[tilespmem:$0x8600] =	vst v63  }
0xc8: {  	s21 =	sadd.s32 s4, s19;
	s22 =	sand.u32 $0x1FFFFFF0, s20;
	s23 =	spop (v2sf)  }
0xc9: {  	[tilespmem:s24], [sflag:$0x1] =	stream.linear.gather [hbm4b:s21+s6], $0x80, $0x38;
	[tilespmem:$0x8600] =	vst v63  }
0xca: {  	s25 =	sadd.s32 s17, s22;
	s26 =	sand.u32 $0x1FFFFFF0, s23;
	s28 =	spop (v2sf)  }
0xcb: {  	[tilespmem:s13], [sflag:$0x1] =	stream.linear.gather [hbm4b:s25+s6], $0x80, $0x38;
	[tilespmem:$0x8600] =	vst v63  }
0xcc: {  	s9 =	simm.s32 $0x40;
	s1 =	sadd.s32 s4, s26;
	s2 =	sand.u32 $0x1FFFFFF0, s28  }
0xcd: {  	[tilespmem:s29], [sflag:$0x1] =	stream.linear.gather [hbm4b:s1+s6], $0x80, $0x38;
	[tilespmem:$0x8600] =	vst v63  }
0xce: {  	s16 =	simm.s32 $0x0;
	s31 =	sadd.s32 s17, s2;
	s2 =	simm.s32 $0x8400  }
0xcf: {  	[tilespmem:s30], [sflag:$0x1] =	stream.linear.gather [hbm4b:s31+s6], $0x80, $0x38;
	[tilespmem:$0x8600] =	vst v63  }
.LBB2_5:
0xd0: {  	p1 =	seq.s32 s6, $0x7  }
.Ltmp2:
0xd1: {  	_ = 	snop;
	(pc) =	sbr.rel @p1 .LBB2_9-.Ltmp2, $2  }
0xd2: {  	_ =	sdelay $0x2  }
0xd3: {  	s5 =	sadd.s32 $0x1, s6  }
0xd4: {  	v1 =	vld [tilespmem:s9+$0x0]  }
0xd5: {  	v3 =	vld [tilespmem:s3+$0x0];
	_ =	sdelay $0x3  }
0xd6: {  	v2 =	vshll.u32 v1, $0x4  }
0xd7: {  	v1 =	vshll.u32 v3, $0x4;
	(v2sf) =	vpush v2, $0x0  }
0xd8: {  	(v2sf) =	vpush v1, $0x0  }
0xd9: {  	(v2sf) =	vpush v2, $0x1  }
0xda: {  	[smem:$0x7F9] =	sst s6  }
0xdb: {  	[smem:$0x7FA] =	sst s2;
	s0 =	simm.s32 $0x1;
	(v2sf) =	vpush v1, $0x1  }
0xdc: {  	[smem:$0x7FB] =	sst s5;
	s0 =	simm.s32 @!p0 $0x0;
	(v2sf) =	vpush v2, $0x2  }
0xdd: {  	[smem:$0x7FC] =	sst s3;
	s0 =	sshll.u32 s0, $0xD  }
0xde: {  	[smem:$0x7FD] =	sst s9;
	s1 =	sor.u32 $0x400, s0;
	(v2sf) =	vpush v1, $0x2  }
0xdf: {  	s0 =	sor.u32 $0x4400, s0;
	[dreg:$0x5] =	wrdreg s1  }
0xe0: {  	[dreg:$0x6] =	wrdreg s0;
	(v2sf) =	vpush v2, $0x3  }
0xe1: {  	s7 =	sand.u32 $0x1, s5;
	s20 =	simm.s32 $0x2000;
	s1 =	rddreg [dreg:$0x5]  }
0xe2: {  	s21 =	sadd.s32 $0x10, s3;
	s8 =	rddreg [dreg:$0x6];
	s22 =	sadd.s32 $0x0, s1  }
0xe3: {  	s19 =	sadd.s32 $0x1, s7;
	s23 =	sadd.s32 $0x0, s8;
	s3 =	sadd.s32 $0x180, s22  }
0xe4: {  	s0 =	sadd.s32 $0x580, s22;
	s12 =	sadd.s32 $0x680, s22;
	s25 =	sadd.s32 $0x80, s22;
	(v2sf) =	vpush v1, $0x3  }
0xe5: {  	s29 =	sadd.s32 $0x100, s22;
	s7 =	sadd.s32 $0x80, s23;
	s1 =	sadd.s32 $0x480, s22  }
0xe6: {  	s28 =	sadd.s32 $0x680, s23;
	s31 =	sadd.s32 $0x600, s23;
	s13 =	spop (v2sf)  }
0xe7: {  	s30 =	sadd.s32 $0x700, s22;
	s2 =	sand.u32 $0x1FFFFFF0, s13;
	s14 =	spop (v2sf)  }
0xe8: {  	(v2sf) =	vpush v2, $0x4;
	s13 =	sadd.s32 $0x100, s23;
	s2 =	sadd.s32 s4, s2;
	s15 =	spop (v2sf)  }
0xe9: {  	[tilespmem:s22], [sflag:s19] =	stream.linear.gather [hbm4b:s2+s16], $0x80, $0x38;
	[tilespmem:$0x8600] =	vst v63  }
0xea: {  	s5 =	sand.u32 $0x1FFFFFF0, s14;
	(v2sf) =	vpush v1, $0x4;
	s24 =	sand.u32 $0x1FFFFFF0, s15;
	s26 =	spop (v2sf)  }
0xeb: {  	s18 =	sadd.s32 s17, s5;
	(v2sf) =	vpush v2, $0x5;
	s2 =	sadd.s32 s4, s24;
	s6 =	spop (v2sf)  }
0xec: {  	[tilespmem:s23], [sflag:s19] =	stream.linear.gather [hbm4b:s18+s16], $0x80, $0x38;
	[tilespmem:$0x8600] =	vst v63  }
0xed: {  	s5 =	sand.u32 $0x1FFFFFF0, s26;
	(v2sf) =	vpush v1, $0x5;
	s24 =	sadd.s32 $0x180, s23;
	s8 =	spop (v2sf)  }
0xee: {  	(v2sf) =	vpush v2, $0x6;
	[tilespmem:s25], [sflag:s19] =	stream.linear.gather [hbm4b:s2+s16], $0x80, $0x38;
	[tilespmem:$0x8600] =	vst v63  }
0xef: {  	s14 =	spop (v2sf);
	s2 =	sadd.s32 s17, s5;
	s5 =	sand.u32 $0x1FFFFFF0, s6  }
0xf0: {  	(v2sf) =	vpush v1, $0x6;
	[tilespmem:s7], [sflag:s19] =	stream.linear.gather [hbm4b:s2+s16], $0x80, $0x38;
	[tilespmem:$0x8600] =	vst v63  }
0xf1: {  	s6 =	sadd.s32 $0x200, s22;
	s5 =	sadd.s32 s4, s5;
	s2 =	sand.u32 $0x1FFFFFF0, s8  }
0xf2: {  	[tilespmem:s29], [sflag:s19] =	stream.linear.gather [hbm4b:s5+s16], $0x80, $0x38;
	[tilespmem:$0x8600] =	vst v63  }
0xf3: {  	(v2sf) =	vpush v2, $0x7;
	s7 =	spop (v2sf);
	s2 =	sadd.s32 s17, s2;
	s5 =	sand.u32 $0x1FFFFFF0, s14  }
0xf4: {  	(v2sf) =	vpush v1, $0x7;
	[tilespmem:s13], [sflag:s19] =	stream.linear.gather [hbm4b:s2+s16], $0x80, $0x38;
	[tilespmem:$0x8600] =	vst v63  }
0xf5: {  	s18 =	sand.u32 $0x1FFFFFF0, s7;
	s7 =	sadd.s32 $0x300, s23;
	s15 =	sadd.s32 s4, s5  }
0xf6: {  	(v2sf) =	vpush v2, $0x8;
	[tilespmem:s3], [sflag:s19] =	stream.linear.gather [hbm4b:s15+s16], $0x80, $0x38;
	[tilespmem:$0x8600] =	vst v63  }
0xf7: {  	s5 =	sadd.s32 s17, s18;
	s2 =	sadd.s32 $0x400, s22;
	s25 =	spop (v2sf)  }
0xf8: {  	[tilespmem:s24], [sflag:s19] =	stream.linear.gather [hbm4b:s5+s16], $0x80, $0x38;
	[tilespmem:$0x8600] =	vst v63  }
0xf9: {  	s13 =	sadd.s32 $0x280, s22;
	s3 =	sand.u32 $0x1FFFFFF0, s25;
	s26 =	spop (v2sf)  }
0xfa: {  	s15 =	sadd.s32 $0x280, s23;
	s3 =	sadd.s32 s4, s3;
	s29 =	spop (v2sf)  }
0xfb: {  	[tilespmem:s6], [sflag:s19] =	stream.linear.gather [hbm4b:s3+s16], $0x80, $0x38;
	[tilespmem:$0x8600] =	vst v63  }
0xfc: {  	(v2sf) =	vpush v1, $0x8;
	s25 =	sadd.s32 $0x300, s22;
	s5 =	sand.u32 $0x1FFFFFF0, s26;
	s14 =	spop (v2sf)  }
0xfd: {  	s6 =	sadd.s32 $0x200, s23;
	s5 =	sadd.s32 s17, s5;
	s18 =	spop (v2sf)  }
0xfe: {  	(v2sf) =	vpush v2, $0x9;
	[tilespmem:s6], [sflag:s19] =	stream.linear.gather [hbm4b:s5+s16], $0x80, $0x38;
	[tilespmem:$0x8600] =	vst v63  }
0xff: {  	s8 =	sand.u32 $0x1FFFFFF0, s29;
	(v2sf) =	vpush v1, $0x9;
	s5 =	sand.u32 $0x1FFFFFF0, s14;
	s24 =	spop (v2sf)  }
0x100: {  	s6 =	sadd.s32 s4, s8;
	s5 =	sadd.s32 s17, s5;
	s29 =	sand.u32 $0x1FFFFFF0, s24  }
0x101: {  	(v2sf) =	vpush v2, $0xA;
	[tilespmem:s13], [sflag:s19] =	stream.linear.gather [hbm4b:s6+s16], $0x80, $0x38;
	[tilespmem:$0x8600] =	vst v63  }
0x102: {  	s8 =	spop (v2sf);
	s6 =	sand.u32 $0x1FFFFFF0, s18;
	s13 =	sadd.s32 $0x380, s22  }
0x103: {  	(v2sf) =	vpush v1, $0xA;
	s14 =	spop (v2sf);
	s18 =	sadd.s32 $0x380, s23;
	s26 =	sadd.s32 s4, s6  }
0x104: {  	[tilespmem:s15], [sflag:s19] =	stream.linear.gather [hbm4b:s5+s16], $0x80, $0x38;
	[tilespmem:$0x8600] =	vst v63  }
0x105: {  	(v2sf) =	vpush v2, $0xB;
	s6 =	sadd.s32 s17, s29;
	s5 =	sand.u32 $0x1FFFFFF0, s8;
	s15 =	spop (v2sf)  }
0x106: {  	[tilespmem:s25], [sflag:s19] =	stream.linear.gather [hbm4b:s26+s16], $0x80, $0x38;
	[tilespmem:$0x8600] =	vst v63  }
0x107: {  	(v2sf) =	vpush v1, $0xB;
	s8 =	smov.u32 s4;
	s5 =	sadd.s32 s4, s5;
	s25 =	sand.u32 $0x1FFFFFF0, s15  }
0x108: {  	[tilespmem:s7], [sflag:s19] =	stream.linear.gather [hbm4b:s6+s16], $0x80, $0x38;
	[tilespmem:$0x8600] =	vst v63  }
0x109: {  	(v2sf) =	vpush v2, $0xC;
	s4 =	sadd.s32 $0x400, s23;
	s29 =	sadd.s32 s8, s25;
	s6 =	sand.u32 $0x1FFFFFF0, s14  }
0x10a: {  	[tilespmem:s13], [sflag:s19] =	stream.linear.gather [hbm4b:s5+s16], $0x80, $0x38;
	[tilespmem:$0x8600] =	vst v63  }
0x10b: {  	s25 =	sadd.s32 $0x500, s23;
	s24 =	sadd.s32 s17, s6;
	s26 =	spop (v2sf)  }
0x10c: {  	[tilespmem:s18], [sflag:s19] =	stream.linear.gather [hbm4b:s24+s16], $0x80, $0x38;
	[tilespmem:$0x8600] =	vst v63  }
0x10d: {  	s13 =	sadd.s32 $0x500, s22;
	s3 =	sand.u32 $0x1FFFFFF0, s26;
	s6 =	spop (v2sf)  }
0x10e: {  	s18 =	sadd.s32 $0x480, s23;
	s3 =	sadd.s32 s17, s3;
	s7 =	spop (v2sf)  }
0x10f: {  	(v2sf) =	vpush v1, $0xC;
	[tilespmem:s2], [sflag:s19] =	stream.linear.gather [hbm4b:s29+s16], $0x80, $0x38;
	[tilespmem:$0x8600] =	vst v63  }
0x110: {  	s5 =	sand.u32 $0x1FFFFFF0, s6;
	s15 =	sand.u32 $0x1FFFFFF0, s7;
	s24 =	spop (v2sf)  }
0x111: {  	(v2sf) =	vpush v2, $0xD;
	[tilespmem:s4], [sflag:s19] =	stream.linear.gather [hbm4b:s3+s16], $0x80, $0x38;
	[tilespmem:$0x8600] =	vst v63  }
0x112: {  	s14 =	sadd.s32 s8, s5;
	s5 =	sadd.s32 s17, s15;
	s26 =	spop (v2sf)  }
0x113: {  	[tilespmem:s1], [sflag:s19] =	stream.linear.gather [hbm4b:s14+s16], $0x80, $0x38;
	[tilespmem:$0x8600] =	vst v63  }
0x114: {  	s15 =	sadd.s32 $0x580, s23;
	s3 =	sand.u32 $0x1FFFFFF0, s24;
	s29 =	spop (v2sf)  }
0x115: {  	[tilespmem:s18], [sflag:s19] =	stream.linear.gather [hbm4b:s5+s16], $0x80, $0x38;
	[tilespmem:$0x8600] =	vst v63  }
0x116: {  	s3 =	sadd.s32 s8, s3;
	s6 =	spop (v2sf);
	s5 =	sand.u32 $0x1FFFFFF0, s26  }
0x117: {  	[tilespmem:s13], [sflag:s19] =	stream.linear.gather [hbm4b:s3+s16], $0x80, $0x38;
	[tilespmem:$0x8600] =	vst v63  }
0x118: {  	s14 =	spop (v2sf);
	s3 =	sadd.s32 s17, s5;
	s5 =	sand.u32 $0x1FFFFFF0, s29  }
0x119: {  	[tilespmem:s25], [sflag:s19] =	stream.linear.gather [hbm4b:s3+s16], $0x80, $0x38;
	[tilespmem:$0x8600] =	vst v63  }
0x11a: {  	s24 =	sand.u32 $0x1FFFFFF0, s14;
	s13 =	sand.u32 $0x1FFFFFF0, s6;
	s7 =	sadd.s32 s8, s5  }
0x11b: {  	[tilespmem:s0], [sflag:s19] =	stream.linear.gather [hbm4b:s7+s16], $0x80, $0x38;
	[tilespmem:$0x8600] =	vst v63  }
0x11c: {  	s4 =	smov.u32 s8;
	(v2sf) =	vpush v1, $0xD;
	s26 =	sadd.s32 s8, s24;
	s18 =	sadd.s32 s17, s13  }
0x11d: {  	(v2sf) =	vpush v2, $0xE;
	[tilespmem:s15], [sflag:s19] =	stream.linear.gather [hbm4b:s18+s16], $0x80, $0x38;
	[tilespmem:$0x8600] =	vst v63  }
0x11e: {  	(v2sf) =	vpush v1, $0xE;
	s13 =	sadd.s32 $0x700, s23;
	s25 =	sadd.s32 $0x600, s22;
	s29 =	spop (v2sf)  }
0x11f: {  	(v2sf) =	vpush v2, $0xF;
	[tilespmem:s25], [sflag:s19] =	stream.linear.gather [hbm4b:s26+s16], $0x80, $0x38;
	[tilespmem:$0x8600] =	vst v63  }
0x120: {  	(v2sf) =	vpush v1, $0xF;
	s0 =	sand.u32 $0x1FFFFFF0, s29;
	s1 =	spop (v2sf);
	s25 =	sadd.s32 $0x10, s9  }
.LBB2_7:
0x121: {  	_ =	sdelay $0x5  }
0x122: {  	s0 =	sadd.s32 s17, s0;
	s1 =	sand.u32 $0x1FFFFFF0, s1  }
0x123: {  	[tilespmem:s31], [sflag:s19] =	stream.linear.gather [hbm4b:s0+s16], $0x80, $0x38;
	[tilespmem:$0x8600] =	vst v63  }
0x124: {  	s24 =	sadd.s32 s4, s1  }
0x125: {  	[tilespmem:s12], [sflag:s19] =	stream.linear.gather [hbm4b:s24+s16], $0x80, $0x38;
	[tilespmem:$0x8600] =	vst v63  }
0x126: {  	s2 =	spop (v2sf)  }
0x127: {  	s26 =	sand.u32 $0x1FFFFFF0, s2;
	s29 =	spop (v2sf)  }
0x128: {  	s1 =	sadd.s32 s17, s26;
	s2 =	sand.u32 $0x1FFFFFF0, s29;
	s3 =	spop (v2sf)  }
0x129: {  	[tilespmem:s28], [sflag:s19] =	stream.linear.gather [hbm4b:s1+s16], $0x80, $0x38;
	[tilespmem:$0x8600] =	vst v63  }
0x12a: {  	s5 =	sadd.s32 s4, s2;
	s6 =	sand.u32 $0x1FFFFFF0, s3;
	s7 =	spop (v2sf)  }
0x12b: {  	[tilespmem:s30], [sflag:s19] =	stream.linear.gather [hbm4b:s5+s16], $0x80, $0x38;
	[tilespmem:$0x8600] =	vst v63  }
0x12c: {  	s9 =	sadd.s32 s17, s6;
	s12 =	sand.u32 $0x1FFFFFF0, s7;
	s14 =	spop (v2sf)  }
0x12d: {  	[tilespmem:s13], [sflag:s19] =	stream.linear.gather [hbm4b:s9+s16], $0x80, $0x38;
	[tilespmem:$0x8600] =	vst v63  }
0x12e: {  	s15 =	sadd.s32 $0x780, s22;
	s1 =	sadd.s32 s4, s12;
	s2 =	sand.u32 $0x1FFFFFF0, s14  }
0x12f: {  	[tilespmem:s15], [sflag:s19] =	stream.linear.gather [hbm4b:s1+s16], $0x80, $0x38;
	[tilespmem:$0x8600] =	vst v63  }
0x130: {  	s18 =	sadd.s32 $0x780, s23;
	s22 =	sadd.s32 s17, s2  }
0x131: {  	[tilespmem:s18], [sflag:s19] =	stream.linear.gather [hbm4b:s22+s16], $0x80, $0x38;
	[tilespmem:$0x8600] =	vst v63  }
0x132: {  	v1 =	vld [tilespmem:s25+$0x0]  }
0x133: {  	v3 =	vld [tilespmem:s21+$0x0];
	_ =	sdelay $0x3  }
0x134: {  	v2 =	vshll.u32 v1, $0x4  }
0x135: {  	s23 =	smov.u32 s20;
	v1 =	vshll.u32 v3, $0x4;
	(v2sf) =	vpush v2, $0x0  }
0x136: {  	s0 =	sshra.s32 s23, $0x2;
	s26 =	rddreg [dreg:$0x6];
	(v2sf) =	vpush v1, $0x0  }
0x137: {  	p1 =	sne.s32 s20, $0x6000;
	s23 =	sadd.s32 s0, s26  }
0x138: {  	s20 =	sadd.s32 $0x2000, s20;
	s24 =	rddreg [dreg:$0x5];
	s28 =	sadd.s32 $0x680, s23  }
0x139: {  	s26 =	sadd.s32 $0x580, s23;
	s31 =	sadd.s32 $0x600, s23;
	s5 =	simm.s32 $0x0;
	(v2sf) =	vpush v2, $0x1  }
0x13a: {  	s14 =	sadd.s32 $0x300, s23;
	s12 =	sadd.s32 $0x500, s23;
	[dreg:$0xd] =	wrdreg s26;
	(v2sf) =	vpush v1, $0x1  }
0x13b: {  	[dreg:$0x10] =	wrdreg s12;
	s13 =	sadd.s32 $0x700, s23;
	s9 =	sadd.s32 $0x380, s23  }
0x13c: {  	[dreg:$0x17] =	wrdreg s9;
	s22 =	sadd.s32 s0, s24;
	s0 =	sadd.s32 $0x200, s23  }
0x13d: {  	s21 =	sadd.s32 $0x10, s21;
	s1 =	sadd.s32 $0x180, s22;
	s3 =	sadd.s32 $0x580, s22  }
0x13e: {  	s7 =	sadd.s32 $0x680, s22;
	s24 =	sadd.s32 $0x100, s22;
	s16 =	sadd.s32 $0x200, s22;
	(v2sf) =	vpush v2, $0x2  }
0x13f: {  	s29 =	sadd.s32 $0x400, s22;
	s2 =	sadd.s32 $0x80, s22;
	[dreg:$0x8] =	wrdreg s3;
	(v2sf) =	vpush v1, $0x2  }
0x140: {  	s4 =	sadd.s32 $0x380, s22;
	s15 =	sadd.s32 $0x300, s22;
	[dreg:$0x13] =	wrdreg s29  }
0x141: {  	s6 =	sadd.s32 $0x500, s22;
	s18 =	sadd.s32 $0x280, s22;
	[dreg:$0x15] =	wrdreg s4;
	(v2sf) =	vpush v2, $0x3  }
0x142: {  	s17 =	sadd.s32 $0x600, s22;
	s25 =	sadd.s32 $0x10, s25;
	[dreg:$0xe] =	wrdreg s6  }
0x143: {  	s3 =	sadd.s32 $0x480, s22;
	s29 =	sadd.s32 $0x180, s23;
	[dreg:$0xb] =	wrdreg s17  }
0x144: {  	s4 =	sadd.s32 $0x80, s23;
	s17 =	sadd.s32 $0x400, s23;
	(v2sf) =	vpush v1, $0x3;
	s9 =	spop (v2sf)  }
0x145: {  	s6 =	rddreg [dreg:$0x7];
	s9 =	sand.u32 $0x1FFFFFF0, s9;
	s30 =	spop (v2sf)  }
0x146: {  	[dreg:$0x11] =	wrdreg s3;
	(v2sf) =	vpush v2, $0x4;
	s9 =	sadd.s32 s8, s9;
	s30 =	sand.u32 $0x1FFFFFF0, s30  }
0x147: {  	[tilespmem:s22], [sflag:s19] =	stream.linear.gather [hbm4b:s9+s5], $0x80, $0x38;
	[tilespmem:$0x8600] =	vst v63  }
0x148: {  	s3 =	sadd.s32 $0x100, s23;
	s26 =	spop (v2sf);
	(v2sf) =	vpush v1, $0x4;
	s30 =	sadd.s32 s6, s30  }
0x149: {  	s26 =	sand.u32 $0x1FFFFFF0, s26;
	s9 =	sadd.s32 $0x480, s23;
	s6 =	spop (v2sf)  }
0x14a: {  	(v2sf) =	vpush v2, $0x5;
	[tilespmem:s23], [sflag:s19] =	stream.linear.gather [hbm4b:s30+s5], $0x80, $0x38;
	[tilespmem:$0x8600] =	vst v63  }
0x14b: {  	s26 =	sadd.s32 s8, s26;
	s12 =	sand.u32 $0x1FFFFFF0, s6;
	s6 =	rddreg [dreg:$0x7]  }
0x14c: {  	[tilespmem:s2], [sflag:s19] =	stream.linear.gather [hbm4b:s26+s5], $0x80, $0x38;
	[tilespmem:$0x8600] =	vst v63  }
0x14d: {  	(v2sf) =	vpush v1, $0x5;
	s30 =	sadd.s32 $0x700, s22;
	s12 =	sadd.s32 s6, s12;
	s26 =	spop (v2sf)  }
0x14e: {  	s2 =	sadd.s32 $0x280, s23;
	s26 =	sand.u32 $0x1FFFFFF0, s26;
	s6 =	spop (v2sf)  }
0x14f: {  	(v2sf) =	vpush v2, $0x6;
	[tilespmem:s4], [sflag:s19] =	stream.linear.gather [hbm4b:s12+s5], $0x80, $0x38;
	[tilespmem:$0x8600] =	vst v63  }
0x150: {  	s26 =	sadd.s32 s8, s26;
	s6 =	sand.u32 $0x1FFFFFF0, s6;
	s12 =	spop (v2sf)  }
0x151: {  	(v2sf) =	vpush v1, $0x6;
	[tilespmem:s24], [sflag:s19] =	stream.linear.gather [hbm4b:s26+s5], $0x80, $0x38;
	[tilespmem:$0x8600] =	vst v63  }
0x152: {  	s26 =	rddreg [dreg:$0x7];
	s24 =	sand.u32 $0x1FFFFFF0, s12;
	s12 =	smov.u32 s7  }
0x153: {  	s4 =	sadd.s32 s26, s6;
	s26 =	spop (v2sf);
	s6 =	sadd.s32 s8, s24  }
0x154: {  	(v2sf) =	vpush v2, $0x7;
	[tilespmem:s3], [sflag:s19] =	stream.linear.gather [hbm4b:s4+s5], $0x80, $0x38;
	[tilespmem:$0x8600] =	vst v63  }
0x155: {  	s24 =	sand.u32 $0x1FFFFFF0, s26;
	s3 =	rddreg [dreg:$0x7];
	s26 =	spop (v2sf)  }
0x156: {  	(v2sf) =	vpush v1, $0x7;
	[tilespmem:s1], [sflag:s19] =	stream.linear.gather [hbm4b:s6+s5], $0x80, $0x38;
	[tilespmem:$0x8600] =	vst v63  }
0x157: {  	s1 =	sadd.s32 s3, s24;
	s6 =	sand.u32 $0x1FFFFFF0, s26;
	s7 =	spop (v2sf)  }
0x158: {  	[tilespmem:s29], [sflag:s19] =	stream.linear.gather [hbm4b:s1+s5], $0x80, $0x38;
	[tilespmem:$0x8600] =	vst v63  }
0x159: {  	(v2sf) =	vpush v2, $0x8;
	s24 =	sadd.s32 s8, s6;
	s26 =	sand.u32 $0x1FFFFFF0, s7;
	s29 =	spop (v2sf)  }
0x15a: {  	[tilespmem:s16], [sflag:s19] =	stream.linear.gather [hbm4b:s24+s5], $0x80, $0x38;
	[tilespmem:$0x8600] =	vst v63  }
0x15b: {  	(v2sf) =	vpush v1, $0x8;
	s16 =	simm.s32 $0x0;
	s5 =	rddreg [dreg:$0x7];
	s6 =	sand.u32 $0x1FFFFFF0, s29  }
0x15c: {  	s7 =	spop (v2sf);
	s1 =	sadd.s32 s5, s26;
	s24 =	sadd.s32 s8, s6  }
0x15d: {  	(v2sf) =	vpush v2, $0x9;
	[tilespmem:s0], [sflag:s19] =	stream.linear.gather [hbm4b:s1+s16], $0x80, $0x38;
	[tilespmem:$0x8600] =	vst v63  }
0x15e: {  	s26 =	sand.u32 $0x1FFFFFF0, s7;
	s5 =	rddreg [dreg:$0x7];
	s29 =	spop (v2sf)  }
0x15f: {  	(v2sf) =	vpush v1, $0x9;
	[tilespmem:s18], [sflag:s19] =	stream.linear.gather [hbm4b:s24+s16], $0x80, $0x38;
	[tilespmem:$0x8600] =	vst v63  }
0x160: {  	s0 =	sadd.s32 s5, s26;
	s6 =	sand.u32 $0x1FFFFFF0, s29;
	s7 =	spop (v2sf)  }
0x161: {  	(v2sf) =	vpush v2, $0xA;
	s29 =	rddreg [dreg:$0x7];
	s18 =	sadd.s32 s8, s6;
	s24 =	sand.u32 $0x1FFFFFF0, s7  }
0x162: {  	(v2sf) =	vpush v1, $0xA;
	[tilespmem:s2], [sflag:s19] =	stream.linear.gather [hbm4b:s0+s16], $0x80, $0x38;
	[tilespmem:$0x8600] =	vst v63  }
0x163: {  	s26 =	spop (v2sf);
	s0 =	sadd.s32 s29, s24;
	s29 =	rddreg [dreg:$0x17]  }
0x164: {  	(v2sf) =	vpush v2, $0xB;
	[tilespmem:s15], [sflag:s19] =	stream.linear.gather [hbm4b:s18+s16], $0x80, $0x38;
	[tilespmem:$0x8600] =	vst v63  }
0x165: {  	s3 =	sand.u32 $0x1FFFFFF0, s26;
	s5 =	spop (v2sf);
	s15 =	rddreg [dreg:$0x15]  }
0x166: {  	s6 =	sadd.s32 s8, s3;
	s18 =	rddreg [dreg:$0x7];
	s7 =	sand.u32 $0x1FFFFFF0, s5  }
0x167: {  	[tilespmem:s14], [sflag:s19] =	stream.linear.gather [hbm4b:s0+s16], $0x80, $0x38;
	[tilespmem:$0x8600] =	vst v63  }
0x168: {  	s0 =	sadd.s32 s18, s7;
	s7 =	rddreg [dreg:$0x7];
	s14 =	spop (v2sf)  }
0x169: {  	(v2sf) =	vpush v1, $0xB;
	[tilespmem:s15], [sflag:s19] =	stream.linear.gather [hbm4b:s6+s16], $0x80, $0x38;
	[tilespmem:$0x8600] =	vst v63  }
0x16a: {  	s24 =	sand.u32 $0x1FFFFFF0, s14;
	s6 =	rddreg [dreg:$0x13];
	s26 =	spop (v2sf)  }
0x16b: {  	[tilespmem:s29], [sflag:s19] =	stream.linear.gather [hbm4b:s0+s16], $0x80, $0x38;
	[tilespmem:$0x8600] =	vst v63  }
0x16c: {  	s1 =	sadd.s32 s8, s24;
	s2 =	sand.u32 $0x1FFFFFF0, s26;
	s5 =	spop (v2sf)  }
0x16d: {  	(v2sf) =	vpush v2, $0xC;
	[tilespmem:s6], [sflag:s19] =	stream.linear.gather [hbm4b:s1+s16], $0x80, $0x38;
	[tilespmem:$0x8600] =	vst v63  }
0x16e: {  	(v2sf) =	vpush v1, $0xC;
	s0 =	sadd.s32 s7, s2;
	s14 =	sand.u32 $0x1FFFFFF0, s5;
	s15 =	spop (v2sf)  }
0x16f: {  	[tilespmem:s17], [sflag:s19] =	stream.linear.gather [hbm4b:s0+s16], $0x80, $0x38;
	[tilespmem:$0x8600] =	vst v63  }
0x170: {  	(v2sf) =	vpush v2, $0xD;
	s29 =	rddreg [dreg:$0x11];
	s18 =	sadd.s32 s8, s14;
	s26 =	spop (v2sf)  }
0x171: {  	s24 =	sand.u32 $0x1FFFFFF0, s15;
	s15 =	rddreg [dreg:$0xe];
	s6 =	spop (v2sf)  }
0x172: {  	[tilespmem:s29], [sflag:s19] =	stream.linear.gather [hbm4b:s18+s16], $0x80, $0x38;
	[tilespmem:$0x8600] =	vst v63  }
0x173: {  	s17 =	rddreg [dreg:$0x7];
	s5 =	sand.u32 $0x1FFFFFF0, s26;
	s14 =	spop (v2sf)  }
0x174: {  	s3 =	sadd.s32 s17, s24;
	s7 =	sadd.s32 s8, s5;
	s24 =	sand.u32 $0x1FFFFFF0, s14  }
0x175: {  	[tilespmem:s9], [sflag:s19] =	stream.linear.gather [hbm4b:s3+s16], $0x80, $0x38;
	[tilespmem:$0x8600] =	vst v63  }
0x176: {  	s29 =	rddreg [dreg:$0x10];
	s9 =	sand.u32 $0x1FFFFFF0, s6;
	s5 =	sadd.s32 s8, s24  }
0x177: {  	[tilespmem:s15], [sflag:s19] =	stream.linear.gather [hbm4b:s7+s16], $0x80, $0x38;
	[tilespmem:$0x8600] =	vst v63  }
0x178: {  	s24 =	rddreg [dreg:$0xd];
	s18 =	sadd.s32 s17, s9;
	s26 =	spop (v2sf)  }
0x179: {  	[tilespmem:s29], [sflag:s19] =	stream.linear.gather [hbm4b:s18+s16], $0x80, $0x38;
	[tilespmem:$0x8600] =	vst v63  }
0x17a: {  	s4 =	smov.u32 s8;
	s9 =	rddreg [dreg:$0x8];
	s6 =	sand.u32 $0x1FFFFFF0, s26  }
0x17b: {  	[tilespmem:s9], [sflag:s19] =	stream.linear.gather [hbm4b:s5+s16], $0x80, $0x38;
	[tilespmem:$0x8600] =	vst v63  }
.Ltmp3:
0x17c: {  	(v2sf) =	vpush v1, $0xD;
	s14 =	sadd.s32 s17, s6;
	s7 =	spop (v2sf);
	(pc) =	sbr.rel @p1 .LBB2_7-.Ltmp3, $4  }
0x17d: {  	(v2sf) =	vpush v2, $0xE;
	s29 =	rddreg [dreg:$0xb];
	s15 =	sand.u32 $0x1FFFFFF0, s7;
	s18 =	spop (v2sf)  }
0x17e: {  	(v2sf) =	vpush v1, $0xE;
	[tilespmem:s24], [sflag:s19] =	stream.linear.gather [hbm4b:s14+s16], $0x80, $0x38;
	[tilespmem:$0x8600] =	vst v63  }
0x17f: {  	(v2sf) =	vpush v2, $0xF;
	s26 =	sadd.s32 s8, s15;
	s0 =	sand.u32 $0x1FFFFFF0, s18;
	s1 =	spop (v2sf)  }
0x180: {  	(v2sf) =	vpush v1, $0xF;
	[tilespmem:s29], [sflag:s19] =	stream.linear.gather [hbm4b:s26+s16], $0x80, $0x38;
	[tilespmem:$0x8600] =	vst v63  }
0x181: {  	_ =	sdelay $0x5  }
0x182: {  	s0 =	sadd.s32 s17, s0;
	s1 =	sand.u32 $0x1FFFFFF0, s1  }
0x183: {  	[tilespmem:s31], [sflag:s19] =	stream.linear.gather [hbm4b:s0+s16], $0x80, $0x38;
	[tilespmem:$0x8600] =	vst v63  }
0x184: {  	s3 =	sld [smem:$0x7FC];
	s7 =	sadd.s32 s4, s1  }
0x185: {  	[tilespmem:s12], [sflag:s19] =	stream.linear.gather [hbm4b:s7+s16], $0x80, $0x38;
	[tilespmem:$0x8600] =	vst v63  }
0x186: {  	s29 =	sadd.s32 $0x780, s22;
	s5 =	sld [smem:$0x7FB];
	s2 =	spop (v2sf)  }
0x187: {  	s6 =	sld [smem:$0x7F9];
	s8 =	sand.u32 $0x1FFFFFF0, s2;
	s9 =	spop (v2sf)  }
0x188: {  	s14 =	sadd.s32 s17, s8;
	s15 =	sand.u32 $0x1FFFFFF0, s9;
	s18 =	spop (v2sf)  }
0x189: {  	[tilespmem:s28], [sflag:s19] =	stream.linear.gather [hbm4b:s14+s16], $0x80, $0x38;
	[tilespmem:$0x8600] =	vst v63  }
0x18a: {  	s20 =	sadd.s32 s4, s15;
	s21 =	sand.u32 $0x1FFFFFF0, s18;
	s24 =	spop (v2sf)  }
0x18b: {  	[tilespmem:s30], [sflag:s19] =	stream.linear.gather [hbm4b:s20+s16], $0x80, $0x38;
	[tilespmem:$0x8600] =	vst v63  }
0x18c: {  	s25 =	sadd.s32 s17, s21;
	s26 =	sand.u32 $0x1FFFFFF0, s24;
	s28 =	spop (v2sf)  }
0x18d: {  	[tilespmem:s13], [sflag:s19] =	stream.linear.gather [hbm4b:s25+s16], $0x80, $0x38;
	[tilespmem:$0x8600] =	vst v63  }
0x18e: {  	s9 =	sld [smem:$0x7FD];
	s1 =	sadd.s32 s4, s26;
	s2 =	sand.u32 $0x1FFFFFF0, s28  }
0x18f: {  	[tilespmem:s29], [sflag:s19] =	stream.linear.gather [hbm4b:s1+s16], $0x80, $0x38;
	[tilespmem:$0x8600] =	vst v63  }
0x190: {  	s30 =	sadd.s32 $0x780, s23;
	s31 =	sadd.s32 s17, s2;
	s2 =	sld [smem:$0x7FA]  }
0x191: {  	[tilespmem:s30], [sflag:s19] =	stream.linear.gather [hbm4b:s31+s16], $0x80, $0x38;
	[tilespmem:$0x8600] =	vst v63  }
.LBB2_9:
0x192: {  	s0 =	simm.s32 $0x0  }
0x193: {  	s1 =	sand.u32 $0x1, s6;
	v1 =	vmov s0  }
0x194: {  	s30 =	sadd.s32 $0x1, s1;
	s1 =	sshll.u32 s1, $0xD;
	v2 =	vshll.u32 v1, $0x7  }
0x195: {  	_ =	swait.ge [sflag:s30], $0x2000;
	v1 =	vmov s1;
	v2 =	vor.u32 v0, v2  }
0x196: {  	[sflag:s30] =	ssyncset.done $0x0;
	v2 =	vadd.s32 v1, v2  }
0x197: {  	[sflag:s30] =	ssyncadd.s32 $0xFFFFE000  }
0x198: {  	_ =	swait.ge [sflag:s30], $0x2000;
	v3 =	vor.u32 $0x1, v2  }
0x199: {  	[sflag:s30] =	ssyncset.done $0x0  }
0x19a: {  	v4 =	vor.u32 $0x2, v2;
	[sflag:s30] =	ssyncadd.s32 $0xFFFFE000  }
0x19b: {  	v5 =	vld.idx.msk [tilespmem:v2+s10+$0x0], $0xffff  }
0x19c: {  	v6 =	vor.u32 $0x3, v2;
	v7 =	vld.idx.msk [tilespmem:v2+s11+$0x0], $0xffff  }
0x19d: {  	v8 =	vld.idx.msk [tilespmem:v3+s11+$0x0], $0xffff  }
0x19e: {  	v9 =	vor.u32 $0x4, v2;
	v3 =	vld.idx.msk [tilespmem:v3+s10+$0x0], $0xffff  }
0x19f: {  	v10 =	vld.idx.msk [tilespmem:v4+s11+$0x0], $0xffff  }
0x1a0: {  	v11 =	vor.u32 $0x5, v2;
	v4 =	vld.idx.msk [tilespmem:v4+s10+$0x0], $0xffff  }
0x1a1: {  	v12 =	vld.idx.msk [tilespmem:v6+s11+$0x0], $0xffff;
	v5 =	vmul.f32 v7, v5  }
0x1a2: {  	v6 =	vld.idx.msk [tilespmem:v6+s10+$0x0], $0xffff;
	v7 =	vor.u32 $0x6, v2  }
0x1a3: {  	v13 =	vld.idx.msk [tilespmem:v9+s11+$0x0], $0xffff;
	v3 =	vmul.f32 v8, v3;
	v5 =	vadd.f32 $0.0e+00, v5  }
0x1a4: {  	v44 =	vor.u32 $0x7, v2;
	v9 =	vld.idx.msk [tilespmem:v9+s10+$0x0], $0xffff  }
0x1a5: {  	v14 =	vld.idx.msk [tilespmem:v11+s11+$0x0], $0xffff;
	v4 =	vmul.f32 v10, v4;
	v3 =	vadd.f32 v3, v5  }
0x1a6: {  	v45 =	vld.idx.msk [tilespmem:v11+s10+$0x0], $0xffff;
	v5 =	vor.u32 $0x8, v2  }
0x1a7: {  	v6 =	vmul.f32 v12, v6;
	v46 =	vld.idx.msk [tilespmem:v7+s11+$0x0], $0xffff;
	v3 =	vadd.f32 v4, v3  }
0x1a8: {  	v7 =	vld.idx.msk [tilespmem:v7+s10+$0x0], $0xffff;
	v4 =	vor.u32 $0x9, v2  }
0x1a9: {  	v12 =	vld.idx.msk [tilespmem:v44+s11+$0x0], $0xffff;
	v9 =	vmul.f32 v13, v9;
	v3 =	vadd.f32 v6, v3  }
0x1aa: {  	v8 =	vld.idx.msk [tilespmem:v44+s10+$0x0], $0xffff;
	v6 =	vor.u32 $0xA, v2  }
0x1ab: {  	v10 =	vmul.f32 v14, v45;
	v13 =	vld.idx.msk [tilespmem:v5+s11+$0x0], $0xffff;
	v3 =	vadd.f32 v9, v3  }
0x1ac: {  	v47 =	vor.u32 $0xB, v2;
	v5 =	vld.idx.msk [tilespmem:v5+s10+$0x0], $0xffff  }
0x1ad: {  	v7 =	vmul.f32 v46, v7;
	v14 =	vld.idx.msk [tilespmem:v4+s11+$0x0], $0xffff;
	v3 =	vadd.f32 v10, v3  }
0x1ae: {  	v48 =	vor.u32 $0xC, v2;
	v4 =	vld.idx.msk [tilespmem:v4+s10+$0x0], $0xffff  }
0x1af: {  	v8 =	vmul.f32 v12, v8;
	v49 =	vld.idx.msk [tilespmem:v6+s11+$0x0], $0xffff;
	v3 =	vadd.f32 v7, v3  }
0x1b0: {  	v6 =	vld.idx.msk [tilespmem:v6+s10+$0x0], $0xffff;
	v7 =	vor.u32 $0xD, v2  }
0x1b1: {  	v12 =	vld.idx.msk [tilespmem:v47+s11+$0x0], $0xffff;
	v5 =	vmul.f32 v13, v5;
	v3 =	vadd.f32 v8, v3  }
0x1b2: {  	v50 =	vor.u32 $0xE, v2;
	v9 =	vld.idx.msk [tilespmem:v47+s10+$0x0], $0xffff  }
0x1b3: {  	v10 =	vld.idx.msk [tilespmem:v48+s10+$0x0], $0xffff;
	v4 =	vmul.f32 v14, v4;
	v3 =	vadd.f32 v5, v3  }
0x1b4: {  	v13 =	vld.idx.msk [tilespmem:v48+s11+$0x0], $0xffff;
	v5 =	vor.u32 $0xF, v2  }
0x1b5: {  	v6 =	vmul.f32 v49, v6;
	v14 =	vld.idx.msk [tilespmem:v7+s11+$0x0], $0xffff;
	v3 =	vadd.f32 v4, v3  }
0x1b6: {  	v7 =	vld.idx.msk [tilespmem:v7+s10+$0x0], $0xffff;
	v4 =	vor.u32 $0x10, v2  }
0x1b7: {  	v51 =	vld.idx.msk [tilespmem:v50+s11+$0x0], $0xffff;
	v9 =	vmul.f32 v12, v9;
	v3 =	vadd.f32 v6, v3  }
0x1b8: {  	v8 =	vld.idx.msk [tilespmem:v50+s10+$0x0], $0xffff;
	v6 =	vor.u32 $0x11, v2  }
0x1b9: {  	v10 =	vmul.f32 v13, v10;
	v12 =	vld.idx.msk [tilespmem:v5+s11+$0x0], $0xffff;
	v3 =	vadd.f32 v9, v3  }
0x1ba: {  	v52 =	vor.u32 $0x12, v2;
	v5 =	vld.idx.msk [tilespmem:v5+s10+$0x0], $0xffff  }
0x1bb: {  	v7 =	vmul.f32 v14, v7;
	v13 =	vld.idx.msk [tilespmem:v4+s11+$0x0], $0xffff;
	v3 =	vadd.f32 v10, v3  }
0x1bc: {  	v53 =	vor.u32 $0x13, v2;
	v4 =	vld.idx.msk [tilespmem:v4+s10+$0x0], $0xffff  }
0x1bd: {  	v8 =	vmul.f32 v51, v8;
	v14 =	vld.idx.msk [tilespmem:v6+s11+$0x0], $0xffff;
	v3 =	vadd.f32 v7, v3  }
0x1be: {  	v6 =	vld.idx.msk [tilespmem:v6+s10+$0x0], $0xffff;
	v7 =	vor.u32 $0x14, v2  }
0x1bf: {  	v54 =	vld.idx.msk [tilespmem:v52+s11+$0x0], $0xffff;
	v5 =	vmul.f32 v12, v5;
	v3 =	vadd.f32 v8, v3  }
0x1c0: {  	v55 =	vor.u32 $0x15, v2;
	v9 =	vld.idx.msk [tilespmem:v52+s10+$0x0], $0xffff  }
0x1c1: {  	v10 =	vld.idx.msk [tilespmem:v53+s10+$0x0], $0xffff;
	v4 =	vmul.f32 v13, v4;
	v3 =	vadd.f32 v5, v3  }
0x1c2: {  	v12 =	vld.idx.msk [tilespmem:v53+s11+$0x0], $0xffff;
	v5 =	vor.u32 $0x16, v2  }
0x1c3: {  	v6 =	vmul.f32 v14, v6;
	v13 =	vld.idx.msk [tilespmem:v7+s11+$0x0], $0xffff;
	v3 =	vadd.f32 v4, v3  }
0x1c4: {  	v7 =	vld.idx.msk [tilespmem:v7+s10+$0x0], $0xffff;
	v4 =	vor.u32 $0x17, v2  }
0x1c5: {  	v9 =	vmul.f32 v54, v9;
	v8 =	vld.idx.msk [tilespmem:v55+s10+$0x0], $0xffff;
	v3 =	vadd.f32 v6, v3  }
0x1c6: {  	v14 =	vld.idx.msk [tilespmem:v55+s11+$0x0], $0xffff;
	v6 =	vor.u32 $0x18, v2  }
0x1c7: {  	v10 =	vmul.f32 v12, v10;
	v56 =	vld.idx.msk [tilespmem:v5+s11+$0x0], $0xffff;
	v3 =	vadd.f32 v9, v3  }
0x1c8: {  	v57 =	vor.u32 $0x19, v2;
	v5 =	vld.idx.msk [tilespmem:v5+s10+$0x0], $0xffff  }
0x1c9: {  	v7 =	vmul.f32 v13, v7;
	v12 =	vld.idx.msk [tilespmem:v4+s11+$0x0], $0xffff;
	v3 =	vadd.f32 v10, v3  }
0x1ca: {  	v58 =	vor.u32 $0x1A, v2;
	v4 =	vld.idx.msk [tilespmem:v4+s10+$0x0], $0xffff  }
0x1cb: {  	v8 =	vmul.f32 v14, v8;
	v13 =	vld.idx.msk [tilespmem:v6+s11+$0x0], $0xffff;
	v3 =	vadd.f32 v7, v3  }
0x1cc: {  	v6 =	vld.idx.msk [tilespmem:v6+s10+$0x0], $0xffff;
	v7 =	vor.u32 $0x1B, v2  }
0x1cd: {  	v14 =	vld.idx.msk [tilespmem:v57+s11+$0x0], $0xffff;
	v5 =	vmul.f32 v56, v5;
	v3 =	vadd.f32 v8, v3  }
0x1ce: {  	v59 =	vor.u32 $0x1C, v2;
	v9 =	vld.idx.msk [tilespmem:v57+s10+$0x0], $0xffff  }
0x1cf: {  	v60 =	vld.idx.msk [tilespmem:v58+s11+$0x0], $0xffff;
	v4 =	vmul.f32 v12, v4;
	v3 =	vadd.f32 v5, v3  }
0x1d0: {  	v10 =	vld.idx.msk [tilespmem:v58+s10+$0x0], $0xffff;
	v5 =	vor.u32 $0x1D, v2  }
0x1d1: {  	v6 =	vmul.f32 v13, v6;
	v12 =	vld.idx.msk [tilespmem:v7+s11+$0x0], $0xffff;
	v3 =	vadd.f32 v4, v3  }
0x1d2: {  	v7 =	vld.idx.msk [tilespmem:v7+s10+$0x0], $0xffff;
	v4 =	vor.u32 $0x1E, v2  }
0x1d3: {  	v9 =	vmul.f32 v14, v9;
	v13 =	vld.idx.msk [tilespmem:v59+s11+$0x0], $0xffff;
	v3 =	vadd.f32 v6, v3  }
0x1d4: {  	v2 =	vor.u32 $0x1F, v2;
	v6 =	vld.idx.msk [tilespmem:v59+s10+$0x0], $0xffff  }
0x1d5: {  	v10 =	vmul.f32 v60, v10;
	v61 =	vld.idx.msk [tilespmem:v5+s11+$0x0], $0xffff;
	v3 =	vadd.f32 v9, v3  }
0x1d6: {  	v5 =	vld.idx.msk [tilespmem:v5+s10+$0x0], $0xffff  }
0x1d7: {  	v7 =	vmul.f32 v12, v7;
	v62 =	vld.idx.msk [tilespmem:v4+s11+$0x0], $0xffff;
	v3 =	vadd.f32 v10, v3  }
0x1d8: {  	v4 =	vld.idx.msk [tilespmem:v4+s10+$0x0], $0xffff  }
0x1d9: {  	v63 =	vld.idx.msk [tilespmem:v2+s11+$0x0], $0xffff;
	v6 =	vmul.f32 v13, v6;
	v3 =	vadd.f32 v7, v3  }
0x1da: {  	v2 =	vld.idx.msk [tilespmem:v2+s10+$0x0], $0xffff  }
0x1db: {  	v5 =	vmul.f32 v61, v5;
	v3 =	vadd.f32 v6, v3;
	_ =	sdelay $0x1  }
0x1dc: {  	v4 =	vmul.f32 v62, v4;
	v3 =	vadd.f32 v5, v3;
	_ =	sdelay $0x1  }
0x1dd: {  	v2 =	vmul.f32 v63, v2;
	v3 =	vadd.f32 v4, v3;
	_ =	sdelay $0x1  }
0x1de: {  	v2 =	vadd.f32 v2, v3;
	_ =	sdelay $0x1  }
0x1df: {  	v2 =	vsub.f32 $0.0e+00, v2;
	_ =	sdelay $0x1  }
0x1e0: {  	v2 =	vmul.f32 $1.442695020e+00, v2;
	_ =	sdelay $0x1  }
0x1e1: {  	(erf) = vpow2.f32 v2;
	_ =	sdelay $0x8  }
0x1e2: {  	v2 =	vpop (erf)  }
0x1e3: {  	v2 =	vadd.f32 $1.000000000e+00, v2;
	_ =	sdelay $0x1  }
0x1e4: {  	(erf) = vrcp.f32 v2  }
0x1e5: {  	s31 =	simm.s32 $0x10  }
0x1e6: {  	v3 =	vmov s31  }
0x1e7: {  	v3 =	vshll.u32 v3, $0x7  }
0x1e8: {  	v3 =	vor.u32 v0, v3  }
0x1e9: {  	v2 =	vadd.s32 v1, v3  }
0x1ea: {  	s19 =	simm.s32 $0x20;
	s18 =	smov.u32 s2;
	s20 =	smov.u32 s2;
	v4 =	vor.u32 $0x1, v2;
	v3 =	vor.u32 $0x2, v2;
	v12 =	vor.u32 $0x3, v2  }
.LBB2_10:
0x1eb: {  	p1 =	seq.s32 s19, $0x30  }
0x1ec: {  	v13 =	vor.u32 $0x4, v2;
	v14 =	vor.u32 $0x5, v2;
	v15 =	vor.u32 $0x6, v2;
	s18 =	sadd.s32 $0x10, s18;
	s21 =	smov.u32 s19;
	s19 =	sadd.s32 $0x10, s19  }
0x1ed: {  	v16 =	vor.u32 $0x7, v2;
	v17 =	vor.u32 $0x8, v2;
	v18 =	vor.u32 $0x9, v2;
	v5 =	vpop (erf)  }
0x1ee: {  	v19 =	vor.u32 $0xA, v2;
	v20 =	vor.u32 $0xB, v2;
	v21 =	vor.u32 $0xC, v2;
	[tilespmem:s20+$0x0] =	vst v5;
	s20 =	smov.u32 s18  }
0x1ef: {  	v23 =	vor.u32 $0xD, v2;
	v24 =	vor.u32 $0xE, v2;
	v25 =	vor.u32 $0xF, v2;
	v22 =	vld.idx.msk [tilespmem:v2+s10+$0x0], $0xffff  }
0x1f0: {  	v27 =	vor.u32 $0x10, v2;
	v28 =	vor.u32 $0x11, v2;
	v29 =	vor.u32 $0x12, v2;
	v26 =	vld.idx.msk [tilespmem:v4+s11+$0x0], $0xffff  }
0x1f1: {  	v31 =	vor.u32 $0x13, v2;
	v32 =	vor.u32 $0x14, v2;
	v33 =	vor.u32 $0x15, v2;
	v30 =	vld.idx.msk [tilespmem:v2+s11+$0x0], $0xffff  }
0x1f2: {  	v11 =	vor.u32 $0x16, v2;
	v10 =	vor.u32 $0x17, v2;
	v9 =	vor.u32 $0x18, v2;
	v34 =	vld.idx.msk [tilespmem:v4+s10+$0x0], $0xffff  }
0x1f3: {  	v8 =	vor.u32 $0x19, v2;
	v7 =	vor.u32 $0x1A, v2;
	v6 =	vor.u32 $0x1B, v2;
	v35 =	vld.idx.msk [tilespmem:v3+s11+$0x0], $0xffff  }
0x1f4: {  	v5 =	vor.u32 $0x1C, v2;
	v4 =	vor.u32 $0x1D, v2;
	v36 =	vld.idx.msk [tilespmem:v3+s10+$0x0], $0xffff;
	v3 =	vor.u32 $0x1E, v2  }
0x1f5: {  	v2 =	vor.u32 $0x1F, v2;
	v37 =	vld.idx.msk [tilespmem:v12+s11+$0x0], $0xffff  }
0x1f6: {  	v12 =	vld.idx.msk [tilespmem:v12+s10+$0x0], $0xffff  }
0x1f7: {  	v22 =	vmul.f32 v30, v22;
	v30 =	vld.idx.msk [tilespmem:v13+s11+$0x0], $0xffff  }
0x1f8: {  	v26 =	vmul.f32 v26, v34;
	v13 =	vld.idx.msk [tilespmem:v13+s10+$0x0], $0xffff  }
0x1f9: {  	v22 =	vadd.f32 $0.0e+00, v22;
	v34 =	vld.idx.msk [tilespmem:v14+s11+$0x0], $0xffff  }
0x1fa: {  	v35 =	vmul.f32 v35, v36;
	v14 =	vld.idx.msk [tilespmem:v14+s10+$0x0], $0xffff  }
0x1fb: {  	v22 =	vadd.f32 v26, v22;
	v26 =	vld.idx.msk [tilespmem:v15+s11+$0x0], $0xffff  }
0x1fc: {  	v12 =	vmul.f32 v37, v12;
	v15 =	vld.idx.msk [tilespmem:v15+s10+$0x0], $0xffff  }
0x1fd: {  	v22 =	vadd.f32 v35, v22;
	v35 =	vld.idx.msk [tilespmem:v16+s11+$0x0], $0xffff  }
0x1fe: {  	v13 =	vmul.f32 v30, v13;
	v16 =	vld.idx.msk [tilespmem:v16+s10+$0x0], $0xffff  }
0x1ff: {  	v12 =	vadd.f32 v12, v22;
	v22 =	vld.idx.msk [tilespmem:v17+s11+$0x0], $0xffff  }
0x200: {  	v14 =	vmul.f32 v34, v14;
	v17 =	vld.idx.msk [tilespmem:v17+s10+$0x0], $0xffff  }
0x201: {  	v12 =	vadd.f32 v13, v12;
	v13 =	vld.idx.msk [tilespmem:v18+s11+$0x0], $0xffff  }
0x202: {  	v15 =	vmul.f32 v26, v15;
	v18 =	vld.idx.msk [tilespmem:v18+s10+$0x0], $0xffff  }
0x203: {  	v12 =	vadd.f32 v14, v12;
	v14 =	vld.idx.msk [tilespmem:v19+s11+$0x0], $0xffff  }
0x204: {  	v16 =	vmul.f32 v35, v16;
	v19 =	vld.idx.msk [tilespmem:v19+s10+$0x0], $0xffff  }
0x205: {  	v12 =	vadd.f32 v15, v12;
	v15 =	vld.idx.msk [tilespmem:v20+s11+$0x0], $0xffff  }
0x206: {  	v17 =	vmul.f32 v22, v17;
	v20 =	vld.idx.msk [tilespmem:v20+s10+$0x0], $0xffff  }
0x207: {  	v12 =	vadd.f32 v16, v12;
	v16 =	vld.idx.msk [tilespmem:v21+s11+$0x0], $0xffff  }
0x208: {  	v13 =	vmul.f32 v13, v18;
	v18 =	vld.idx.msk [tilespmem:v21+s10+$0x0], $0xffff  }
0x209: {  	v12 =	vadd.f32 v17, v12;
	v17 =	vld.idx.msk [tilespmem:v23+s11+$0x0], $0xffff  }
0x20a: {  	v14 =	vmul.f32 v14, v19;
	v19 =	vld.idx.msk [tilespmem:v23+s10+$0x0], $0xffff  }
0x20b: {  	v12 =	vadd.f32 v13, v12;
	v13 =	vld.idx.msk [tilespmem:v24+s11+$0x0], $0xffff  }
0x20c: {  	v15 =	vmul.f32 v15, v20;
	v20 =	vld.idx.msk [tilespmem:v24+s10+$0x0], $0xffff  }
0x20d: {  	v12 =	vadd.f32 v14, v12;
	v14 =	vld.idx.msk [tilespmem:v25+s11+$0x0], $0xffff  }
0x20e: {  	v16 =	vmul.f32 v16, v18;
	v18 =	vld.idx.msk [tilespmem:v25+s10+$0x0], $0xffff  }
0x20f: {  	v12 =	vadd.f32 v15, v12;
	v15 =	vld.idx.msk [tilespmem:v27+s11+$0x0], $0xffff  }
0x210: {  	v17 =	vmul.f32 v17, v19;
	v19 =	vld.idx.msk [tilespmem:v27+s10+$0x0], $0xffff  }
0x211: {  	v12 =	vadd.f32 v16, v12;
	v16 =	vld.idx.msk [tilespmem:v28+s11+$0x0], $0xffff  }
0x212: {  	v13 =	vmul.f32 v13, v20;
	v20 =	vld.idx.msk [tilespmem:v28+s10+$0x0], $0xffff  }
0x213: {  	v12 =	vadd.f32 v17, v12;
	v17 =	vld.idx.msk [tilespmem:v29+s11+$0x0], $0xffff  }
0x214: {  	v14 =	vmul.f32 v14, v18;
	v18 =	vld.idx.msk [tilespmem:v29+s10+$0x0], $0xffff  }
0x215: {  	v12 =	vadd.f32 v13, v12;
	v13 =	vld.idx.msk [tilespmem:v31+s11+$0x0], $0xffff  }
0x216: {  	v15 =	vmul.f32 v15, v19;
	v19 =	vld.idx.msk [tilespmem:v31+s10+$0x0], $0xffff  }
0x217: {  	v12 =	vadd.f32 v14, v12;
	v14 =	vld.idx.msk [tilespmem:v32+s11+$0x0], $0xffff  }
0x218: {  	v16 =	vmul.f32 v16, v20;
	v20 =	vld.idx.msk [tilespmem:v32+s10+$0x0], $0xffff  }
0x219: {  	v12 =	vadd.f32 v15, v12;
	v15 =	vld.idx.msk [tilespmem:v33+s11+$0x0], $0xffff  }
0x21a: {  	v17 =	vmul.f32 v17, v18;
	v18 =	vld.idx.msk [tilespmem:v33+s10+$0x0], $0xffff  }
0x21b: {  	v12 =	vadd.f32 v16, v12;
	v16 =	vld.idx.msk [tilespmem:v11+s11+$0x0], $0xffff  }
0x21c: {  	v13 =	vmul.f32 v13, v19;
	v11 =	vld.idx.msk [tilespmem:v11+s10+$0x0], $0xffff  }
0x21d: {  	v12 =	vadd.f32 v17, v12;
	v17 =	vld.idx.msk [tilespmem:v10+s11+$0x0], $0xffff  }
0x21e: {  	v14 =	vmul.f32 v14, v20;
	v10 =	vld.idx.msk [tilespmem:v10+s10+$0x0], $0xffff  }
0x21f: {  	v12 =	vadd.f32 v13, v12;
	v13 =	vld.idx.msk [tilespmem:v9+s11+$0x0], $0xffff  }
0x220: {  	v15 =	vmul.f32 v15, v18;
	v9 =	vld.idx.msk [tilespmem:v9+s10+$0x0], $0xffff  }
0x221: {  	v12 =	vadd.f32 v14, v12;
	v14 =	vld.idx.msk [tilespmem:v8+s11+$0x0], $0xffff  }
0x222: {  	v11 =	vmul.f32 v16, v11;
	v8 =	vld.idx.msk [tilespmem:v8+s10+$0x0], $0xffff  }
0x223: {  	v12 =	vadd.f32 v15, v12;
	v15 =	vld.idx.msk [tilespmem:v7+s11+$0x0], $0xffff  }
0x224: {  	v10 =	vmul.f32 v17, v10;
	v7 =	vld.idx.msk [tilespmem:v7+s10+$0x0], $0xffff  }
0x225: {  	v11 =	vadd.f32 v11, v12;
	v12 =	vld.idx.msk [tilespmem:v6+s11+$0x0], $0xffff  }
0x226: {  	v9 =	vmul.f32 v13, v9;
	v6 =	vld.idx.msk [tilespmem:v6+s10+$0x0], $0xffff  }
0x227: {  	v10 =	vadd.f32 v10, v11;
	v11 =	vld.idx.msk [tilespmem:v5+s11+$0x0], $0xffff  }
0x228: {  	v8 =	vmul.f32 v14, v8;
	v5 =	vld.idx.msk [tilespmem:v5+s10+$0x0], $0xffff  }
0x229: {  	v9 =	vadd.f32 v9, v10;
	v10 =	vld.idx.msk [tilespmem:v4+s11+$0x0], $0xffff  }
0x22a: {  	v7 =	vmul.f32 v15, v7;
	v4 =	vld.idx.msk [tilespmem:v4+s10+$0x0], $0xffff  }
0x22b: {  	v8 =	vadd.f32 v8, v9;
	v9 =	vld.idx.msk [tilespmem:v3+s11+$0x0], $0xffff  }
0x22c: {  	v6 =	vmul.f32 v12, v6;
	v3 =	vld.idx.msk [tilespmem:v3+s10+$0x0], $0xffff  }
0x22d: {  	v7 =	vadd.f32 v7, v8;
	v8 =	vld.idx.msk [tilespmem:v2+s11+$0x0], $0xffff  }
0x22e: {  	v5 =	vmul.f32 v11, v5;
	v2 =	vld.idx.msk [tilespmem:v2+s10+$0x0], $0xffff  }
0x22f: {  	v6 =	vadd.f32 v6, v7  }
0x230: {  	v4 =	vmul.f32 v10, v4  }
0x231: {  	v5 =	vadd.f32 v5, v6  }
0x232: {  	v3 =	vmul.f32 v9, v3  }
0x233: {  	v4 =	vadd.f32 v4, v5  }
0x234: {  	v2 =	vmul.f32 v8, v2  }
0x235: {  	v3 =	vadd.f32 v3, v4;
	_ =	sdelay $0x1  }
0x236: {  	v2 =	vadd.f32 v2, v3;
	_ =	sdelay $0x1  }
0x237: {  	v2 =	vsub.f32 $0.0e+00, v2;
	_ =	sdelay $0x1  }
0x238: {  	v2 =	vmul.f32 $1.442695020e+00, v2;
	_ =	sdelay $0x1  }
0x239: {  	(erf) = vpow2.f32 v2;
	_ =	sdelay $0x8  }
0x23a: {  	v2 =	vpop (erf)  }
0x23b: {  	v2 =	vadd.f32 $1.000000000e+00, v2;
	_ =	sdelay $0x1  }
0x23c: {  	(erf) = vrcp.f32 v2;
	_ =	sdelay $0x2  }
.Ltmp4:
0x23d: {  	v2 =	vmov s21;
	(pc) =	sbr.rel @!p1 .LBB2_10-.Ltmp4, $4  }
0x23e: {  	v2 =	vshll.u32 v2, $0x7  }
0x23f: {  	v2 =	vor.u32 v0, v2  }
0x240: {  	v2 =	vadd.s32 v1, v2  }
0x241: {  	v4 =	vor.u32 $0x1, v2;
	v3 =	vor.u32 $0x2, v2;
	v12 =	vor.u32 $0x3, v2  }
0x242: {  	_ =	sdelay $0x1  }
0x243: {  	v1 =	vpop (erf)  }
0x244: {  	[tilespmem:s20+$0x0] =	vst v1  }
0x245: {  	v1 =	vld.idx.msk [tilespmem:v2+s10+$0x0], $0xffff  }
0x246: {  	v5 =	vld.idx.msk [tilespmem:v2+s11+$0x0], $0xffff  }
0x247: {  	v6 =	vld.idx.msk [tilespmem:v4+s11+$0x0], $0xffff  }
0x248: {  	v7 =	vor.u32 $0x4, v2;
	v62 =	vld.idx.msk [tilespmem:v4+s10+$0x0], $0xffff  }
0x249: {  	v8 =	vld.idx.msk [tilespmem:v3+s11+$0x0], $0xffff  }
0x24a: {  	v9 =	vor.u32 $0x5, v2;
	v3 =	vld.idx.msk [tilespmem:v3+s10+$0x0], $0xffff  }
0x24b: {  	v10 =	vld.idx.msk [tilespmem:v12+s11+$0x0], $0xffff;
	v1 =	vmul.f32 v5, v1  }
0x24c: {  	v63 =	vor.u32 $0x6, v2;
	v11 =	vld.idx.msk [tilespmem:v12+s10+$0x0], $0xffff  }
0x24d: {  	v16 =	vld.idx.msk [tilespmem:v7+s11+$0x0], $0xffff;
	v4 =	vmul.f32 v6, v62;
	v1 =	vadd.f32 $0.0e+00, v1  }
0x24e: {  	v17 =	vor.u32 $0x7, v2;
	v7 =	vld.idx.msk [tilespmem:v7+s10+$0x0], $0xffff  }
0x24f: {  	v13 =	vld.idx.msk [tilespmem:v9+s11+$0x0], $0xffff;
	v3 =	vmul.f32 v8, v3;
	v1 =	vadd.f32 v4, v1  }
0x250: {  	v18 =	vor.u32 $0x8, v2;
	v19 =	vld.idx.msk [tilespmem:v9+s10+$0x0], $0xffff  }
0x251: {  	v20 =	vld.idx.msk [tilespmem:v63+s11+$0x0], $0xffff;
	v10 =	vmul.f32 v10, v11;
	v1 =	vadd.f32 v3, v1  }
0x252: {  	v5 =	vld.idx.msk [tilespmem:v63+s10+$0x0], $0xffff;
	v3 =	vor.u32 $0x9, v2  }
0x253: {  	v21 =	vld.idx.msk [tilespmem:v17+s11+$0x0], $0xffff;
	v7 =	vmul.f32 v16, v7;
	v1 =	vadd.f32 v10, v1  }
0x254: {  	v22 =	vor.u32 $0xA, v2;
	v6 =	vld.idx.msk [tilespmem:v17+s10+$0x0], $0xffff  }
0x255: {  	v23 =	vld.idx.msk [tilespmem:v18+s11+$0x0], $0xffff;
	v8 =	vmul.f32 v13, v19;
	v1 =	vadd.f32 v7, v1  }
0x256: {  	v24 =	vor.u32 $0xB, v2;
	v4 =	vld.idx.msk [tilespmem:v18+s10+$0x0], $0xffff  }
0x257: {  	v5 =	vmul.f32 v20, v5;
	v25 =	vld.idx.msk [tilespmem:v3+s11+$0x0], $0xffff;
	v1 =	vadd.f32 v8, v1  }
0x258: {  	v26 =	vor.u32 $0xC, v2;
	v3 =	vld.idx.msk [tilespmem:v3+s10+$0x0], $0xffff  }
0x259: {  	v27 =	vld.idx.msk [tilespmem:v22+s11+$0x0], $0xffff;
	v6 =	vmul.f32 v21, v6;
	v1 =	vadd.f32 v5, v1  }
0x25a: {  	v28 =	vor.u32 $0xD, v2;
	v10 =	vld.idx.msk [tilespmem:v22+s10+$0x0], $0xffff  }
0x25b: {  	v29 =	vld.idx.msk [tilespmem:v24+s11+$0x0], $0xffff;
	v4 =	vmul.f32 v23, v4;
	v1 =	vadd.f32 v6, v1  }
0x25c: {  	v30 =	vor.u32 $0xE, v2;
	v7 =	vld.idx.msk [tilespmem:v24+s10+$0x0], $0xffff  }
0x25d: {  	v31 =	vld.idx.msk [tilespmem:v26+s11+$0x0], $0xffff;
	v3 =	vmul.f32 v25, v3;
	v1 =	vadd.f32 v4, v1  }
0x25e: {  	v32 =	vor.u32 $0xF, v2;
	v8 =	vld.idx.msk [tilespmem:v26+s10+$0x0], $0xffff  }
0x25f: {  	v33 =	vld.idx.msk [tilespmem:v28+s11+$0x0], $0xffff;
	v9 =	vmul.f32 v27, v10;
	v1 =	vadd.f32 v3, v1  }
0x260: {  	v5 =	vld.idx.msk [tilespmem:v28+s10+$0x0], $0xffff;
	v3 =	vor.u32 $0x10, v2  }
0x261: {  	v34 =	vld.idx.msk [tilespmem:v30+s11+$0x0], $0xffff;
	v7 =	vmul.f32 v29, v7;
	v1 =	vadd.f32 v9, v1  }
0x262: {  	v35 =	vor.u32 $0x11, v2;
	v6 =	vld.idx.msk [tilespmem:v30+s10+$0x0], $0xffff  }
0x263: {  	v36 =	vld.idx.msk [tilespmem:v32+s11+$0x0], $0xffff;
	v8 =	vmul.f32 v31, v8;
	v1 =	vadd.f32 v7, v1  }
0x264: {  	v37 =	vor.u32 $0x12, v2;
	v4 =	vld.idx.msk [tilespmem:v32+s10+$0x0], $0xffff  }
0x265: {  	v5 =	vmul.f32 v33, v5;
	v38 =	vld.idx.msk [tilespmem:v3+s11+$0x0], $0xffff;
	v1 =	vadd.f32 v8, v1  }
0x266: {  	v39 =	vor.u32 $0x13, v2;
	v3 =	vld.idx.msk [tilespmem:v3+s10+$0x0], $0xffff  }
0x267: {  	v40 =	vld.idx.msk [tilespmem:v35+s11+$0x0], $0xffff;
	v6 =	vmul.f32 v34, v6;
	v1 =	vadd.f32 v5, v1  }
0x268: {  	v41 =	vor.u32 $0x14, v2;
	v9 =	vld.idx.msk [tilespmem:v35+s10+$0x0], $0xffff  }
0x269: {  	v42 =	vld.idx.msk [tilespmem:v37+s11+$0x0], $0xffff;
	v4 =	vmul.f32 v36, v4;
	v1 =	vadd.f32 v6, v1  }
0x26a: {  	v43 =	vor.u32 $0x15, v2;
	v7 =	vld.idx.msk [tilespmem:v37+s10+$0x0], $0xffff  }
0x26b: {  	v44 =	vld.idx.msk [tilespmem:v39+s11+$0x0], $0xffff;
	v3 =	vmul.f32 v38, v3;
	v1 =	vadd.f32 v4, v1  }
0x26c: {  	v45 =	vor.u32 $0x16, v2;
	v8 =	vld.idx.msk [tilespmem:v39+s10+$0x0], $0xffff  }
0x26d: {  	v46 =	vld.idx.msk [tilespmem:v41+s11+$0x0], $0xffff;
	v9 =	vmul.f32 v40, v9;
	v1 =	vadd.f32 v3, v1  }
0x26e: {  	v5 =	vld.idx.msk [tilespmem:v41+s10+$0x0], $0xffff;
	v3 =	vor.u32 $0x17, v2  }
0x26f: {  	v47 =	vld.idx.msk [tilespmem:v43+s11+$0x0], $0xffff;
	v7 =	vmul.f32 v42, v7;
	v1 =	vadd.f32 v9, v1  }
0x270: {  	v48 =	vor.u32 $0x18, v2;
	v6 =	vld.idx.msk [tilespmem:v43+s10+$0x0], $0xffff  }
0x271: {  	v49 =	vld.idx.msk [tilespmem:v45+s11+$0x0], $0xffff;
	v8 =	vmul.f32 v44, v8;
	v1 =	vadd.f32 v7, v1  }
0x272: {  	v50 =	vor.u32 $0x19, v2;
	v4 =	vld.idx.msk [tilespmem:v45+s10+$0x0], $0xffff  }
0x273: {  	v5 =	vmul.f32 v46, v5;
	v51 =	vld.idx.msk [tilespmem:v3+s11+$0x0], $0xffff;
	v1 =	vadd.f32 v8, v1  }
0x274: {  	v52 =	vor.u32 $0x1A, v2;
	v3 =	vld.idx.msk [tilespmem:v3+s10+$0x0], $0xffff  }
0x275: {  	v53 =	vld.idx.msk [tilespmem:v48+s11+$0x0], $0xffff;
	v6 =	vmul.f32 v47, v6;
	v1 =	vadd.f32 v5, v1  }
0x276: {  	v54 =	vor.u32 $0x1B, v2;
	v9 =	vld.idx.msk [tilespmem:v48+s10+$0x0], $0xffff  }
0x277: {  	v55 =	vld.idx.msk [tilespmem:v50+s11+$0x0], $0xffff;
	v4 =	vmul.f32 v49, v4;
	v1 =	vadd.f32 v6, v1  }
0x278: {  	v56 =	vor.u32 $0x1C, v2;
	v7 =	vld.idx.msk [tilespmem:v50+s10+$0x0], $0xffff  }
0x279: {  	v57 =	vld.idx.msk [tilespmem:v52+s11+$0x0], $0xffff;
	v3 =	vmul.f32 v51, v3;
	v1 =	vadd.f32 v4, v1  }
0x27a: {  	v58 =	vor.u32 $0x1D, v2;
	v8 =	vld.idx.msk [tilespmem:v52+s10+$0x0], $0xffff  }
0x27b: {  	v59 =	vld.idx.msk [tilespmem:v54+s11+$0x0], $0xffff;
	v9 =	vmul.f32 v53, v9;
	v1 =	vadd.f32 v3, v1  }
0x27c: {  	v5 =	vld.idx.msk [tilespmem:v54+s10+$0x0], $0xffff;
	v3 =	vor.u32 $0x1E, v2  }
0x27d: {  	v60 =	vld.idx.msk [tilespmem:v56+s11+$0x0], $0xffff;
	v7 =	vmul.f32 v55, v7;
	v1 =	vadd.f32 v9, v1  }
0x27e: {  	v6 =	vld.idx.msk [tilespmem:v56+s10+$0x0], $0xffff;
	v2 =	vor.u32 $0x1F, v2  }
0x27f: {  	v61 =	vld.idx.msk [tilespmem:v58+s11+$0x0], $0xffff;
	v8 =	vmul.f32 v57, v8;
	v1 =	vadd.f32 v7, v1  }
0x280: {  	v4 =	vld.idx.msk [tilespmem:v58+s10+$0x0], $0xffff  }
0x281: {  	v5 =	vmul.f32 v59, v5;
	v62 =	vld.idx.msk [tilespmem:v3+s11+$0x0], $0xffff;
	v1 =	vadd.f32 v8, v1  }
0x282: {  	v3 =	vld.idx.msk [tilespmem:v3+s10+$0x0], $0xffff  }
0x283: {  	v6 =	vmul.f32 v60, v6;
	v63 =	vld.idx.msk [tilespmem:v2+s11+$0x0], $0xffff;
	v1 =	vadd.f32 v5, v1  }
0x284: {  	v2 =	vld.idx.msk [tilespmem:v2+s10+$0x0], $0xffff  }
0x285: {  	v4 =	vmul.f32 v61, v4;
	v1 =	vadd.f32 v6, v1;
	_ =	sdelay $0x1  }
0x286: {  	v3 =	vmul.f32 v62, v3;
	v1 =	vadd.f32 v4, v1;
	_ =	sdelay $0x1  }
0x287: {  	v2 =	vmul.f32 v63, v2;
	v1 =	vadd.f32 v3, v1;
	_ =	sdelay $0x1  }
0x288: {  	v1 =	vadd.f32 v2, v1;
	_ =	sdelay $0x1  }
0x289: {  	v1 =	vsub.f32 $0.0e+00, v1;
	_ =	sdelay $0x1  }
0x28a: {  	v1 =	vmul.f32 $1.442695020e+00, v1;
	_ =	sdelay $0x1  }
0x28b: {  	(erf) = vpow2.f32 v1;
	_ =	sdelay $0x8  }
0x28c: {  	v1 =	vpop (erf)  }
0x28d: {  	v1 =	vadd.f32 $1.000000000e+00, v1;
	_ =	sdelay $0x1  }
0x28e: {  	(erf) = vrcp.f32 v1;
	_ =	sdelay $0x8  }
0x28f: {  	s0 =	sadd.s32 $0x10, s18;
	v1 =	vpop (erf)  }
0x290: {  	[tilespmem:s0+$0x0] =	vst v1  }
0x291: {  	p1 =	seq.s32 s5, $0x8  }
.Ltmp5:
0x292: {  	_ = 	snop;
	(pc) =	sbr.rel @!p1 .LBB2_5-.Ltmp5, $3  }
0x293: {  	_ =	sdelay $0x1  }
0x294: {  	p0 =	por !p0, !p0;
	s9 =	sadd.s32 $0x40, s9  }
0x295: {  	s3 =	sadd.s32 $0x40, s3;
	s2 =	sadd.s32 $0x40, s2;
	s6 =	smov.u32 s5  }
0x296: {  	s0 =	rddreg [dreg:$0x1d];
	s1 =	simm.s32 $0x8400;
	s2 =	simm.s32 $0x3  }
0x297: {  	[hbm4b:s0+s16] =	stream.linear.scatter [tilespmem:s1], [sflag:$0x3], $0x200, $0x38;
	[tilespmem:$0x8600] =	vst v63  }
0x298: {  	_ =	swait.ge [sflag:s2], $0x200  }
0x299: {  	s30 =	rddreg [dreg:$0x1f]  }
0x29a: {  	s31 =	rddreg [dreg:$0x1e];
	s1 =	sadd.s32 $0x1, s30  }
0x29b: {  	p0 =	sne.s32 s1, s31  }
.Ltmp6:
0x29c: {  	_ = 	snop;
	(pc) =	sbr.rel @p0 .LBB2_1-.Ltmp6, $3  }
0x29d: {  	_ =	sdelay $0x1  }
0x29e: {  	[sflag:s2] =	ssyncset.done $0x0  }
0x29f: {  	[sflag:s2] =	ssyncadd.s32 $0xFFFFFE00  }
0x2a0: {  	_ =	sfence.sel $0x180000  }
0x2a1: {  	[bflag:$0x0] =	sbarrier.arrive $0xFFFF  }
0x2a2: {  	_ =	strace $0x90000047  }
0x2a3: {  	s0 =	stileid.u32;
	[bflag:$0x2] =	sbarrier.arrive $0xFFFF  }
0x2a4: {  	p0 =	sne.s32 s0, $0x0;
	s0 =	rddreg [dreg:$0x4]  }
0x2a5: {  	s0 =	sadd.s32 @!p0 $0x100000, s0  }
0x2a6: {  	[sflag:s0] =	ssyncadd.tile.s32 @!p0 $0x1;
	_ =	shalt  }
.Lfunc_end2:
_tile_overlayer_lowered:
.L_overlay_start_2:
0x2a7: {  	(tag) =	ssettag $0x2  }
0x2a8: {  	s0 =	rddreg [dreg:$0x0];
	s2 =	stileid.u32  }
0x2a9: {  	s1 =	rddreg [dreg:$0x1];
	p0 =	sne.s32 s2, $0x0  }
0x2aa: {  	s3 =	rddreg [dreg:$0x2];
	[bflag:$0x3] =	sbarrier.arrive $0xFFFF;
	s2 =	simm.s32 @!p0 $0x1C03  }
0x2ab: {  	[timem:s3], [sflag:s2] =	dma.local @!p0 [hbm:s0], s1  }
0x2ac: {  	s0 =	simm.s32 @!p0 $0x3  }
0x2ad: {  	_ =	swait.ge @!p0 [sflag:s0], s1  }
0x2ae: {  	s1 =	ssub.s32 @!p0 $0x0, s1;
	[sflag:s0] =	ssyncset.done @!p0 $0x0  }
0x2af: {  	[sflag:s0] =	ssyncadd.s32 @!p0 s1  }
0x2b0: {  	[bflag:$0x3] =	sbarrier.arrive $0xFFFF  }
0x2b1: {  	_ =	shalt  }

</sc_bundles>
